<compile_context>
chip_gen: v7x
topology: tpu7x:2x2x1
jax: 0.10.2.dev20260603
libtpu: 0.0.44.dev20260713+nightly
codegen_flags: <defaults>
</compile_context>

<pallas_src>
import functools

import jax
import jax.numpy as jnp
from jax import lax
from jax.experimental import pallas as pl
from jax.experimental.pallas import tpu as pltpu
from jax.experimental.pallas import tpu_sc as plsc

_B = 4096
_G = 1024
_OD = 4
_XW = 2 * _G
_OW = _OD * _G
_NC, _NS = 2, 16
_NW = _NC * _NS
_RPW = _B // _NW
_RC = 4
_NB = 4
_NCHUNK = _RPW // _RC
_L = 16
_GC = _G // _L

_mesh = plsc.VectorSubcoreMesh(core_axis_name="c", subcore_axis_name="s")


@functools.partial(
    pl.kernel,
    out_type=jax.ShapeDtypeStruct((_B * _OW,), jnp.float32),
    mesh=_mesh,
    compiler_params=pltpu.CompilerParams(needs_layout_passes=False),
    scratch_types=(
        [pltpu.VMEM((_RC * _XW,), jnp.float32)] * _NB
        + [pltpu.VMEM((_RC * _OW,), jnp.float32)] * _NB
        + [pltpu.VMEM((_OD * _G,), jnp.float32)]
        + [pltpu.SemaphoreType.DMA] * (2 * _NB)
    ),
)
def _sc_act(x_hbm, p3_hbm, out_hbm, *scratch):
    xbufs = scratch[:_NB]
    obufs = scratch[_NB:2 * _NB]
    p3v = scratch[2 * _NB]
    sins = scratch[2 * _NB + 1:2 * _NB + 1 + _NB]
    souts = scratch[2 * _NB + 1 + _NB:]
    wid = lax.axis_index("s") * _NC + lax.axis_index("c")
    row0 = wid * _RPW
    pltpu.sync_copy(p3_hbm, p3v)
    iota = lax.iota(jnp.int32, _L)

    def in_dma(ci, b):
        base = row0 + ci * _RC
        return pltpu.make_async_copy(
            x_hbm.at[pl.ds(base * _XW, _RC * _XW)], xbufs[b], sins[b])

    def out_dma(ci, b):
        base = row0 + ci * _RC
        return pltpu.make_async_copy(
            obufs[b], out_hbm.at[pl.ds(base * _OW, _RC * _OW)], souts[b])

    pat_swap = iota ^ 1
    pat0 = (iota // 4) * 2
    pat1 = pat0 + 8

    def compute(xbuf, obuf):
        @plsc.parallel_loop(0, _GC, unroll=1)
        def gc_body(gc):
            colbase = gc * _L
            tabs = [p3v[pl.ds(colbase * _OD + j * _L, _L)] for j in range(4)]
            for r in range(_RC):
                xb = r * _XW + colbase * 2
                ob = r * _OW + colbase * _OD
                x0 = xbuf[pl.ds(xb, _L)]
                x1 = xbuf[pl.ds(xb + _L, _L)]
                m0 = jnp.maximum(x0, x0.at[pat_swap].get(
                    mode="promise_in_bounds"))
                m1 = jnp.maximum(x1, x1.at[pat_swap].get(
                    mode="promise_in_bounds"))
                obuf[pl.ds(ob, _L)] = m0.at[pat0].get(
                    mode="promise_in_bounds") * tabs[0]
                obuf[pl.ds(ob + _L, _L)] = m0.at[pat1].get(
                    mode="promise_in_bounds") * tabs[1]
                obuf[pl.ds(ob + 2 * _L, _L)] = m1.at[pat0].get(
                    mode="promise_in_bounds") * tabs[2]
                obuf[pl.ds(ob + 3 * _L, _L)] = m1.at[pat1].get(
                    mode="promise_in_bounds") * tabs[3]

    for b in range(_NB - 1):
        in_dma(b, b).start()

    def ring_body(cq, carry):
        for b in range(_NB):
            ci = cq * _NB + b
            in_dma(ci, b).wait()
            in_dma((ci + _NB - 1) % _NCHUNK, (b + _NB - 1) % _NB).start()

            @pl.when(cq >= 1)
            def _():
                out_dma(ci - _NB, b).wait()

            compute(xbufs[b], obufs[b])
            out_dma(ci, b).start()
        return carry

    lax.fori_loop(0, _NCHUNK // _NB, ring_body, 0)
    for b in range(_NB - 1):
        in_dma(b, b).wait()
    for b in range(_NB):
        out_dma(_NCHUNK - _NB + b, b).wait()


def kernel(X, params):
    p3t = params[:, 3, :].reshape(-1)
    out = _sc_act(X.reshape(-1), p3t)
    return out.reshape(_B, _OW)

# --- scband reference (transcript-rebuilt; emitter-appended) ---
"""Pipeline reference for scband-restricted-high-order-activation-a-85220741087982 (READ-ONLY COPY).

The authoritative reference and input builder live on the scoring server;
editing this copy changes nothing except your own understanding.
"""

import jax, jax.numpy as jnp
import numpy as np

ARITY = 2
INPUT_GROUPS = 1024
OUT_DIM = 4
BATCH = 4096


def setup_inputs(seed: int = 0) -> dict:
    key = jax.random.key(seed)
    kx, kp = jax.random.split(key)
    X = jax.random.uniform(kx, (BATCH, INPUT_GROUPS * ARITY), dtype=jnp.float32)
    params = jax.random.uniform(kp, (INPUT_GROUPS, 2 ** ARITY, OUT_DIM), dtype=jnp.float32)
    return {"X": X, "params": params}


def high_order_act(A, params):
    # A: [B, G, arity], params: [G, 2**arity, out_dim]
    A_ind = jnp.argsort(A, axis=2)
    A_sort = jnp.take_along_axis(A, A_ind, axis=2)
    A_diff = A_sort[:, :, 1:] - A_sort[:, :, :-1]
    coef = jnp.concatenate([A_sort[:, :, 0:1], A_diff], axis=2)  # [B, G, arity]
    pow2 = jnp.power(2, A_ind.astype(jnp.int32))
    params_A_ind = jnp.flip(jnp.cumsum(jnp.flip(pow2, axis=2), axis=2), axis=2)  # [B, G, arity]
    G = params.shape[0]
    ind0 = jnp.arange(G, dtype=jnp.int32)[:, None, None]  # [G,1,1]
    ind1 = jnp.transpose(params_A_ind, (1, 0, 2))  # [G, B, arity]
    params_gather = params[ind0, ind1, :]  # [G, B, arity, out_dim]
    out = jnp.einsum('jikl,ijk->ijl', params_gather, coef)  # [B, G, out_dim]
    return out


def reference(X, params):
    B = X.shape[0]
    X1 = X.reshape(B, INPUT_GROUPS, ARITY)
    out1 = high_order_act(X1, params)
    out = out1.reshape(B, INPUT_GROUPS * OUT_DIM)
    return out

if __name__ == "__main__":
    import jax
    _d = setup_inputs()
    print(jax.jit(kernel)(*tuple(_d.values())))

</pallas_src>

<mosaic_0001>
#map = affine_map<(d0, d1) -> (0)>
module attributes {stable_mosaic.version = 14 : i64} {
  func.func @_sc_act(%arg0: i32, %arg1: i32, %arg2: memref<8388608xf32, #tpu.memory_space<hbm>>, %arg3: memref<4096xf32, #tpu.memory_space<hbm>>, %arg4: memref<16777216xf32, #tpu.memory_space<hbm>>, %arg5: memref<8192xf32, #tpu.memory_space<vmem>>, %arg6: memref<8192xf32, #tpu.memory_space<vmem>>, %arg7: memref<8192xf32, #tpu.memory_space<vmem>>, %arg8: memref<8192xf32, #tpu.memory_space<vmem>>, %arg9: memref<16384xf32, #tpu.memory_space<vmem>>, %arg10: memref<16384xf32, #tpu.memory_space<vmem>>, %arg11: memref<16384xf32, #tpu.memory_space<vmem>>, %arg12: memref<16384xf32, #tpu.memory_space<vmem>>, %arg13: memref<4096xf32, #tpu.memory_space<vmem>>, %arg14: memref<!tpu.dma_semaphore, #tpu.memory_space<semaphore_mem>>, %arg15: memref<!tpu.dma_semaphore, #tpu.memory_space<semaphore_mem>>, %arg16: memref<!tpu.dma_semaphore, #tpu.memory_space<semaphore_mem>>, %arg17: memref<!tpu.dma_semaphore, #tpu.memory_space<semaphore_mem>>, %arg18: memref<!tpu.dma_semaphore, #tpu.memory_space<semaphore_mem>>, %arg19: memref<!tpu.dma_semaphore, #tpu.memory_space<semaphore_mem>>, %arg20: memref<!tpu.dma_semaphore, #tpu.memory_space<semaphore_mem>>, %arg21: memref<!tpu.dma_semaphore, #tpu.memory_space<semaphore_mem>>) attributes {dimension_semantics = [#tpu.dimension_semantics<core_parallel>, #tpu.dimension_semantics<subcore_parallel>], iteration_bounds = array<i64: 2, 16>, scalar_prefetch = 0 : i64, scratch_operands = 17 : i64, tpu.core_type = #tpu.core_type<sc_vector_subcore>, window_params = [{transform_indices = #map}, {transform_indices = #map}, {transform_indices = #map}]} {
    %mul3A = arith.constant 2 : i32
    %mul3A_0 = arith.muli %arg1, %mul3A : i32
    %add3A = arith.addi %mul3A_0, %arg0 : i32
    %mul3A_1 = arith.constant 128 : i32
    %mul3A_2 = arith.muli %add3A, %mul3A_1 : i32
    "tpu.region"() ({
      %run_scoped3A = tpu.sem_alloc : memref<!tpu.dma_semaphore, #tpu.memory_space<semaphore_mem>>
      tpu.enqueue_dma source(%arg3 : memref<4096xf32, #tpu.memory_space<hbm>>) target(%arg13 : memref<4096xf32, #tpu.memory_space<vmem>>) target_semaphore(%run_scoped3A : memref<!tpu.dma_semaphore, #tpu.memory_space<semaphore_mem>>)
      tpu.wait_dma2 semaphore(%run_scoped3A : memref<!tpu.dma_semaphore, #tpu.memory_space<semaphore_mem>>) src(%arg3 : memref<4096xf32, #tpu.memory_space<hbm>>) dst(%arg13 : memref<4096xf32, #tpu.memory_space<vmem>>)
      tpu.yield
    }) : () -> ()
    %iota3A = tpu.iota {dimensions = array<i32: 0>} : vector<16xi32>
    %xor3A = arith.constant 1 : i32
    %xor3A_3 = vector.broadcast %xor3A : i32 to vector<16xi32>
    %xor3A_4 = arith.xori %iota3A, %xor3A_3 : vector<16xi32>
    %jit3A = arith.constant 4 : i32
    %div3A = vector.broadcast %jit3A : i32 to vector<16xi32>
    %div3A_5 = arith.divsi %iota3A, %div3A : vector<16xi32>
    %sign3A = arith.constant 0 : i32
    %sign3A_6 = vector.broadcast %sign3A : i32 to vector<16xi32>
    %sign3A_7 = arith.cmpi sgt, %iota3A, %sign3A_6 : vector<16xi32>
    %sign3A_8 = arith.extui %sign3A_7 : vector<16xi1> to vector<16xi32>
    %sign3A_9 = arith.constant 0 : i32
    %sign3A_10 = vector.broadcast %sign3A_9 : i32 to vector<16xi32>
    %sign3A_11 = arith.cmpi slt, %iota3A, %sign3A_10 : vector<16xi32>
    %sign3A_12 = arith.extui %sign3A_11 : vector<16xi1> to vector<16xi32>
    %sign3A_13 = arith.subi %sign3A_8, %sign3A_12 : vector<16xi32>
    %sign3A_14 = arith.constant 0 : i32
    %sign3A_15 = arith.cmpi sgt, %jit3A, %sign3A_14 : i32
    %sign3A_16 = arith.extui %sign3A_15 : i1 to i32
    %sign3A_17 = arith.constant 0 : i32
    %sign3A_18 = arith.cmpi slt, %jit3A, %sign3A_17 : i32
    %sign3A_19 = arith.extui %sign3A_18 : i1 to i32
    %sign3A_20 = arith.subi %sign3A_16, %sign3A_19 : i32
    %ne3A = vector.broadcast %sign3A_20 : i32 to vector<16xi32>
    %ne3A_21 = arith.cmpi ne, %sign3A_13, %ne3A : vector<16xi32>
    %rem3A = vector.broadcast %jit3A : i32 to vector<16xi32>
    %rem3A_22 = arith.remsi %iota3A, %rem3A : vector<16xi32>
    %ne3A_23 = arith.constant 0 : i32
    %ne3A_24 = vector.broadcast %ne3A_23 : i32 to vector<16xi32>
    %ne3A_25 = arith.cmpi ne, %rem3A_22, %ne3A_24 : vector<16xi32>
    %and3A = arith.andi %ne3A_21, %ne3A_25 : vector<16xi1>
    %sub3A = arith.constant 1 : i32
    %sub3A_26 = vector.broadcast %sub3A : i32 to vector<16xi32>
    %sub3A_27 = arith.subi %div3A_5, %sub3A_26 : vector<16xi32>
    %select_n3A = arith.select %and3A, %sub3A_27, %div3A_5 : vector<16xi1>, vector<16xi32>
    %mul3A_28 = arith.constant 2 : i32
    %mul3A_29 = vector.broadcast %mul3A_28 : i32 to vector<16xi32>
    %mul3A_30 = arith.muli %select_n3A, %mul3A_29 : vector<16xi32>
    %add3A_31 = arith.constant 8 : i32
    %add3A_32 = vector.broadcast %add3A_31 : i32 to vector<16xi32>
    %add3A_33 = arith.addi %mul3A_30, %add3A_32 : vector<16xi32>
    %add3A_34 = arith.constant 0 : i32
    %add3A_35 = arith.addi %mul3A_2, %add3A_34 : i32
    %mul3A_36 = arith.constant 2048 : i32
    %mul3A_37 = arith.muli %add3A_35, %mul3A_36 : i32
    %dma_start3A = tpu.memref_slice %arg2[%mul3A_37] : memref<8388608xf32, #tpu.memory_space<hbm>> -> memref<8192xf32, #tpu.memory_space<hbm>>
    %dma_start3A_38 = tpu.memref_slice %arg2[%mul3A_37] : memref<8388608xf32, #tpu.memory_space<hbm>> -> memref<8192xf32, #tpu.memory_space<hbm>>
    tpu.enqueue_dma source(%dma_start3A_38 : memref<8192xf32, #tpu.memory_space<hbm>>) target(%arg5 : memref<8192xf32, #tpu.memory_space<vmem>>) target_semaphore(%arg14 : memref<!tpu.dma_semaphore, #tpu.memory_space<semaphore_mem>>)
    %add3A_39 = arith.constant 4 : i32
    %add3A_40 = arith.addi %mul3A_2, %add3A_39 : i32
    %mul3A_41 = arith.constant 2048 : i32
    %mul3A_42 = arith.muli %add3A_40, %mul3A_41 : i32
    %dma_start3A_43 = tpu.memref_slice %arg2[%mul3A_42] : memref<8388608xf32, #tpu.memory_space<hbm>> -> memref<8192xf32, #tpu.memory_space<hbm>>
    %dma_start3A_44 = tpu.memref_slice %arg2[%mul3A_42] : memref<8388608xf32, #tpu.memory_space<hbm>> -> memref<8192xf32, #tpu.memory_space<hbm>>
    tpu.enqueue_dma source(%dma_start3A_44 : memref<8192xf32, #tpu.memory_space<hbm>>) target(%arg6 : memref<8192xf32, #tpu.memory_space<vmem>>) target_semaphore(%arg15 : memref<!tpu.dma_semaphore, #tpu.memory_space<semaphore_mem>>)
    %add3A_45 = arith.constant 8 : i32
    %add3A_46 = arith.addi %mul3A_2, %add3A_45 : i32
    %mul3A_47 = arith.constant 2048 : i32
    %mul3A_48 = arith.muli %add3A_46, %mul3A_47 : i32
    %dma_start3A_49 = tpu.memref_slice %arg2[%mul3A_48] : memref<8388608xf32, #tpu.memory_space<hbm>> -> memref<8192xf32, #tpu.memory_space<hbm>>
    %dma_start3A_50 = tpu.memref_slice %arg2[%mul3A_48] : memref<8388608xf32, #tpu.memory_space<hbm>> -> memref<8192xf32, #tpu.memory_space<hbm>>
    tpu.enqueue_dma source(%dma_start3A_50 : memref<8192xf32, #tpu.memory_space<hbm>>) target(%arg7 : memref<8192xf32, #tpu.memory_space<vmem>>) target_semaphore(%arg16 : memref<!tpu.dma_semaphore, #tpu.memory_space<semaphore_mem>>)
    %scan3A = arith.constant 0 : i32
    %scan3A_51 = arith.constant 0 : i32
    %scan3A_52 = arith.constant 8 : i32
    %scan3A_53 = arith.addi %scan3A_51, %scan3A_52 : i32
    %scan3A_54 = arith.constant 1 : i32
    scf.for %scan3A_97 = %scan3A_51 to %scan3A_53 step %scan3A_54  : i32 {
      %mul3A_98 = arith.constant 4 : i32
      %mul3A_99 = arith.muli %scan3A_97, %mul3A_98 : i32
      %add3A_100 = arith.constant 0 : i32
      %add3A_101 = arith.addi %mul3A_99, %add3A_100 : i32
      %mul3A_102 = arith.constant 4 : i32
      %mul3A_103 = arith.muli %add3A_101, %mul3A_102 : i32
      %add3A_104 = arith.addi %mul3A_2, %mul3A_103 : i32
      %mul3A_105 = arith.constant 2048 : i32
      %mul3A_106 = arith.muli %add3A_104, %mul3A_105 : i32
      %dma_wait3A_107 = tpu.memref_slice %arg2[%mul3A_106] : memref<8388608xf32, #tpu.memory_space<hbm>> -> memref<8192xf32, #tpu.memory_space<hbm>>
      %dma_wait3A_108 = tpu.memref_slice %arg2[%mul3A_106] : memref<8388608xf32, #tpu.memory_space<hbm>> -> memref<8192xf32, #tpu.memory_space<hbm>>
      tpu.wait_dma2 semaphore(%arg14 : memref<!tpu.dma_semaphore, #tpu.memory_space<semaphore_mem>>) src(%dma_wait3A_108 : memref<8192xf32, #tpu.memory_space<hbm>>) dst(%arg5 : memref<8192xf32, #tpu.memory_space<vmem>>)
      %add3A_109 = arith.constant 4 : i32
      %add3A_110 = arith.addi %add3A_101, %add3A_109 : i32
      %sub3A_111 = arith.constant 1 : i32
      %sub3A_112 = arith.subi %add3A_110, %sub3A_111 : i32
      %jit3A_113 = arith.constant 32 : i32
      %eq3A = arith.constant 0 : i32
      %eq3A_114 = arith.cmpi eq, %jit3A_113, %eq3A : i32
      %jit3A_115 = arith.constant 1 : i32
      %select_n3A_116 = arith.select %eq3A_114, %jit3A_115, %jit3A_113 : i32
      %rem3A_117 = arith.remsi %sub3A_112, %select_n3A_116 : i32
      %ne3A_118 = arith.constant 0 : i32
      %ne3A_119 = arith.cmpi ne, %rem3A_117, %ne3A_118 : i32
      %lt3A = arith.constant 0 : i32
      %lt3A_120 = arith.cmpi slt, %rem3A_117, %lt3A : i32
      %lt3A_121 = arith.constant 0 : i32
      %lt3A_122 = arith.cmpi slt, %select_n3A_116, %lt3A_121 : i32
      %ne3A_123 = arith.xori %lt3A_120, %lt3A_122 : i1
      %and3A_124 = arith.andi %ne3A_123, %ne3A_119 : i1
      %add3A_125 = arith.addi %rem3A_117, %select_n3A_116 : i32
      %select_n3A_126 = arith.select %and3A_124, %add3A_125, %rem3A_117 : i32
      %mul3A_127 = arith.constant 4 : i32
      %mul3A_128 = arith.muli %select_n3A_126, %mul3A_127 : i32
      %add3A_129 = arith.addi %mul3A_2, %mul3A_128 : i32
      %mul3A_130 = arith.constant 2048 : i32
      %mul3A_131 = arith.muli %add3A_129, %mul3A_130 : i32
      %dma_start3A_132 = tpu.memref_slice %arg2[%mul3A_131] : memref<8388608xf32, #tpu.memory_space<hbm>> -> memref<8192xf32, #tpu.memory_space<hbm>>
      %dma_start3A_133 = tpu.memref_slice %arg2[%mul3A_131] : memref<8388608xf32, #tpu.memory_space<hbm>> -> memref<8192xf32, #tpu.memory_space<hbm>>
      tpu.enqueue_dma source(%dma_start3A_133 : memref<8192xf32, #tpu.memory_space<hbm>>) target(%arg8 : memref<8192xf32, #tpu.memory_space<vmem>>) target_semaphore(%arg17 : memref<!tpu.dma_semaphore, #tpu.memory_space<semaphore_mem>>)
      %ge3A = arith.constant 1 : i32
      %ge3A_134 = arith.cmpi sge, %scan3A_97, %ge3A : i32
      %convert_element_type3A = arith.extui %ge3A_134 : i1 to i32
      %cond3A = arith.constant 0 : i32
      %cond3A_135 = arith.cmpi ne, %convert_element_type3A, %cond3A : i32
      scf.if %cond3A_135 {
        %sub3A_304 = arith.constant 4 : i32
        %sub3A_305 = arith.subi %add3A_101, %sub3A_304 : i32
        %mul3A_306 = arith.constant 4 : i32
        %mul3A_307 = arith.muli %sub3A_305, %mul3A_306 : i32
        %add3A_308 = arith.addi %mul3A_2, %mul3A_307 : i32
        %mul3A_309 = arith.constant 4096 : i32
        %mul3A_310 = arith.muli %add3A_308, %mul3A_309 : i32
        %dma_wait3A_311 = tpu.memref_slice %arg4[%mul3A_310] : memref<16777216xf32, #tpu.memory_space<hbm>> -> memref<16384xf32, #tpu.memory_space<hbm>>
        %dma_wait3A_312 = tpu.memref_slice %arg4[%mul3A_310] : memref<16777216xf32, #tpu.memory_space<hbm>> -> memref<16384xf32, #tpu.memory_space<hbm>>
        tpu.wait_dma2 semaphore(%arg18 : memref<!tpu.dma_semaphore, #tpu.memory_space<semaphore_mem>>) src(%arg9 : memref<16384xf32, #tpu.memory_space<vmem>>) dst(%dma_wait3A_312 : memref<16384xf32, #tpu.memory_space<hbm>>)
      } else {
      }
      %parallel_loop3A = arith.constant 0 : i32
      %parallel_loop3A_136 = arith.constant 64 : i32
      %parallel_loop3A_137 = arith.constant 1 : i32
      scf.for %parallel_loop3A_304 = %parallel_loop3A to %parallel_loop3A_136 step %parallel_loop3A_137  : i32 {
        %parallel_loop3A_305 = arith.constant 16 : i32
        %parallel_loop3A_306 = arith.muli %parallel_loop3A_304, %parallel_loop3A_305 : i32
        %parallel_loop3A_307 = arith.constant 4 : i32
        %parallel_loop3A_308 = arith.muli %parallel_loop3A_306, %parallel_loop3A_307 : i32
        %parallel_loop3A_309 = arith.constant 0 : i32
        %parallel_loop3A_310 = arith.addi %parallel_loop3A_308, %parallel_loop3A_309 : i32
        %parallel_loop3A_311 = arith.index_cast %parallel_loop3A_310 : i32 to index
        %parallel_loop3A_312 = tpu.vector_load %arg13[%parallel_loop3A_311] {strides = array<i32>} : memref<4096xf32, #tpu.memory_space<vmem>>, vector<16xf32>,
        %parallel_loop3A_313 = arith.constant 4 : i32
        %parallel_loop3A_314 = arith.muli %parallel_loop3A_306, %parallel_loop3A_313 : i32
        %parallel_loop3A_315 = arith.constant 16 : i32
        %parallel_loop3A_316 = arith.addi %parallel_loop3A_314, %parallel_loop3A_315 : i32
        %parallel_loop3A_317 = arith.index_cast %parallel_loop3A_316 : i32 to index
        %parallel_loop3A_318 = tpu.vector_load %arg13[%parallel_loop3A_317] {strides = array<i32>} : memref<4096xf32, #tpu.memory_space<vmem>>, vector<16xf32>,
        %parallel_loop3A_319 = arith.constant 4 : i32
        %parallel_loop3A_320 = arith.muli %parallel_loop3A_306, %parallel_loop3A_319 : i32
        %parallel_loop3A_321 = arith.constant 32 : i32
        %parallel_loop3A_322 = arith.addi %parallel_loop3A_320, %parallel_loop3A_321 : i32
        %parallel_loop3A_323 = arith.index_cast %parallel_loop3A_322 : i32 to index
        %parallel_loop3A_324 = tpu.vector_load %arg13[%parallel_loop3A_323] {strides = array<i32>} : memref<4096xf32, #tpu.memory_space<vmem>>, vector<16xf32>,
        %parallel_loop3A_325 = arith.constant 4 : i32
        %parallel_loop3A_326 = arith.muli %parallel_loop3A_306, %parallel_loop3A_325 : i32
        %parallel_loop3A_327 = arith.constant 48 : i32
        %parallel_loop3A_328 = arith.addi %parallel_loop3A_326, %parallel_loop3A_327 : i32
        %parallel_loop3A_329 = arith.index_cast %parallel_loop3A_328 : i32 to index
        %parallel_loop3A_330 = tpu.vector_load %arg13[%parallel_loop3A_329] {strides = array<i32>} : memref<4096xf32, #tpu.memory_space<vmem>>, vector<16xf32>,
        %parallel_loop3A_331 = arith.constant 2 : i32
        %parallel_loop3A_332 = arith.muli %parallel_loop3A_306, %parallel_loop3A_331 : i32
        %parallel_loop3A_333 = arith.constant 0 : i32
        %parallel_loop3A_334 = arith.addi %parallel_loop3A_333, %parallel_loop3A_332 : i32
        %parallel_loop3A_335 = arith.constant 4 : i32
        %parallel_loop3A_336 = arith.muli %parallel_loop3A_306, %parallel_loop3A_335 : i32
        %parallel_loop3A_337 = arith.constant 0 : i32
        %parallel_loop3A_338 = arith.addi %parallel_loop3A_337, %parallel_loop3A_336 : i32
        %parallel_loop3A_339 = arith.index_cast %parallel_loop3A_334 : i32 to index
        %parallel_loop3A_340 = tpu.vector_load %arg5[%parallel_loop3A_339] {strides = array<i32>} : memref<8192xf32, #tpu.memory_space<vmem>>, vector<16xf32>,
        %parallel_loop3A_341 = arith.constant 16 : i32
        %parallel_loop3A_342 = arith.addi %parallel_loop3A_334, %parallel_loop3A_341 : i32
        %parallel_loop3A_343 = arith.index_cast %parallel_loop3A_342 : i32 to index
        %parallel_loop3A_344 = tpu.vector_load %arg5[%parallel_loop3A_343] {strides = array<i32>} : memref<8192xf32, #tpu.memory_space<vmem>>, vector<16xf32>,
        %parallel_loop3A_345 = arith.constant 0 : i32
        %parallel_loop3A_346 = vector.broadcast %parallel_loop3A_345 : i32 to vector<16xi32>
        %parallel_loop3A_347 = arith.cmpi slt, %xor3A_4, %parallel_loop3A_346 : vector<16xi32>
        %parallel_loop3A_348 = arith.constant 16 : i32
        %parallel_loop3A_349 = vector.broadcast %parallel_loop3A_348 : i32 to vector<16xi32>
        %parallel_loop3A_350 = arith.addi %xor3A_4, %parallel_loop3A_349 : vector<16xi32>
        %parallel_loop3A_351 = arith.select %parallel_loop3A_347, %parallel_loop3A_350, %xor3A_4 : vector<16xi1>, vector<16xi32>
        %parallel_loop3A_352 = vector.shape_cast %parallel_loop3A_351 : vector<16xi32> to vector<16x1xi32>
        %parallel_loop3A_353 = vector.shape_cast %parallel_loop3A_352 : vector<16x1xi32> to vector<16xi32>
        %parallel_loop3A_354 = tpu.dynamic_gather %parallel_loop3A_340[%parallel_loop3A_353] in [0] : vector<16xf32>, vector<16xi32> -> vector<16xf32>
        %parallel_loop3A_355 = arith.maximumf %parallel_loop3A_340, %parallel_loop3A_354 : vector<16xf32>
        %parallel_loop3A_356 = arith.constant 0 : i32
        %parallel_loop3A_357 = vector.broadcast %parallel_loop3A_356 : i32 to vector<16xi32>
        %parallel_loop3A_358 = arith.cmpi slt, %xor3A_4, %parallel_loop3A_357 : vector<16xi32>
        %parallel_loop3A_359 = arith.constant 16 : i32
        %parallel_loop3A_360 = vector.broadcast %parallel_loop3A_359 : i32 to vector<16xi32>
        %parallel_loop3A_361 = arith.addi %xor3A_4, %parallel_loop3A_360 : vector<16xi32>
        %parallel_loop3A_362 = arith.select %parallel_loop3A_358, %parallel_loop3A_361, %xor3A_4 : vector<16xi1>, vector<16xi32>
        %parallel_loop3A_363 = vector.shape_cast %parallel_loop3A_362 : vector<16xi32> to vector<16x1xi32>
        %parallel_loop3A_364 = vector.shape_cast %parallel_loop3A_363 : vector<16x1xi32> to vector<16xi32>
        %parallel_loop3A_365 = tpu.dynamic_gather %parallel_loop3A_344[%parallel_loop3A_364] in [0] : vector<16xf32>, vector<16xi32> -> vector<16xf32>
        %parallel_loop3A_366 = arith.maximumf %parallel_loop3A_344, %parallel_loop3A_365 : vector<16xf32>
        %parallel_loop3A_367 = arith.constant 0 : i32
        %parallel_loop3A_368 = vector.broadcast %parallel_loop3A_367 : i32 to vector<16xi32>
        %parallel_loop3A_369 = arith.cmpi slt, %mul3A_30, %parallel_loop3A_368 : vector<16xi32>
        %parallel_loop3A_370 = arith.constant 16 : i32
        %parallel_loop3A_371 = vector.broadcast %parallel_loop3A_370 : i32 to vector<16xi32>
        %parallel_loop3A_372 = arith.addi %mul3A_30, %parallel_loop3A_371 : vector<16xi32>
        %parallel_loop3A_373 = arith.select %parallel_loop3A_369, %parallel_loop3A_372, %mul3A_30 : vector<16xi1>, vector<16xi32>
        %parallel_loop3A_374 = vector.shape_cast %parallel_loop3A_373 : vector<16xi32> to vector<16x1xi32>
        %parallel_loop3A_375 = vector.shape_cast %parallel_loop3A_374 : vector<16x1xi32> to vector<16xi32>
        %parallel_loop3A_376 = tpu.dynamic_gather %parallel_loop3A_355[%parallel_loop3A_375] in [0] : vector<16xf32>, vector<16xi32> -> vector<16xf32>
        %parallel_loop3A_377 = arith.mulf %parallel_loop3A_376, %parallel_loop3A_312 : vector<16xf32>
        %parallel_loop3A_378 = arith.index_cast %parallel_loop3A_338 : i32 to index
        %parallel_loop3A_379 = tpu.vector_load %arg9[%parallel_loop3A_378] {strides = array<i32>} : memref<16384xf32, #tpu.memory_space<vmem>>, vector<16xf32>,
        tpu.vector_store %arg9[%parallel_loop3A_378], %parallel_loop3A_377 {strides = array<i32>} : memref<16384xf32, #tpu.memory_space<vmem>>, vector<16xf32>,
        %parallel_loop3A_380 = arith.constant 0 : i32
        %parallel_loop3A_381 = vector.broadcast %parallel_loop3A_380 : i32 to vector<16xi32>
        %parallel_loop3A_382 = arith.cmpi slt, %add3A_33, %parallel_loop3A_381 : vector<16xi32>
        %parallel_loop3A_383 = arith.constant 16 : i32
        %parallel_loop3A_384 = vector.broadcast %parallel_loop3A_383 : i32 to vector<16xi32>
        %parallel_loop3A_385 = arith.addi %add3A_33, %parallel_loop3A_384 : vector<16xi32>
        %parallel_loop3A_386 = arith.select %parallel_loop3A_382, %parallel_loop3A_385, %add3A_33 : vector<16xi1>, vector<16xi32>
        %parallel_loop3A_387 = vector.shape_cast %parallel_loop3A_386 : vector<16xi32> to vector<16x1xi32>
        %parallel_loop3A_388 = vector.shape_cast %parallel_loop3A_387 : vector<16x1xi32> to vector<16xi32>
        %parallel_loop3A_389 = tpu.dynamic_gather %parallel_loop3A_355[%parallel_loop3A_388] in [0] : vector<16xf32>, vector<16xi32> -> vector<16xf32>
        %parallel_loop3A_390 = arith.mulf %parallel_loop3A_389, %parallel_loop3A_318 : vector<16xf32>
        %parallel_loop3A_391 = arith.constant 16 : i32
        %parallel_loop3A_392 = arith.addi %parallel_loop3A_338, %parallel_loop3A_391 : i32
        %parallel_loop3A_393 = arith.index_cast %parallel_loop3A_392 : i32 to index
        %parallel_loop3A_394 = tpu.vector_load %arg9[%parallel_loop3A_393] {strides = array<i32>} : memref<16384xf32, #tpu.memory_space<vmem>>, vector<16xf32>,
        tpu.vector_store %arg9[%parallel_loop3A_393], %parallel_loop3A_390 {strides = array<i32>} : memref<16384xf32, #tpu.memory_space<vmem>>, vector<16xf32>,
        %parallel_loop3A_395 = arith.constant 0 : i32
        %parallel_loop3A_396 = vector.broadcast %parallel_loop3A_395 : i32 to vector<16xi32>
        %parallel_loop3A_397 = arith.cmpi slt, %mul3A_30, %parallel_loop3A_396 : vector<16xi32>
        %parallel_loop3A_398 = arith.constant 16 : i32
        %parallel_loop3A_399 = vector.broadcast %parallel_loop3A_398 : i32 to vector<16xi32>
        %parallel_loop3A_400 = arith.addi %mul3A_30, %parallel_loop3A_399 : vector<16xi32>
        %parallel_loop3A_401 = arith.select %parallel_loop3A_397, %parallel_loop3A_400, %mul3A_30 : vector<16xi1>, vector<16xi32>
        %parallel_loop3A_402 = vector.shape_cast %parallel_loop3A_401 : vector<16xi32> to vector<16x1xi32>
        %parallel_loop3A_403 = vector.shape_cast %parallel_loop3A_402 : vector<16x1xi32> to vector<16xi32>
        %parallel_loop3A_404 = tpu.dynamic_gather %parallel_loop3A_366[%parallel_loop3A_403] in [0] : vector<16xf32>, vector<16xi32> -> vector<16xf32>
        %parallel_loop3A_405 = arith.mulf %parallel_loop3A_404, %parallel_loop3A_324 : vector<16xf32>
        %parallel_loop3A_406 = arith.constant 32 : i32
        %parallel_loop3A_407 = arith.addi %parallel_loop3A_338, %parallel_loop3A_406 : i32
        %parallel_loop3A_408 = arith.index_cast %parallel_loop3A_407 : i32 to index
        %parallel_loop3A_409 = tpu.vector_load %arg9[%parallel_loop3A_408] {strides = array<i32>} : memref<16384xf32, #tpu.memory_space<vmem>>, vector<16xf32>,
        tpu.vector_store %arg9[%parallel_loop3A_408], %parallel_loop3A_405 {strides = array<i32>} : memref<16384xf32, #tpu.memory_space<vmem>>, vector<16xf32>,
        %parallel_loop3A_410 = arith.constant 0 : i32
        %parallel_loop3A_411 = vector.broadcast %parallel_loop3A_410 : i32 to vector<16xi32>
        %parallel_loop3A_412 = arith.cmpi slt, %add3A_33, %parallel_loop3A_411 : vector<16xi32>
        %parallel_loop3A_413 = arith.constant 16 : i32
        %parallel_loop3A_414 = vector.broadcast %parallel_loop3A_413 : i32 to vector<16xi32>
        %parallel_loop3A_415 = arith.addi %add3A_33, %parallel_loop3A_414 : vector<16xi32>
        %parallel_loop3A_416 = arith.select %parallel_loop3A_412, %parallel_loop3A_415, %add3A_33 : vector<16xi1>, vector<16xi32>
        %parallel_loop3A_417 = vector.shape_cast %parallel_loop3A_416 : vector<16xi32> to vector<16x1xi32>
        %parallel_loop3A_418 = vector.shape_cast %parallel_loop3A_417 : vector<16x1xi32> to vector<16xi32>
        %parallel_loop3A_419 = tpu.dynamic_gather %parallel_loop3A_366[%parallel_loop3A_418] in [0] : vector<16xf32>, vector<16xi32> -> vector<16xf32>
        %parallel_loop3A_420 = arith.mulf %parallel_loop3A_419, %parallel_loop3A_330 : vector<16xf32>
        %parallel_loop3A_421 = arith.constant 48 : i32
        %parallel_loop3A_422 = arith.addi %parallel_loop3A_338, %parallel_loop3A_421 : i32
        %parallel_loop3A_423 = arith.index_cast %parallel_loop3A_422 : i32 to index
        %parallel_loop3A_424 = tpu.vector_load %arg9[%parallel_loop3A_423] {strides = array<i32>} : memref<16384xf32, #tpu.memory_space<vmem>>, vector<16xf32>,
        tpu.vector_store %arg9[%parallel_loop3A_423], %parallel_loop3A_420 {strides = array<i32>} : memref<16384xf32, #tpu.memory_space<vmem>>, vector<16xf32>,
        %parallel_loop3A_425 = arith.constant 2 : i32
        %parallel_loop3A_426 = arith.muli %parallel_loop3A_306, %parallel_loop3A_425 : i32
        %parallel_loop3A_427 = arith.constant 2048 : i32
        %parallel_loop3A_428 = arith.addi %parallel_loop3A_427, %parallel_loop3A_426 : i32
        %parallel_loop3A_429 = arith.constant 4 : i32
        %parallel_loop3A_430 = arith.muli %parallel_loop3A_306, %parallel_loop3A_429 : i32
        %parallel_loop3A_431 = arith.constant 4096 : i32
        %parallel_loop3A_432 = arith.addi %parallel_loop3A_431, %parallel_loop3A_430 : i32
        %parallel_loop3A_433 = arith.index_cast %parallel_loop3A_428 : i32 to index
        %parallel_loop3A_434 = tpu.vector_load %arg5[%parallel_loop3A_433] {strides = array<i32>} : memref<8192xf32, #tpu.memory_space<vmem>>, vector<16xf32>,
        %parallel_loop3A_435 = arith.constant 16 : i32
        %parallel_loop3A_436 = arith.addi %parallel_loop3A_428, %parallel_loop3A_435 : i32
        %parallel_loop3A_437 = arith.index_cast %parallel_loop3A_436 : i32 to index
        %parallel_loop3A_438 = tpu.vector_load %arg5[%parallel_loop3A_437] {strides = array<i32>} : memref<8192xf32, #tpu.memory_space<vmem>>, vector<16xf32>,
        %parallel_loop3A_439 = arith.constant 0 : i32
        %parallel_loop3A_440 = vector.broadcast %parallel_loop3A_439 : i32 to vector<16xi32>
        %parallel_loop3A_441 = arith.cmpi slt, %xor3A_4, %parallel_loop3A_440 : vector<16xi32>
        %parallel_loop3A_442 = arith.constant 16 : i32
        %parallel_loop3A_443 = vector.broadcast %parallel_loop3A_442 : i32 to vector<16xi32>
        %parallel_loop3A_444 = arith.addi %xor3A_4, %parallel_loop3A_443 : vector<16xi32>
        %parallel_loop3A_445 = arith.select %parallel_loop3A_441, %parallel_loop3A_444, %xor3A_4 : vector<16xi1>, vector<16xi32>
        %parallel_loop3A_446 = vector.shape_cast %parallel_loop3A_445 : vector<16xi32> to vector<16x1xi32>
        %parallel_loop3A_447 = vector.shape_cast %parallel_loop3A_446 : vector<16x1xi32> to vector<16xi32>
        %parallel_loop3A_448 = tpu.dynamic_gather %parallel_loop3A_434[%parallel_loop3A_447] in [0] : vector<16xf32>, vector<16xi32> -> vector<16xf32>
        %parallel_loop3A_449 = arith.maximumf %parallel_loop3A_434, %parallel_loop3A_448 : vector<16xf32>
        %parallel_loop3A_450 = arith.constant 0 : i32
        %parallel_loop3A_451 = vector.broadcast %parallel_loop3A_450 : i32 to vector<16xi32>
        %parallel_loop3A_452 = arith.cmpi slt, %xor3A_4, %parallel_loop3A_451 : vector<16xi32>
        %parallel_loop3A_453 = arith.constant 16 : i32
        %parallel_loop3A_454 = vector.broadcast %parallel_loop3A_453 : i32 to vector<16xi32>
        %parallel_loop3A_455 = arith.addi %xor3A_4, %parallel_loop3A_454 : vector<16xi32>
        %parallel_loop3A_456 = arith.select %parallel_loop3A_452, %parallel_loop3A_455, %xor3A_4 : vector<16xi1>, vector<16xi32>
        %parallel_loop3A_457 = vector.shape_cast %parallel_loop3A_456 : vector<16xi32> to vector<16x1xi32>
        %parallel_loop3A_458 = vector.shape_cast %parallel_loop3A_457 : vector<16x1xi32> to vector<16xi32>
        %parallel_loop3A_459 = tpu.dynamic_gather %parallel_loop3A_438[%parallel_loop3A_458] in [0] : vector<16xf32>, vector<16xi32> -> vector<16xf32>
        %parallel_loop3A_460 = arith.maximumf %parallel_loop3A_438, %parallel_loop3A_459 : vector<16xf32>
        %parallel_loop3A_461 = arith.constant 0 : i32
        %parallel_loop3A_462 = vector.broadcast %parallel_loop3A_461 : i32 to vector<16xi32>
        %parallel_loop3A_463 = arith.cmpi slt, %mul3A_30, %parallel_loop3A_462 : vector<16xi32>
        %parallel_loop3A_464 = arith.constant 16 : i32
        %parallel_loop3A_465 = vector.broadcast %parallel_loop3A_464 : i32 to vector<16xi32>
        %parallel_loop3A_466 = arith.addi %mul3A_30, %parallel_loop3A_465 : vector<16xi32>
        %parallel_loop3A_467 = arith.select %parallel_loop3A_463, %parallel_loop3A_466, %mul3A_30 : vector<16xi1>, vector<16xi32>
        %parallel_loop3A_468 = vector.shape_cast %parallel_loop3A_467 : vector<16xi32> to vector<16x1xi32>
        %parallel_loop3A_469 = vector.shape_cast %parallel_loop3A_468 : vector<16x1xi32> to vector<16xi32>
        %parallel_loop3A_470 = tpu.dynamic_gather %parallel_loop3A_449[%parallel_loop3A_469] in [0] : vector<16xf32>, vector<16xi32> -> vector<16xf32>
        %parallel_loop3A_471 = arith.mulf %parallel_loop3A_470, %parallel_loop3A_312 : vector<16xf32>
        %parallel_loop3A_472 = arith.index_cast %parallel_loop3A_432 : i32 to index
        %parallel_loop3A_473 = tpu.vector_load %arg9[%parallel_loop3A_472] {strides = array<i32>} : memref<16384xf32, #tpu.memory_space<vmem>>, vector<16xf32>,
        tpu.vector_store %arg9[%parallel_loop3A_472], %parallel_loop3A_471 {strides = array<i32>} : memref<16384xf32, #tpu.memory_space<vmem>>, vector<16xf32>,
        %parallel_loop3A_474 = arith.constant 0 : i32
        %parallel_loop3A_475 = vector.broadcast %parallel_loop3A_474 : i32 to vector<16xi32>
        %parallel_loop3A_476 = arith.cmpi slt, %add3A_33, %parallel_loop3A_475 : vector<16xi32>
        %parallel_loop3A_477 = arith.constant 16 : i32
        %parallel_loop3A_478 = vector.broadcast %parallel_loop3A_477 : i32 to vector<16xi32>
        %parallel_loop3A_479 = arith.addi %add3A_33, %parallel_loop3A_478 : vector<16xi32>
        %parallel_loop3A_480 = arith.select %parallel_loop3A_476, %parallel_loop3A_479, %add3A_33 : vector<16xi1>, vector<16xi32>
        %parallel_loop3A_481 = vector.shape_cast %parallel_loop3A_480 : vector<16xi32> to vector<16x1xi32>
        %parallel_loop3A_482 = vector.shape_cast %parallel_loop3A_481 : vector<16x1xi32> to vector<16xi32>
        %parallel_loop3A_483 = tpu.dynamic_gather %parallel_loop3A_449[%parallel_loop3A_482] in [0] : vector<16xf32>, vector<16xi32> -> vector<16xf32>
        %parallel_loop3A_484 = arith.mulf %parallel_loop3A_483, %parallel_loop3A_318 : vector<16xf32>
        %parallel_loop3A_485 = arith.constant 16 : i32
        %parallel_loop3A_486 = arith.addi %parallel_loop3A_432, %parallel_loop3A_485 : i32
        %parallel_loop3A_487 = arith.index_cast %parallel_loop3A_486 : i32 to index
        %parallel_loop3A_488 = tpu.vector_load %arg9[%parallel_loop3A_487] {strides = array<i32>} : memref<16384xf32, #tpu.memory_space<vmem>>, vector<16xf32>,
        tpu.vector_store %arg9[%parallel_loop3A_487], %parallel_loop3A_484 {strides = array<i32>} : memref<16384xf32, #tpu.memory_space<vmem>>, vector<16xf32>,
        %parallel_loop3A_489 = arith.constant 0 : i32
        %parallel_loop3A_490 = vector.broadcast %parallel_loop3A_489 : i32 to vector<16xi32>
        %parallel_loop3A_491 = arith.cmpi slt, %mul3A_30, %parallel_loop3A_490 : vector<16xi32>
        %parallel_loop3A_492 = arith.constant 16 : i32
        %parallel_loop3A_493 = vector.broadcast %parallel_loop3A_492 : i32 to vector<16xi32>
        %parallel_loop3A_494 = arith.addi %mul3A_30, %parallel_loop3A_493 : vector<16xi32>
        %parallel_loop3A_495 = arith.select %parallel_loop3A_491, %parallel_loop3A_494, %mul3A_30 : vector<16xi1>, vector<16xi32>
        %parallel_loop3A_496 = vector.shape_cast %parallel_loop3A_495 : vector<16xi32> to vector<16x1xi32>
        %parallel_loop3A_497 = vector.shape_cast %parallel_loop3A_496 : vector<16x1xi32> to vector<16xi32>
        %parallel_loop3A_498 = tpu.dynamic_gather %parallel_loop3A_460[%parallel_loop3A_497] in [0] : vector<16xf32>, vector<16xi32> -> vector<16xf32>
        %parallel_loop3A_499 = arith.mulf %parallel_loop3A_498, %parallel_loop3A_324 : vector<16xf32>
        %parallel_loop3A_500 = arith.constant 32 : i32
        %parallel_loop3A_501 = arith.addi %parallel_loop3A_432, %parallel_loop3A_500 : i32
        %parallel_loop3A_502 = arith.index_cast %parallel_loop3A_501 : i32 to index
        %parallel_loop3A_503 = tpu.vector_load %arg9[%parallel_loop3A_502] {strides = array<i32>} : memref<16384xf32, #tpu.memory_space<vmem>>, vector<16xf32>,
        tpu.vector_store %arg9[%parallel_loop3A_502], %parallel_loop3A_499 {strides = array<i32>} : memref<16384xf32, #tpu.memory_space<vmem>>, vector<16xf32>,
        %parallel_loop3A_504 = arith.constant 0 : i32
        %parallel_loop3A_505 = vector.broadcast %parallel_loop3A_504 : i32 to vector<16xi32>
        %parallel_loop3A_506 = arith.cmpi slt, %add3A_33, %parallel_loop3A_505 : vector<16xi32>
        %parallel_loop3A_507 = arith.constant 16 : i32
        %parallel_loop3A_508 = vector.broadcast %parallel_loop3A_507 : i32 to vector<16xi32>
        %parallel_loop3A_509 = arith.addi %add3A_33, %parallel_loop3A_508 : vector<16xi32>
        %parallel_loop3A_510 = arith.select %parallel_loop3A_506, %parallel_loop3A_509, %add3A_33 : vector<16xi1>, vector<16xi32>
        %parallel_loop3A_511 = vector.shape_cast %parallel_loop3A_510 : vector<16xi32> to vector<16x1xi32>
        %parallel_loop3A_512 = vector.shape_cast %parallel_loop3A_511 : vector<16x1xi32> to vector<16xi32>
        %parallel_loop3A_513 = tpu.dynamic_gather %parallel_loop3A_460[%parallel_loop3A_512] in [0] : vector<16xf32>, vector<16xi32> -> vector<16xf32>
        %parallel_loop3A_514 = arith.mulf %parallel_loop3A_513, %parallel_loop3A_330 : vector<16xf32>
        %parallel_loop3A_515 = arith.constant 48 : i32
        %parallel_loop3A_516 = arith.addi %parallel_loop3A_432, %parallel_loop3A_515 : i32
        %parallel_loop3A_517 = arith.index_cast %parallel_loop3A_516 : i32 to index
        %parallel_loop3A_518 = tpu.vector_load %arg9[%parallel_loop3A_517] {strides = array<i32>} : memref<16384xf32, #tpu.memory_space<vmem>>, vector<16xf32>,
        tpu.vector_store %arg9[%parallel_loop3A_517], %parallel_loop3A_514 {strides = array<i32>} : memref<16384xf32, #tpu.memory_space<vmem>>, vector<16xf32>,
        %parallel_loop3A_519 = arith.constant 2 : i32
        %parallel_loop3A_520 = arith.muli %parallel_loop3A_306, %parallel_loop3A_519 : i32
        %parallel_loop3A_521 = arith.constant 4096 : i32
        %parallel_loop3A_522 = arith.addi %parallel_loop3A_521, %parallel_loop3A_520 : i32
        %parallel_loop3A_523 = arith.constant 4 : i32
        %parallel_loop3A_524 = arith.muli %parallel_loop3A_306, %parallel_loop3A_523 : i32
        %parallel_loop3A_525 = arith.constant 8192 : i32
        %parallel_loop3A_526 = arith.addi %parallel_loop3A_525, %parallel_loop3A_524 : i32
        %parallel_loop3A_527 = arith.index_cast %parallel_loop3A_522 : i32 to index
        %parallel_loop3A_528 = tpu.vector_load %arg5[%parallel_loop3A_527] {strides = array<i32>} : memref<8192xf32, #tpu.memory_space<vmem>>, vector<16xf32>,
        %parallel_loop3A_529 = arith.constant 16 : i32
        %parallel_loop3A_530 = arith.addi %parallel_loop3A_522, %parallel_loop3A_529 : i32
        %parallel_loop3A_531 = arith.index_cast %parallel_loop3A_530 : i32 to index
        %parallel_loop3A_532 = tpu.vector_load %arg5[%parallel_loop3A_531] {strides = array<i32>} : memref<8192xf32, #tpu.memory_space<vmem>>, vector<16xf32>,
        %parallel_loop3A_533 = arith.constant 0 : i32
        %parallel_loop3A_534 = vector.broadcast %parallel_loop3A_533 : i32 to vector<16xi32>
        %parallel_loop3A_535 = arith.cmpi slt, %xor3A_4, %parallel_loop3A_534 : vector<16xi32>
        %parallel_loop3A_536 = arith.constant 16 : i32
        %parallel_loop3A_537 = vector.broadcast %parallel_loop3A_536 : i32 to vector<16xi32>
        %parallel_loop3A_538 = arith.addi %xor3A_4, %parallel_loop3A_537 : vector<16xi32>
        %parallel_loop3A_539 = arith.select %parallel_loop3A_535, %parallel_loop3A_538, %xor3A_4 : vector<16xi1>, vector<16xi32>
        %parallel_loop3A_540 = vector.shape_cast %parallel_loop3A_539 : vector<16xi32> to vector<16x1xi32>
        %parallel_loop3A_541 = vector.shape_cast %parallel_loop3A_540 : vector<16x1xi32> to vector<16xi32>
        %parallel_loop3A_542 = tpu.dynamic_gather %parallel_loop3A_528[%parallel_loop3A_541] in [0] : vector<16xf32>, vector<16xi32> -> vector<16xf32>
        %parallel_loop3A_543 = arith.maximumf %parallel_loop3A_528, %parallel_loop3A_542 : vector<16xf32>
        %parallel_loop3A_544 = arith.constant 0 : i32
        %parallel_loop3A_545 = vector.broadcast %parallel_loop3A_544 : i32 to vector<16xi32>
        %parallel_loop3A_546 = arith.cmpi slt, %xor3A_4, %parallel_loop3A_545 : vector<16xi32>
        %parallel_loop3A_547 = arith.constant 16 : i32
        %parallel_loop3A_548 = vector.broadcast %parallel_loop3A_547 : i32 to vector<16xi32>
        %parallel_loop3A_549 = arith.addi %xor3A_4, %parallel_loop3A_548 : vector<16xi32>
        %parallel_loop3A_550 = arith.select %parallel_loop3A_546, %parallel_loop3A_549, %xor3A_4 : vector<16xi1>, vector<16xi32>
        %parallel_loop3A_551 = vector.shape_cast %parallel_loop3A_550 : vector<16xi32> to vector<16x1xi32>
        %parallel_loop3A_552 = vector.shape_cast %parallel_loop3A_551 : vector<16x1xi32> to vector<16xi32>
        %parallel_loop3A_553 = tpu.dynamic_gather %parallel_loop3A_532[%parallel_loop3A_552] in [0] : vector<16xf32>, vector<16xi32> -> vector<16xf32>
        %parallel_loop3A_554 = arith.maximumf %parallel_loop3A_532, %parallel_loop3A_553 : vector<16xf32>
        %parallel_loop3A_555 = arith.constant 0 : i32
        %parallel_loop3A_556 = vector.broadcast %parallel_loop3A_555 : i32 to vector<16xi32>
        %parallel_loop3A_557 = arith.cmpi slt, %mul3A_30, %parallel_loop3A_556 : vector<16xi32>
        %parallel_loop3A_558 = arith.constant 16 : i32
        %parallel_loop3A_559 = vector.broadcast %parallel_loop3A_558 : i32 to vector<16xi32>
        %parallel_loop3A_560 = arith.addi %mul3A_30, %parallel_loop3A_559 : vector<16xi32>
        %parallel_loop3A_561 = arith.select %parallel_loop3A_557, %parallel_loop3A_560, %mul3A_30 : vector<16xi1>, vector<16xi32>
        %parallel_loop3A_562 = vector.shape_cast %parallel_loop3A_561 : vector<16xi32> to vector<16x1xi32>
        %parallel_loop3A_563 = vector.shape_cast %parallel_loop3A_562 : vector<16x1xi32> to vector<16xi32>
        %parallel_loop3A_564 = tpu.dynamic_gather %parallel_loop3A_543[%parallel_loop3A_563] in [0] : vector<16xf32>, vector<16xi32> -> vector<16xf32>
        %parallel_loop3A_565 = arith.mulf %parallel_loop3A_564, %parallel_loop3A_312 : vector<16xf32>
        %parallel_loop3A_566 = arith.index_cast %parallel_loop3A_526 : i32 to index
        %parallel_loop3A_567 = tpu.vector_load %arg9[%parallel_loop3A_566] {strides = array<i32>} : memref<16384xf32, #tpu.memory_space<vmem>>, vector<16xf32>,
        tpu.vector_store %arg9[%parallel_loop3A_566], %parallel_loop3A_565 {strides = array<i32>} : memref<16384xf32, #tpu.memory_space<vmem>>, vector<16xf32>,
        %parallel_loop3A_568 = arith.constant 0 : i32
        %parallel_loop3A_569 = vector.broadcast %parallel_loop3A_568 : i32 to vector<16xi32>
        %parallel_loop3A_570 = arith.cmpi slt, %add3A_33, %parallel_loop3A_569 : vector<16xi32>
        %parallel_loop3A_571 = arith.constant 16 : i32
        %parallel_loop3A_572 = vector.broadcast %parallel_loop3A_571 : i32 to vector<16xi32>
        %parallel_loop3A_573 = arith.addi %add3A_33, %parallel_loop3A_572 : vector<16xi32>
        %parallel_loop3A_574 = arith.select %parallel_loop3A_570, %parallel_loop3A_573, %add3A_33 : vector<16xi1>, vector<16xi32>
        %parallel_loop3A_575 = vector.shape_cast %parallel_loop3A_574 : vector<16xi32> to vector<16x1xi32>
        %parallel_loop3A_576 = vector.shape_cast %parallel_loop3A_575 : vector<16x1xi32> to vector<16xi32>
        %parallel_loop3A_577 = tpu.dynamic_gather %parallel_loop3A_543[%parallel_loop3A_576] in [0] : vector<16xf32>, vector<16xi32> -> vector<16xf32>
        %parallel_loop3A_578 = arith.mulf %parallel_loop3A_577, %parallel_loop3A_318 : vector<16xf32>
        %parallel_loop3A_579 = arith.constant 16 : i32
        %parallel_loop3A_580 = arith.addi %parallel_loop3A_526, %parallel_loop3A_579 : i32
        %parallel_loop3A_581 = arith.index_cast %parallel_loop3A_580 : i32 to index
        %parallel_loop3A_582 = tpu.vector_load %arg9[%parallel_loop3A_581] {strides = array<i32>} : memref<16384xf32, #tpu.memory_space<vmem>>, vector<16xf32>,
        tpu.vector_store %arg9[%parallel_loop3A_581], %parallel_loop3A_578 {strides = array<i32>} : memref<16384xf32, #tpu.memory_space<vmem>>, vector<16xf32>,
        %parallel_loop3A_583 = arith.constant 0 : i32
        %parallel_loop3A_584 = vector.broadcast %parallel_loop3A_583 : i32 to vector<16xi32>
        %parallel_loop3A_585 = arith.cmpi slt, %mul3A_30, %parallel_loop3A_584 : vector<16xi32>
        %parallel_loop3A_586 = arith.constant 16 : i32
        %parallel_loop3A_587 = vector.broadcast %parallel_loop3A_586 : i32 to vector<16xi32>
        %parallel_loop3A_588 = arith.addi %mul3A_30, %parallel_loop3A_587 : vector<16xi32>
        %parallel_loop3A_589 = arith.select %parallel_loop3A_585, %parallel_loop3A_588, %mul3A_30 : vector<16xi1>, vector<16xi32>
        %parallel_loop3A_590 = vector.shape_cast %parallel_loop3A_589 : vector<16xi32> to vector<16x1xi32>
        %parallel_loop3A_591 = vector.shape_cast %parallel_loop3A_590 : vector<16x1xi32> to vector<16xi32>
        %parallel_loop3A_592 = tpu.dynamic_gather %parallel_loop3A_554[%parallel_loop3A_591] in [0] : vector<16xf32>, vector<16xi32> -> vector<16xf32>
        %parallel_loop3A_593 = arith.mulf %parallel_loop3A_592, %parallel_loop3A_324 : vector<16xf32>
        %parallel_loop3A_594 = arith.constant 32 : i32
        %parallel_loop3A_595 = arith.addi %parallel_loop3A_526, %parallel_loop3A_594 : i32
        %parallel_loop3A_596 = arith.index_cast %parallel_loop3A_595 : i32 to index
        %parallel_loop3A_597 = tpu.vector_load %arg9[%parallel_loop3A_596] {strides = array<i32>} : memref<16384xf32, #tpu.memory_space<vmem>>, vector<16xf32>,
        tpu.vector_store %arg9[%parallel_loop3A_596], %parallel_loop3A_593 {strides = array<i32>} : memref<16384xf32, #tpu.memory_space<vmem>>, vector<16xf32>,
        %parallel_loop3A_598 = arith.constant 0 : i32
        %parallel_loop3A_599 = vector.broadcast %parallel_loop3A_598 : i32 to vector<16xi32>
        %parallel_loop3A_600 = arith.cmpi slt, %add3A_33, %parallel_loop3A_599 : vector<16xi32>
        %parallel_loop3A_601 = arith.constant 16 : i32
        %parallel_loop3A_602 = vector.broadcast %parallel_loop3A_601 : i32 to vector<16xi32>
        %parallel_loop3A_603 = arith.addi %add3A_33, %parallel_loop3A_602 : vector<16xi32>
        %parallel_loop3A_604 = arith.select %parallel_loop3A_600, %parallel_loop3A_603, %add3A_33 : vector<16xi1>, vector<16xi32>
        %parallel_loop3A_605 = vector.shape_cast %parallel_loop3A_604 : vector<16xi32> to vector<16x1xi32>
        %parallel_loop3A_606 = vector.shape_cast %parallel_loop3A_605 : vector<16x1xi32> to vector<16xi32>
        %parallel_loop3A_607 = tpu.dynamic_gather %parallel_loop3A_554[%parallel_loop3A_606] in [0] : vector<16xf32>, vector<16xi32> -> vector<16xf32>
        %parallel_loop3A_608 = arith.mulf %parallel_loop3A_607, %parallel_loop3A_330 : vector<16xf32>
        %parallel_loop3A_609 = arith.constant 48 : i32
        %parallel_loop3A_610 = arith.addi %parallel_loop3A_526, %parallel_loop3A_609 : i32
        %parallel_loop3A_611 = arith.index_cast %parallel_loop3A_610 : i32 to index
        %parallel_loop3A_612 = tpu.vector_load %arg9[%parallel_loop3A_611] {strides = array<i32>} : memref<16384xf32, #tpu.memory_space<vmem>>, vector<16xf32>,
        tpu.vector_store %arg9[%parallel_loop3A_611], %parallel_loop3A_608 {strides = array<i32>} : memref<16384xf32, #tpu.memory_space<vmem>>, vector<16xf32>,
        %parallel_loop3A_613 = arith.constant 2 : i32
        %parallel_loop3A_614 = arith.muli %parallel_loop3A_306, %parallel_loop3A_613 : i32
        %parallel_loop3A_615 = arith.constant 6144 : i32
        %parallel_loop3A_616 = arith.addi %parallel_loop3A_615, %parallel_loop3A_614 : i32
        %parallel_loop3A_617 = arith.constant 4 : i32
        %parallel_loop3A_618 = arith.muli %parallel_loop3A_306, %parallel_loop3A_617 : i32
        %parallel_loop3A_619 = arith.constant 12288 : i32
        %parallel_loop3A_620 = arith.addi %parallel_loop3A_619, %parallel_loop3A_618 : i32
        %parallel_loop3A_621 = arith.index_cast %parallel_loop3A_616 : i32 to index
        %parallel_loop3A_622 = tpu.vector_load %arg5[%parallel_loop3A_621] {strides = array<i32>} : memref<8192xf32, #tpu.memory_space<vmem>>, vector<16xf32>,
        %parallel_loop3A_623 = arith.constant 16 : i32
        %parallel_loop3A_624 = arith.addi %parallel_loop3A_616, %parallel_loop3A_623 : i32
        %parallel_loop3A_625 = arith.index_cast %parallel_loop3A_624 : i32 to index
        %parallel_loop3A_626 = tpu.vector_load %arg5[%parallel_loop3A_625] {strides = array<i32>} : memref<8192xf32, #tpu.memory_space<vmem>>, vector<16xf32>,
        %parallel_loop3A_627 = arith.constant 0 : i32
        %parallel_loop3A_628 = vector.broadcast %parallel_loop3A_627 : i32 to vector<16xi32>
        %parallel_loop3A_629 = arith.cmpi slt, %xor3A_4, %parallel_loop3A_628 : vector<16xi32>
        %parallel_loop3A_630 = arith.constant 16 : i32
        %parallel_loop3A_631 = vector.broadcast %parallel_loop3A_630 : i32 to vector<16xi32>
        %parallel_loop3A_632 = arith.addi %xor3A_4, %parallel_loop3A_631 : vector<16xi32>
        %parallel_loop3A_633 = arith.select %parallel_loop3A_629, %parallel_loop3A_632, %xor3A_4 : vector<16xi1>, vector<16xi32>
        %parallel_loop3A_634 = vector.shape_cast %parallel_loop3A_633 : vector<16xi32> to vector<16x1xi32>
        %parallel_loop3A_635 = vector.shape_cast %parallel_loop3A_634 : vector<16x1xi32> to vector<16xi32>
        %parallel_loop3A_636 = tpu.dynamic_gather %parallel_loop3A_622[%parallel_loop3A_635] in [0] : vector<16xf32>, vector<16xi32> -> vector<16xf32>
        %parallel_loop3A_637 = arith.maximumf %parallel_loop3A_622, %parallel_loop3A_636 : vector<16xf32>
        %parallel_loop3A_638 = arith.constant 0 : i32
        %parallel_loop3A_639 = vector.broadcast %parallel_loop3A_638 : i32 to vector<16xi32>
        %parallel_loop3A_640 = arith.cmpi slt, %xor3A_4, %parallel_loop3A_639 : vector<16xi32>
        %parallel_loop3A_641 = arith.constant 16 : i32
        %parallel_loop3A_642 = vector.broadcast %parallel_loop3A_641 : i32 to vector<16xi32>
        %parallel_loop3A_643 = arith.addi %xor3A_4, %parallel_loop3A_642 : vector<16xi32>
        %parallel_loop3A_644 = arith.select %parallel_loop3A_640, %parallel_loop3A_643, %xor3A_4 : vector<16xi1>, vector<16xi32>
        %parallel_loop3A_645 = vector.shape_cast %parallel_loop3A_644 : vector<16xi32> to vector<16x1xi32>
        %parallel_loop3A_646 = vector.shape_cast %parallel_loop3A_645 : vector<16x1xi32> to vector<16xi32>
        %parallel_loop3A_647 = tpu.dynamic_gather %parallel_loop3A_626[%parallel_loop3A_646] in [0] : vector<16xf32>, vector<16xi32> -> vector<16xf32>
        %parallel_loop3A_648 = arith.maximumf %parallel_loop3A_626, %parallel_loop3A_647 : vector<16xf32>
        %parallel_loop3A_649 = arith.constant 0 : i32
        %parallel_loop3A_650 = vector.broadcast %parallel_loop3A_649 : i32 to vector<16xi32>
        %parallel_loop3A_651 = arith.cmpi slt, %mul3A_30, %parallel_loop3A_650 : vector<16xi32>
        %parallel_loop3A_652 = arith.constant 16 : i32
        %parallel_loop3A_653 = vector.broadcast %parallel_loop3A_652 : i32 to vector<16xi32>
        %parallel_loop3A_654 = arith.addi %mul3A_30, %parallel_loop3A_653 : vector<16xi32>
        %parallel_loop3A_655 = arith.select %parallel_loop3A_651, %parallel_loop3A_654, %mul3A_30 : vector<16xi1>, vector<16xi32>
        %parallel_loop3A_656 = vector.shape_cast %parallel_loop3A_655 : vector<16xi32> to vector<16x1xi32>
        %parallel_loop3A_657 = vector.shape_cast %parallel_loop3A_656 : vector<16x1xi32> to vector<16xi32>
        %parallel_loop3A_658 = tpu.dynamic_gather %parallel_loop3A_637[%parallel_loop3A_657] in [0] : vector<16xf32>, vector<16xi32> -> vector<16xf32>
        %parallel_loop3A_659 = arith.mulf %parallel_loop3A_658, %parallel_loop3A_312 : vector<16xf32>
        %parallel_loop3A_660 = arith.index_cast %parallel_loop3A_620 : i32 to index
        %parallel_loop3A_661 = tpu.vector_load %arg9[%parallel_loop3A_660] {strides = array<i32>} : memref<16384xf32, #tpu.memory_space<vmem>>, vector<16xf32>,
        tpu.vector_store %arg9[%parallel_loop3A_660], %parallel_loop3A_659 {strides = array<i32>} : memref<16384xf32, #tpu.memory_space<vmem>>, vector<16xf32>,
        %parallel_loop3A_662 = arith.constant 0 : i32
        %parallel_loop3A_663 = vector.broadcast %parallel_loop3A_662 : i32 to vector<16xi32>
        %parallel_loop3A_664 = arith.cmpi slt, %add3A_33, %parallel_loop3A_663 : vector<16xi32>
        %parallel_loop3A_665 = arith.constant 16 : i32
        %parallel_loop3A_666 = vector.broadcast %parallel_loop3A_665 : i32 to vector<16xi32>
        %parallel_loop3A_667 = arith.addi %add3A_33, %parallel_loop3A_666 : vector<16xi32>
        %parallel_loop3A_668 = arith.select %parallel_loop3A_664, %parallel_loop3A_667, %add3A_33 : vector<16xi1>, vector<16xi32>
        %parallel_loop3A_669 = vector.shape_cast %parallel_loop3A_668 : vector<16xi32> to vector<16x1xi32>
        %parallel_loop3A_670 = vector.shape_cast %parallel_loop3A_669 : vector<16x1xi32> to vector<16xi32>
        %parallel_loop3A_671 = tpu.dynamic_gather %parallel_loop3A_637[%parallel_loop3A_670] in [0] : vector<16xf32>, vector<16xi32> -> vector<16xf32>
        %parallel_loop3A_672 = arith.mulf %parallel_loop3A_671, %parallel_loop3A_318 : vector<16xf32>
        %parallel_loop3A_673 = arith.constant 16 : i32
        %parallel_loop3A_674 = arith.addi %parallel_loop3A_620, %parallel_loop3A_673 : i32
        %parallel_loop3A_675 = arith.index_cast %parallel_loop3A_674 : i32 to index
        %parallel_loop3A_676 = tpu.vector_load %arg9[%parallel_loop3A_675] {strides = array<i32>} : memref<16384xf32, #tpu.memory_space<vmem>>, vector<16xf32>,
        tpu.vector_store %arg9[%parallel_loop3A_675], %parallel_loop3A_672 {strides = array<i32>} : memref<16384xf32, #tpu.memory_space<vmem>>, vector<16xf32>,
        %parallel_loop3A_677 = arith.constant 0 : i32
        %parallel_loop3A_678 = vector.broadcast %parallel_loop3A_677 : i32 to vector<16xi32>
        %parallel_loop3A_679 = arith.cmpi slt, %mul3A_30, %parallel_loop3A_678 : vector<16xi32>
        %parallel_loop3A_680 = arith.constant 16 : i32
        %parallel_loop3A_681 = vector.broadcast %parallel_loop3A_680 : i32 to vector<16xi32>
        %parallel_loop3A_682 = arith.addi %mul3A_30, %parallel_loop3A_681 : vector<16xi32>
        %parallel_loop3A_683 = arith.select %parallel_loop3A_679, %parallel_loop3A_682, %mul3A_30 : vector<16xi1>, vector<16xi32>
        %parallel_loop3A_684 = vector.shape_cast %parallel_loop3A_683 : vector<16xi32> to vector<16x1xi32>
        %parallel_loop3A_685 = vector.shape_cast %parallel_loop3A_684 : vector<16x1xi32> to vector<16xi32>
        %parallel_loop3A_686 = tpu.dynamic_gather %parallel_loop3A_648[%parallel_loop3A_685] in [0] : vector<16xf32>, vector<16xi32> -> vector<16xf32>
        %parallel_loop3A_687 = arith.mulf %parallel_loop3A_686, %parallel_loop3A_324 : vector<16xf32>
        %parallel_loop3A_688 = arith.constant 32 : i32
        %parallel_loop3A_689 = arith.addi %parallel_loop3A_620, %parallel_loop3A_688 : i32
        %parallel_loop3A_690 = arith.index_cast %parallel_loop3A_689 : i32 to index
        %parallel_loop3A_691 = tpu.vector_load %arg9[%parallel_loop3A_690] {strides = array<i32>} : memref<16384xf32, #tpu.memory_space<vmem>>, vector<16xf32>,
        tpu.vector_store %arg9[%parallel_loop3A_690], %parallel_loop3A_687 {strides = array<i32>} : memref<16384xf32, #tpu.memory_space<vmem>>, vector<16xf32>,
        %parallel_loop3A_692 = arith.constant 0 : i32
        %parallel_loop3A_693 = vector.broadcast %parallel_loop3A_692 : i32 to vector<16xi32>
        %parallel_loop3A_694 = arith.cmpi slt, %add3A_33, %parallel_loop3A_693 : vector<16xi32>
        %parallel_loop3A_695 = arith.constant 16 : i32
        %parallel_loop3A_696 = vector.broadcast %parallel_loop3A_695 : i32 to vector<16xi32>
        %parallel_loop3A_697 = arith.addi %add3A_33, %parallel_loop3A_696 : vector<16xi32>
        %parallel_loop3A_698 = arith.select %parallel_loop3A_694, %parallel_loop3A_697, %add3A_33 : vector<16xi1>, vector<16xi32>
        %parallel_loop3A_699 = vector.shape_cast %parallel_loop3A_698 : vector<16xi32> to vector<16x1xi32>
        %parallel_loop3A_700 = vector.shape_cast %parallel_loop3A_699 : vector<16x1xi32> to vector<16xi32>
        %parallel_loop3A_701 = tpu.dynamic_gather %parallel_loop3A_648[%parallel_loop3A_700] in [0] : vector<16xf32>, vector<16xi32> -> vector<16xf32>
        %parallel_loop3A_702 = arith.mulf %parallel_loop3A_701, %parallel_loop3A_330 : vector<16xf32>
        %parallel_loop3A_703 = arith.constant 48 : i32
        %parallel_loop3A_704 = arith.addi %parallel_loop3A_620, %parallel_loop3A_703 : i32
        %parallel_loop3A_705 = arith.index_cast %parallel_loop3A_704 : i32 to index
        %parallel_loop3A_706 = tpu.vector_load %arg9[%parallel_loop3A_705] {strides = array<i32>} : memref<16384xf32, #tpu.memory_space<vmem>>, vector<16xf32>,
        tpu.vector_store %arg9[%parallel_loop3A_705], %parallel_loop3A_702 {strides = array<i32>} : memref<16384xf32, #tpu.memory_space<vmem>>, vector<16xf32>,
      } {sc.loop_unroll_factor = 1 : i64, sc.parallel_access}
      %mul3A_138 = arith.constant 4 : i32
      %mul3A_139 = arith.muli %add3A_101, %mul3A_138 : i32
      %add3A_140 = arith.addi %mul3A_2, %mul3A_139 : i32
      %mul3A_141 = arith.constant 4096 : i32
      %mul3A_142 = arith.muli %add3A_140, %mul3A_141 : i32
      %dma_start3A_143 = tpu.memref_slice %arg4[%mul3A_142] : memref<16777216xf32, #tpu.memory_space<hbm>> -> memref<16384xf32, #tpu.memory_space<hbm>>
      %dma_start3A_144 = tpu.memref_slice %arg4[%mul3A_142] : memref<16777216xf32, #tpu.memory_space<hbm>> -> memref<16384xf32, #tpu.memory_space<hbm>>
      tpu.enqueue_dma source(%arg9 : memref<16384xf32, #tpu.memory_space<vmem>>) target(%dma_start3A_144 : memref<16384xf32, #tpu.memory_space<hbm>>) target_semaphore(%arg18 : memref<!tpu.dma_semaphore, #tpu.memory_space<semaphore_mem>>)
      %mul3A_145 = arith.constant 4 : i32
      %mul3A_146 = arith.muli %scan3A_97, %mul3A_145 : i32
      %add3A_147 = arith.constant 1 : i32
      %add3A_148 = arith.addi %mul3A_146, %add3A_147 : i32
      %mul3A_149 = arith.constant 4 : i32
      %mul3A_150 = arith.muli %add3A_148, %mul3A_149 : i32
      %add3A_151 = arith.addi %mul3A_2, %mul3A_150 : i32
      %mul3A_152 = arith.constant 2048 : i32
      %mul3A_153 = arith.muli %add3A_151, %mul3A_152 : i32
      %dma_wait3A_154 = tpu.memref_slice %arg2[%mul3A_153] : memref<8388608xf32, #tpu.memory_space<hbm>> -> memref<8192xf32, #tpu.memory_space<hbm>>
      %dma_wait3A_155 = tpu.memref_slice %arg2[%mul3A_153] : memref<8388608xf32, #tpu.memory_space<hbm>> -> memref<8192xf32, #tpu.memory_space<hbm>>
      tpu.wait_dma2 semaphore(%arg15 : memref<!tpu.dma_semaphore, #tpu.memory_space<semaphore_mem>>) src(%dma_wait3A_155 : memref<8192xf32, #tpu.memory_space<hbm>>) dst(%arg6 : memref<8192xf32, #tpu.memory_space<vmem>>)
      %add3A_156 = arith.constant 4 : i32
      %add3A_157 = arith.addi %add3A_148, %add3A_156 : i32
      %sub3A_158 = arith.constant 1 : i32
      %sub3A_159 = arith.subi %add3A_157, %sub3A_158 : i32
      %jit3A_160 = arith.constant 32 : i32
      %eq3A_161 = arith.constant 0 : i32
      %eq3A_162 = arith.cmpi eq, %jit3A_160, %eq3A_161 : i32
      %jit3A_163 = arith.constant 1 : i32
      %select_n3A_164 = arith.select %eq3A_162, %jit3A_163, %jit3A_160 : i32
      %rem3A_165 = arith.remsi %sub3A_159, %select_n3A_164 : i32
      %ne3A_166 = arith.constant 0 : i32
      %ne3A_167 = arith.cmpi ne, %rem3A_165, %ne3A_166 : i32
      %lt3A_168 = arith.constant 0 : i32
      %lt3A_169 = arith.cmpi slt, %rem3A_165, %lt3A_168 : i32
      %lt3A_170 = arith.constant 0 : i32
      %lt3A_171 = arith.cmpi slt, %select_n3A_164, %lt3A_170 : i32
      %ne3A_172 = arith.xori %lt3A_169, %lt3A_171 : i1
      %and3A_173 = arith.andi %ne3A_172, %ne3A_167 : i1
      %add3A_174 = arith.addi %rem3A_165, %select_n3A_164 : i32
      %select_n3A_175 = arith.select %and3A_173, %add3A_174, %rem3A_165 : i32
      %mul3A_176 = arith.constant 4 : i32
      %mul3A_177 = arith.muli %select_n3A_175, %mul3A_176 : i32
      %add3A_178 = arith.addi %mul3A_2, %mul3A_177 : i32
      %mul3A_179 = arith.constant 2048 : i32
      %mul3A_180 = arith.muli %add3A_178, %mul3A_179 : i32
      %dma_start3A_181 = tpu.memref_slice %arg2[%mul3A_180] : memref<8388608xf32, #tpu.memory_space<hbm>> -> memref<8192xf32, #tpu.memory_space<hbm>>
      %dma_start3A_182 = tpu.memref_slice %arg2[%mul3A_180] : memref<8388608xf32, #tpu.memory_space<hbm>> -> memref<8192xf32, #tpu.memory_space<hbm>>
      tpu.enqueue_dma source(%dma_start3A_182 : memref<8192xf32, #tpu.memory_space<hbm>>) target(%arg5 : memref<8192xf32, #tpu.memory_space<vmem>>) target_semaphore(%arg14 : memref<!tpu.dma_semaphore, #tpu.memory_space<semaphore_mem>>)
      %ge3A_183 = arith.constant 1 : i32
      %ge3A_184 = arith.cmpi sge, %scan3A_97, %ge3A_183 : i32
      %convert_element_type3A_185 = arith.extui %ge3A_184 : i1 to i32
      %cond3A_186 = arith.constant 0 : i32
      %cond3A_187 = arith.cmpi ne, %convert_element_type3A_185, %cond3A_186 : i32
      scf.if %cond3A_187 {
        %sub3A_304 = arith.constant 4 : i32
        %sub3A_305 = arith.subi %add3A_148, %sub3A_304 : i32
        %mul3A_306 = arith.constant 4 : i32
        %mul3A_307 = arith.muli %sub3A_305, %mul3A_306 : i32
        %add3A_308 = arith.addi %mul3A_2, %mul3A_307 : i32
        %mul3A_309 = arith.constant 4096 : i32
        %mul3A_310 = arith.muli %add3A_308, %mul3A_309 : i32
        %dma_wait3A_311 = tpu.memref_slice %arg4[%mul3A_310] : memref<16777216xf32, #tpu.memory_space<hbm>> -> memref<16384xf32, #tpu.memory_space<hbm>>
        %dma_wait3A_312 = tpu.memref_slice %arg4[%mul3A_310] : memref<16777216xf32, #tpu.memory_space<hbm>> -> memref<16384xf32, #tpu.memory_space<hbm>>
        tpu.wait_dma2 semaphore(%arg19 : memref<!tpu.dma_semaphore, #tpu.memory_space<semaphore_mem>>) src(%arg10 : memref<16384xf32, #tpu.memory_space<vmem>>) dst(%dma_wait3A_312 : memref<16384xf32, #tpu.memory_space<hbm>>)
      } else {
      }
      %parallel_loop3A_188 = arith.constant 0 : i32
      %parallel_loop3A_189 = arith.constant 64 : i32
      %parallel_loop3A_190 = arith.constant 1 : i32
      scf.for %parallel_loop3A_304 = %parallel_loop3A_188 to %parallel_loop3A_189 step %parallel_loop3A_190  : i32 {
        %parallel_loop3A_305 = arith.constant 16 : i32
        %parallel_loop3A_306 = arith.muli %parallel_loop3A_304, %parallel_loop3A_305 : i32
        %parallel_loop3A_307 = arith.constant 4 : i32
        %parallel_loop3A_308 = arith.muli %parallel_loop3A_306, %parallel_loop3A_307 : i32
        %parallel_loop3A_309 = arith.constant 0 : i32
        %parallel_loop3A_310 = arith.addi %parallel_loop3A_308, %parallel_loop3A_309 : i32
        %parallel_loop3A_311 = arith.index_cast %parallel_loop3A_310 : i32 to index
        %parallel_loop3A_312 = tpu.vector_load %arg13[%parallel_loop3A_311] {strides = array<i32>} : memref<4096xf32, #tpu.memory_space<vmem>>, vector<16xf32>,
        %parallel_loop3A_313 = arith.constant 4 : i32
        %parallel_loop3A_314 = arith.muli %parallel_loop3A_306, %parallel_loop3A_313 : i32
        %parallel_loop3A_315 = arith.constant 16 : i32
        %parallel_loop3A_316 = arith.addi %parallel_loop3A_314, %parallel_loop3A_315 : i32
        %parallel_loop3A_317 = arith.index_cast %parallel_loop3A_316 : i32 to index
        %parallel_loop3A_318 = tpu.vector_load %arg13[%parallel_loop3A_317] {strides = array<i32>} : memref<4096xf32, #tpu.memory_space<vmem>>, vector<16xf32>,
        %parallel_loop3A_319 = arith.constant 4 : i32
        %parallel_loop3A_320 = arith.muli %parallel_loop3A_306, %parallel_loop3A_319 : i32
        %parallel_loop3A_321 = arith.constant 32 : i32
        %parallel_loop3A_322 = arith.addi %parallel_loop3A_320, %parallel_loop3A_321 : i32
        %parallel_loop3A_323 = arith.index_cast %parallel_loop3A_322 : i32 to index
        %parallel_loop3A_324 = tpu.vector_load %arg13[%parallel_loop3A_323] {strides = array<i32>} : memref<4096xf32, #tpu.memory_space<vmem>>, vector<16xf32>,
        %parallel_loop3A_325 = arith.constant 4 : i32
        %parallel_loop3A_326 = arith.muli %parallel_loop3A_306, %parallel_loop3A_325 : i32
        %parallel_loop3A_327 = arith.constant 48 : i32
        %parallel_loop3A_328 = arith.addi %parallel_loop3A_326, %parallel_loop3A_327 : i32
        %parallel_loop3A_329 = arith.index_cast %parallel_loop3A_328 : i32 to index
        %parallel_loop3A_330 = tpu.vector_load %arg13[%parallel_loop3A_329] {strides = array<i32>} : memref<4096xf32, #tpu.memory_space<vmem>>, vector<16xf32>,
        %parallel_loop3A_331 = arith.constant 2 : i32
        %parallel_loop3A_332 = arith.muli %parallel_loop3A_306, %parallel_loop3A_331 : i32
        %parallel_loop3A_333 = arith.constant 0 : i32
        %parallel_loop3A_334 = arith.addi %parallel_loop3A_333, %parallel_loop3A_332 : i32
        %parallel_loop3A_335 = arith.constant 4 : i32
        %parallel_loop3A_336 = arith.muli %parallel_loop3A_306, %parallel_loop3A_335 : i32
        %parallel_loop3A_337 = arith.constant 0 : i32
        %parallel_loop3A_338 = arith.addi %parallel_loop3A_337, %parallel_loop3A_336 : i32
        %parallel_loop3A_339 = arith.index_cast %parallel_loop3A_334 : i32 to index
        %parallel_loop3A_340 = tpu.vector_load %arg6[%parallel_loop3A_339] {strides = array<i32>} : memref<8192xf32, #tpu.memory_space<vmem>>, vector<16xf32>,
        %parallel_loop3A_341 = arith.constant 16 : i32
        %parallel_loop3A_342 = arith.addi %parallel_loop3A_334, %parallel_loop3A_341 : i32
        %parallel_loop3A_343 = arith.index_cast %parallel_loop3A_342 : i32 to index
        %parallel_loop3A_344 = tpu.vector_load %arg6[%parallel_loop3A_343] {strides = array<i32>} : memref<8192xf32, #tpu.memory_space<vmem>>, vector<16xf32>,
        %parallel_loop3A_345 = arith.constant 0 : i32
        %parallel_loop3A_346 = vector.broadcast %parallel_loop3A_345 : i32 to vector<16xi32>
        %parallel_loop3A_347 = arith.cmpi slt, %xor3A_4, %parallel_loop3A_346 : vector<16xi32>
        %parallel_loop3A_348 = arith.constant 16 : i32
        %parallel_loop3A_349 = vector.broadcast %parallel_loop3A_348 : i32 to vector<16xi32>
        %parallel_loop3A_350 = arith.addi %xor3A_4, %parallel_loop3A_349 : vector<16xi32>
        %parallel_loop3A_351 = arith.select %parallel_loop3A_347, %parallel_loop3A_350, %xor3A_4 : vector<16xi1>, vector<16xi32>
        %parallel_loop3A_352 = vector.shape_cast %parallel_loop3A_351 : vector<16xi32> to vector<16x1xi32>
        %parallel_loop3A_353 = vector.shape_cast %parallel_loop3A_352 : vector<16x1xi32> to vector<16xi32>
        %parallel_loop3A_354 = tpu.dynamic_gather %parallel_loop3A_340[%parallel_loop3A_353] in [0] : vector<16xf32>, vector<16xi32> -> vector<16xf32>
        %parallel_loop3A_355 = arith.maximumf %parallel_loop3A_340, %parallel_loop3A_354 : vector<16xf32>
        %parallel_loop3A_356 = arith.constant 0 : i32
        %parallel_loop3A_357 = vector.broadcast %parallel_loop3A_356 : i32 to vector<16xi32>
        %parallel_loop3A_358 = arith.cmpi slt, %xor3A_4, %parallel_loop3A_357 : vector<16xi32>
        %parallel_loop3A_359 = arith.constant 16 : i32
        %parallel_loop3A_360 = vector.broadcast %parallel_loop3A_359 : i32 to vector<16xi32>
        %parallel_loop3A_361 = arith.addi %xor3A_4, %parallel_loop3A_360 : vector<16xi32>
        %parallel_loop3A_362 = arith.select %parallel_loop3A_358, %parallel_loop3A_361, %xor3A_4 : vector<16xi1>, vector<16xi32>
        %parallel_loop3A_363 = vector.shape_cast %parallel_loop3A_362 : vector<16xi32> to vector<16x1xi32>
        %parallel_loop3A_364 = vector.shape_cast %parallel_loop3A_363 : vector<16x1xi32> to vector<16xi32>
        %parallel_loop3A_365 = tpu.dynamic_gather %parallel_loop3A_344[%parallel_loop3A_364] in [0] : vector<16xf32>, vector<16xi32> -> vector<16xf32>
        %parallel_loop3A_366 = arith.maximumf %parallel_loop3A_344, %parallel_loop3A_365 : vector<16xf32>
        %parallel_loop3A_367 = arith.constant 0 : i32
        %parallel_loop3A_368 = vector.broadcast %parallel_loop3A_367 : i32 to vector<16xi32>
        %parallel_loop3A_369 = arith.cmpi slt, %mul3A_30, %parallel_loop3A_368 : vector<16xi32>
        %parallel_loop3A_370 = arith.constant 16 : i32
        %parallel_loop3A_371 = vector.broadcast %parallel_loop3A_370 : i32 to vector<16xi32>
        %parallel_loop3A_372 = arith.addi %mul3A_30, %parallel_loop3A_371 : vector<16xi32>
        %parallel_loop3A_373 = arith.select %parallel_loop3A_369, %parallel_loop3A_372, %mul3A_30 : vector<16xi1>, vector<16xi32>
        %parallel_loop3A_374 = vector.shape_cast %parallel_loop3A_373 : vector<16xi32> to vector<16x1xi32>
        %parallel_loop3A_375 = vector.shape_cast %parallel_loop3A_374 : vector<16x1xi32> to vector<16xi32>
        %parallel_loop3A_376 = tpu.dynamic_gather %parallel_loop3A_355[%parallel_loop3A_375] in [0] : vector<16xf32>, vector<16xi32> -> vector<16xf32>
        %parallel_loop3A_377 = arith.mulf %parallel_loop3A_376, %parallel_loop3A_312 : vector<16xf32>
        %parallel_loop3A_378 = arith.index_cast %parallel_loop3A_338 : i32 to index
        %parallel_loop3A_379 = tpu.vector_load %arg10[%parallel_loop3A_378] {strides = array<i32>} : memref<16384xf32, #tpu.memory_space<vmem>>, vector<16xf32>,
        tpu.vector_store %arg10[%parallel_loop3A_378], %parallel_loop3A_377 {strides = array<i32>} : memref<16384xf32, #tpu.memory_space<vmem>>, vector<16xf32>,
        %parallel_loop3A_380 = arith.constant 0 : i32
        %parallel_loop3A_381 = vector.broadcast %parallel_loop3A_380 : i32 to vector<16xi32>
        %parallel_loop3A_382 = arith.cmpi slt, %add3A_33, %parallel_loop3A_381 : vector<16xi32>
        %parallel_loop3A_383 = arith.constant 16 : i32
        %parallel_loop3A_384 = vector.broadcast %parallel_loop3A_383 : i32 to vector<16xi32>
        %parallel_loop3A_385 = arith.addi %add3A_33, %parallel_loop3A_384 : vector<16xi32>
        %parallel_loop3A_386 = arith.select %parallel_loop3A_382, %parallel_loop3A_385, %add3A_33 : vector<16xi1>, vector<16xi32>
        %parallel_loop3A_387 = vector.shape_cast %parallel_loop3A_386 : vector<16xi32> to vector<16x1xi32>
        %parallel_loop3A_388 = vector.shape_cast %parallel_loop3A_387 : vector<16x1xi32> to vector<16xi32>
        %parallel_loop3A_389 = tpu.dynamic_gather %parallel_loop3A_355[%parallel_loop3A_388] in [0] : vector<16xf32>, vector<16xi32> -> vector<16xf32>
        %parallel_loop3A_390 = arith.mulf %parallel_loop3A_389, %parallel_loop3A_318 : vector<16xf32>
        %parallel_loop3A_391 = arith.constant 16 : i32
        %parallel_loop3A_392 = arith.addi %parallel_loop3A_338, %parallel_loop3A_391 : i32
        %parallel_loop3A_393 = arith.index_cast %parallel_loop3A_392 : i32 to index
        %parallel_loop3A_394 = tpu.vector_load %arg10[%parallel_loop3A_393] {strides = array<i32>} : memref<16384xf32, #tpu.memory_space<vmem>>, vector<16xf32>,
        tpu.vector_store %arg10[%parallel_loop3A_393], %parallel_loop3A_390 {strides = array<i32>} : memref<16384xf32, #tpu.memory_space<vmem>>, vector<16xf32>,
        %parallel_loop3A_395 = arith.constant 0 : i32
        %parallel_loop3A_396 = vector.broadcast %parallel_loop3A_395 : i32 to vector<16xi32>
        %parallel_loop3A_397 = arith.cmpi slt, %mul3A_30, %parallel_loop3A_396 : vector<16xi32>
        %parallel_loop3A_398 = arith.constant 16 : i32
        %parallel_loop3A_399 = vector.broadcast %parallel_loop3A_398 : i32 to vector<16xi32>
        %parallel_loop3A_400 = arith.addi %mul3A_30, %parallel_loop3A_399 : vector<16xi32>
        %parallel_loop3A_401 = arith.select %parallel_loop3A_397, %parallel_loop3A_400, %mul3A_30 : vector<16xi1>, vector<16xi32>
        %parallel_loop3A_402 = vector.shape_cast %parallel_loop3A_401 : vector<16xi32> to vector<16x1xi32>
        %parallel_loop3A_403 = vector.shape_cast %parallel_loop3A_402 : vector<16x1xi32> to vector<16xi32>
        %parallel_loop3A_404 = tpu.dynamic_gather %parallel_loop3A_366[%parallel_loop3A_403] in [0] : vector<16xf32>, vector<16xi32> -> vector<16xf32>
        %parallel_loop3A_405 = arith.mulf %parallel_loop3A_404, %parallel_loop3A_324 : vector<16xf32>
        %parallel_loop3A_406 = arith.constant 32 : i32
        %parallel_loop3A_407 = arith.addi %parallel_loop3A_338, %parallel_loop3A_406 : i32
        %parallel_loop3A_408 = arith.index_cast %parallel_loop3A_407 : i32 to index
        %parallel_loop3A_409 = tpu.vector_load %arg10[%parallel_loop3A_408] {strides = array<i32>} : memref<16384xf32, #tpu.memory_space<vmem>>, vector<16xf32>,
        tpu.vector_store %arg10[%parallel_loop3A_408], %parallel_loop3A_405 {strides = array<i32>} : memref<16384xf32, #tpu.memory_space<vmem>>, vector<16xf32>,
        %parallel_loop3A_410 = arith.constant 0 : i32
        %parallel_loop3A_411 = vector.broadcast %parallel_loop3A_410 : i32 to vector<16xi32>
        %parallel_loop3A_412 = arith.cmpi slt, %add3A_33, %parallel_loop3A_411 : vector<16xi32>
        %parallel_loop3A_413 = arith.constant 16 : i32
        %parallel_loop3A_414 = vector.broadcast %parallel_loop3A_413 : i32 to vector<16xi32>
        %parallel_loop3A_415 = arith.addi %add3A_33, %parallel_loop3A_414 : vector<16xi32>
        %parallel_loop3A_416 = arith.select %parallel_loop3A_412, %parallel_loop3A_415, %add3A_33 : vector<16xi1>, vector<16xi32>
        %parallel_loop3A_417 = vector.shape_cast %parallel_loop3A_416 : vector<16xi32> to vector<16x1xi32>
        %parallel_loop3A_418 = vector.shape_cast %parallel_loop3A_417 : vector<16x1xi32> to vector<16xi32>
        %parallel_loop3A_419 = tpu.dynamic_gather %parallel_loop3A_366[%parallel_loop3A_418] in [0] : vector<16xf32>, vector<16xi32> -> vector<16xf32>
        %parallel_loop3A_420 = arith.mulf %parallel_loop3A_419, %parallel_loop3A_330 : vector<16xf32>
        %parallel_loop3A_421 = arith.constant 48 : i32
        %parallel_loop3A_422 = arith.addi %parallel_loop3A_338, %parallel_loop3A_421 : i32
        %parallel_loop3A_423 = arith.index_cast %parallel_loop3A_422 : i32 to index
        %parallel_loop3A_424 = tpu.vector_load %arg10[%parallel_loop3A_423] {strides = array<i32>} : memref<16384xf32, #tpu.memory_space<vmem>>, vector<16xf32>,
        tpu.vector_store %arg10[%parallel_loop3A_423], %parallel_loop3A_420 {strides = array<i32>} : memref<16384xf32, #tpu.memory_space<vmem>>, vector<16xf32>,
        %parallel_loop3A_425 = arith.constant 2 : i32
        %parallel_loop3A_426 = arith.muli %parallel_loop3A_306, %parallel_loop3A_425 : i32
        %parallel_loop3A_427 = arith.constant 2048 : i32
        %parallel_loop3A_428 = arith.addi %parallel_loop3A_427, %parallel_loop3A_426 : i32
        %parallel_loop3A_429 = arith.constant 4 : i32
        %parallel_loop3A_430 = arith.muli %parallel_loop3A_306, %parallel_loop3A_429 : i32
        %parallel_loop3A_431 = arith.constant 4096 : i32
        %parallel_loop3A_432 = arith.addi %parallel_loop3A_431, %parallel_loop3A_430 : i32
        %parallel_loop3A_433 = arith.index_cast %parallel_loop3A_428 : i32 to index
        %parallel_loop3A_434 = tpu.vector_load %arg6[%parallel_loop3A_433] {strides = array<i32>} : memref<8192xf32, #tpu.memory_space<vmem>>, vector<16xf32>,
        %parallel_loop3A_435 = arith.constant 16 : i32
        %parallel_loop3A_436 = arith.addi %parallel_loop3A_428, %parallel_loop3A_435 : i32
        %parallel_loop3A_437 = arith.index_cast %parallel_loop3A_436 : i32 to index
        %parallel_loop3A_438 = tpu.vector_load %arg6[%parallel_loop3A_437] {strides = array<i32>} : memref<8192xf32, #tpu.memory_space<vmem>>, vector<16xf32>,
        %parallel_loop3A_439 = arith.constant 0 : i32
        %parallel_loop3A_440 = vector.broadcast %parallel_loop3A_439 : i32 to vector<16xi32>
        %parallel_loop3A_441 = arith.cmpi slt, %xor3A_4, %parallel_loop3A_440 : vector<16xi32>
        %parallel_loop3A_442 = arith.constant 16 : i32
        %parallel_loop3A_443 = vector.broadcast %parallel_loop3A_442 : i32 to vector<16xi32>
        %parallel_loop3A_444 = arith.addi %xor3A_4, %parallel_loop3A_443 : vector<16xi32>
        %parallel_loop3A_445 = arith.select %parallel_loop3A_441, %parallel_loop3A_444, %xor3A_4 : vector<16xi1>, vector<16xi32>
        %parallel_loop3A_446 = vector.shape_cast %parallel_loop3A_445 : vector<16xi32> to vector<16x1xi32>
        %parallel_loop3A_447 = vector.shape_cast %parallel_loop3A_446 : vector<16x1xi32> to vector<16xi32>
        %parallel_loop3A_448 = tpu.dynamic_gather %parallel_loop3A_434[%parallel_loop3A_447] in [0] : vector<16xf32>, vector<16xi32> -> vector<16xf32>
        %parallel_loop3A_449 = arith.maximumf %parallel_loop3A_434, %parallel_loop3A_448 : vector<16xf32>
        %parallel_loop3A_450 = arith.constant 0 : i32
        %parallel_loop3A_451 = vector.broadcast %parallel_loop3A_450 : i32 to vector<16xi32>
        %parallel_loop3A_452 = arith.cmpi slt, %xor3A_4, %parallel_loop3A_451 : vector<16xi32>
        %parallel_loop3A_453 = arith.constant 16 : i32
        %parallel_loop3A_454 = vector.broadcast %parallel_loop3A_453 : i32 to vector<16xi32>
        %parallel_loop3A_455 = arith.addi %xor3A_4, %parallel_loop3A_454 : vector<16xi32>
        %parallel_loop3A_456 = arith.select %parallel_loop3A_452, %parallel_loop3A_455, %xor3A_4 : vector<16xi1>, vector<16xi32>
        %parallel_loop3A_457 = vector.shape_cast %parallel_loop3A_456 : vector<16xi32> to vector<16x1xi32>
        %parallel_loop3A_458 = vector.shape_cast %parallel_loop3A_457 : vector<16x1xi32> to vector<16xi32>
        %parallel_loop3A_459 = tpu.dynamic_gather %parallel_loop3A_438[%parallel_loop3A_458] in [0] : vector<16xf32>, vector<16xi32> -> vector<16xf32>
        %parallel_loop3A_460 = arith.maximumf %parallel_loop3A_438, %parallel_loop3A_459 : vector<16xf32>
        %parallel_loop3A_461 = arith.constant 0 : i32
        %parallel_loop3A_462 = vector.broadcast %parallel_loop3A_461 : i32 to vector<16xi32>
        %parallel_loop3A_463 = arith.cmpi slt, %mul3A_30, %parallel_loop3A_462 : vector<16xi32>
        %parallel_loop3A_464 = arith.constant 16 : i32
        %parallel_loop3A_465 = vector.broadcast %parallel_loop3A_464 : i32 to vector<16xi32>
        %parallel_loop3A_466 = arith.addi %mul3A_30, %parallel_loop3A_465 : vector<16xi32>
        %parallel_loop3A_467 = arith.select %parallel_loop3A_463, %parallel_loop3A_466, %mul3A_30 : vector<16xi1>, vector<16xi32>
        %parallel_loop3A_468 = vector.shape_cast %parallel_loop3A_467 : vector<16xi32> to vector<16x1xi32>
        %parallel_loop3A_469 = vector.shape_cast %parallel_loop3A_468 : vector<16x1xi32> to vector<16xi32>
        %parallel_loop3A_470 = tpu.dynamic_gather %parallel_loop3A_449[%parallel_loop3A_469] in [0] : vector<16xf32>, vector<16xi32> -> vector<16xf32>
        %parallel_loop3A_471 = arith.mulf %parallel_loop3A_470, %parallel_loop3A_312 : vector<16xf32>
        %parallel_loop3A_472 = arith.index_cast %parallel_loop3A_432 : i32 to index
        %parallel_loop3A_473 = tpu.vector_load %arg10[%parallel_loop3A_472] {strides = array<i32>} : memref<16384xf32, #tpu.memory_space<vmem>>, vector<16xf32>,
        tpu.vector_store %arg10[%parallel_loop3A_472], %parallel_loop3A_471 {strides = array<i32>} : memref<16384xf32, #tpu.memory_space<vmem>>, vector<16xf32>,
        %parallel_loop3A_474 = arith.constant 0 : i32
        %parallel_loop3A_475 = vector.broadcast %parallel_loop3A_474 : i32 to vector<16xi32>
        %parallel_loop3A_476 = arith.cmpi slt, %add3A_33, %parallel_loop3A_475 : vector<16xi32>
        %parallel_loop3A_477 = arith.constant 16 : i32
        %parallel_loop3A_478 = vector.broadcast %parallel_loop3A_477 : i32 to vector<16xi32>
        %parallel_loop3A_479 = arith.addi %add3A_33, %parallel_loop3A_478 : vector<16xi32>
        %parallel_loop3A_480 = arith.select %parallel_loop3A_476, %parallel_loop3A_479, %add3A_33 : vector<16xi1>, vector<16xi32>
        %parallel_loop3A_481 = vector.shape_cast %parallel_loop3A_480 : vector<16xi32> to vector<16x1xi32>
        %parallel_loop3A_482 = vector.shape_cast %parallel_loop3A_481 : vector<16x1xi32> to vector<16xi32>
        %parallel_loop3A_483 = tpu.dynamic_gather %parallel_loop3A_449[%parallel_loop3A_482] in [0] : vector<16xf32>, vector<16xi32> -> vector<16xf32>
        %parallel_loop3A_484 = arith.mulf %parallel_loop3A_483, %parallel_loop3A_318 : vector<16xf32>
        %parallel_loop3A_485 = arith.constant 16 : i32
        %parallel_loop3A_486 = arith.addi %parallel_loop3A_432, %parallel_loop3A_485 : i32
        %parallel_loop3A_487 = arith.index_cast %parallel_loop3A_486 : i32 to index
        %parallel_loop3A_488 = tpu.vector_load %arg10[%parallel_loop3A_487] {strides = array<i32>} : memref<16384xf32, #tpu.memory_space<vmem>>, vector<16xf32>,
        tpu.vector_store %arg10[%parallel_loop3A_487], %parallel_loop3A_484 {strides = array<i32>} : memref<16384xf32, #tpu.memory_space<vmem>>, vector<16xf32>,
        %parallel_loop3A_489 = arith.constant 0 : i32
        %parallel_loop3A_490 = vector.broadcast %parallel_loop3A_489 : i32 to vector<16xi32>
        %parallel_loop3A_491 = arith.cmpi slt, %mul3A_30, %parallel_loop3A_490 : vector<16xi32>
        %parallel_loop3A_492 = arith.constant 16 : i32
        %parallel_loop3A_493 = vector.broadcast %parallel_loop3A_492 : i32 to vector<16xi32>
        %parallel_loop3A_494 = arith.addi %mul3A_30, %parallel_loop3A_493 : vector<16xi32>
        %parallel_loop3A_495 = arith.select %parallel_loop3A_491, %parallel_loop3A_494, %mul3A_30 : vector<16xi1>, vector<16xi32>
        %parallel_loop3A_496 = vector.shape_cast %parallel_loop3A_495 : vector<16xi32> to vector<16x1xi32>
        %parallel_loop3A_497 = vector.shape_cast %parallel_loop3A_496 : vector<16x1xi32> to vector<16xi32>
        %parallel_loop3A_498 = tpu.dynamic_gather %parallel_loop3A_460[%parallel_loop3A_497] in [0] : vector<16xf32>, vector<16xi32> -> vector<16xf32>
        %parallel_loop3A_499 = arith.mulf %parallel_loop3A_498, %parallel_loop3A_324 : vector<16xf32>
        %parallel_loop3A_500 = arith.constant 32 : i32
        %parallel_loop3A_501 = arith.addi %parallel_loop3A_432, %parallel_loop3A_500 : i32
        %parallel_loop3A_502 = arith.index_cast %parallel_loop3A_501 : i32 to index
        %parallel_loop3A_503 = tpu.vector_load %arg10[%parallel_loop3A_502] {strides = array<i32>} : memref<16384xf32, #tpu.memory_space<vmem>>, vector<16xf32>,
        tpu.vector_store %arg10[%parallel_loop3A_502], %parallel_loop3A_499 {strides = array<i32>} : memref<16384xf32, #tpu.memory_space<vmem>>, vector<16xf32>,
        %parallel_loop3A_504 = arith.constant 0 : i32
        %parallel_loop3A_505 = vector.broadcast %parallel_loop3A_504 : i32 to vector<16xi32>
        %parallel_loop3A_506 = arith.cmpi slt, %add3A_33, %parallel_loop3A_505 : vector<16xi32>
        %parallel_loop3A_507 = arith.constant 16 : i32
        %parallel_loop3A_508 = vector.broadcast %parallel_loop3A_507 : i32 to vector<16xi32>
        %parallel_loop3A_509 = arith.addi %add3A_33, %parallel_loop3A_508 : vector<16xi32>
        %parallel_loop3A_510 = arith.select %parallel_loop3A_506, %parallel_loop3A_509, %add3A_33 : vector<16xi1>, vector<16xi32>
        %parallel_loop3A_511 = vector.shape_cast %parallel_loop3A_510 : vector<16xi32> to vector<16x1xi32>
        %parallel_loop3A_512 = vector.shape_cast %parallel_loop3A_511 : vector<16x1xi32> to vector<16xi32>
        %parallel_loop3A_513 = tpu.dynamic_gather %parallel_loop3A_460[%parallel_loop3A_512] in [0] : vector<16xf32>, vector<16xi32> -> vector<16xf32>
        %parallel_loop3A_514 = arith.mulf %parallel_loop3A_513, %parallel_loop3A_330 : vector<16xf32>
        %parallel_loop3A_515 = arith.constant 48 : i32
        %parallel_loop3A_516 = arith.addi %parallel_loop3A_432, %parallel_loop3A_515 : i32
        %parallel_loop3A_517 = arith.index_cast %parallel_loop3A_516 : i32 to index
        %parallel_loop3A_518 = tpu.vector_load %arg10[%parallel_loop3A_517] {strides = array<i32>} : memref<16384xf32, #tpu.memory_space<vmem>>, vector<16xf32>,
        tpu.vector_store %arg10[%parallel_loop3A_517], %parallel_loop3A_514 {strides = array<i32>} : memref<16384xf32, #tpu.memory_space<vmem>>, vector<16xf32>,
        %parallel_loop3A_519 = arith.constant 2 : i32
        %parallel_loop3A_520 = arith.muli %parallel_loop3A_306, %parallel_loop3A_519 : i32
        %parallel_loop3A_521 = arith.constant 4096 : i32
        %parallel_loop3A_522 = arith.addi %parallel_loop3A_521, %parallel_loop3A_520 : i32
        %parallel_loop3A_523 = arith.constant 4 : i32
        %parallel_loop3A_524 = arith.muli %parallel_loop3A_306, %parallel_loop3A_523 : i32
        %parallel_loop3A_525 = arith.constant 8192 : i32
        %parallel_loop3A_526 = arith.addi %parallel_loop3A_525, %parallel_loop3A_524 : i32
        %parallel_loop3A_527 = arith.index_cast %parallel_loop3A_522 : i32 to index
        %parallel_loop3A_528 = tpu.vector_load %arg6[%parallel_loop3A_527] {strides = array<i32>} : memref<8192xf32, #tpu.memory_space<vmem>>, vector<16xf32>,
        %parallel_loop3A_529 = arith.constant 16 : i32
        %parallel_loop3A_530 = arith.addi %parallel_loop3A_522, %parallel_loop3A_529 : i32
        %parallel_loop3A_531 = arith.index_cast %parallel_loop3A_530 : i32 to index
        %parallel_loop3A_532 = tpu.vector_load %arg6[%parallel_loop3A_531] {strides = array<i32>} : memref<8192xf32, #tpu.memory_space<vmem>>, vector<16xf32>,
        %parallel_loop3A_533 = arith.constant 0 : i32
        %parallel_loop3A_534 = vector.broadcast %parallel_loop3A_533 : i32 to vector<16xi32>
        %parallel_loop3A_535 = arith.cmpi slt, %xor3A_4, %parallel_loop3A_534 : vector<16xi32>
        %parallel_loop3A_536 = arith.constant 16 : i32
        %parallel_loop3A_537 = vector.broadcast %parallel_loop3A_536 : i32 to vector<16xi32>
        %parallel_loop3A_538 = arith.addi %xor3A_4, %parallel_loop3A_537 : vector<16xi32>
        %parallel_loop3A_539 = arith.select %parallel_loop3A_535, %parallel_loop3A_538, %xor3A_4 : vector<16xi1>, vector<16xi32>
        %parallel_loop3A_540 = vector.shape_cast %parallel_loop3A_539 : vector<16xi32> to vector<16x1xi32>
        %parallel_loop3A_541 = vector.shape_cast %parallel_loop3A_540 : vector<16x1xi32> to vector<16xi32>
        %parallel_loop3A_542 = tpu.dynamic_gather %parallel_loop3A_528[%parallel_loop3A_541] in [0] : vector<16xf32>, vector<16xi32> -> vector<16xf32>
        %parallel_loop3A_543 = arith.maximumf %parallel_loop3A_528, %parallel_loop3A_542 : vector<16xf32>
        %parallel_loop3A_544 = arith.constant 0 : i32
        %parallel_loop3A_545 = vector.broadcast %parallel_loop3A_544 : i32 to vector<16xi32>
        %parallel_loop3A_546 = arith.cmpi slt, %xor3A_4, %parallel_loop3A_545 : vector<16xi32>
        %parallel_loop3A_547 = arith.constant 16 : i32
        %parallel_loop3A_548 = vector.broadcast %parallel_loop3A_547 : i32 to vector<16xi32>
        %parallel_loop3A_549 = arith.addi %xor3A_4, %parallel_loop3A_548 : vector<16xi32>
        %parallel_loop3A_550 = arith.select %parallel_loop3A_546, %parallel_loop3A_549, %xor3A_4 : vector<16xi1>, vector<16xi32>
        %parallel_loop3A_551 = vector.shape_cast %parallel_loop3A_550 : vector<16xi32> to vector<16x1xi32>
        %parallel_loop3A_552 = vector.shape_cast %parallel_loop3A_551 : vector<16x1xi32> to vector<16xi32>
        %parallel_loop3A_553 = tpu.dynamic_gather %parallel_loop3A_532[%parallel_loop3A_552] in [0] : vector<16xf32>, vector<16xi32> -> vector<16xf32>
        %parallel_loop3A_554 = arith.maximumf %parallel_loop3A_532, %parallel_loop3A_553 : vector<16xf32>
        %parallel_loop3A_555 = arith.constant 0 : i32
        %parallel_loop3A_556 = vector.broadcast %parallel_loop3A_555 : i32 to vector<16xi32>
        %parallel_loop3A_557 = arith.cmpi slt, %mul3A_30, %parallel_loop3A_556 : vector<16xi32>
        %parallel_loop3A_558 = arith.constant 16 : i32
        %parallel_loop3A_559 = vector.broadcast %parallel_loop3A_558 : i32 to vector<16xi32>
        %parallel_loop3A_560 = arith.addi %mul3A_30, %parallel_loop3A_559 : vector<16xi32>
        %parallel_loop3A_561 = arith.select %parallel_loop3A_557, %parallel_loop3A_560, %mul3A_30 : vector<16xi1>, vector<16xi32>
        %parallel_loop3A_562 = vector.shape_cast %parallel_loop3A_561 : vector<16xi32> to vector<16x1xi32>
        %parallel_loop3A_563 = vector.shape_cast %parallel_loop3A_562 : vector<16x1xi32> to vector<16xi32>
        %parallel_loop3A_564 = tpu.dynamic_gather %parallel_loop3A_543[%parallel_loop3A_563] in [0] : vector<16xf32>, vector<16xi32> -> vector<16xf32>
        %parallel_loop3A_565 = arith.mulf %parallel_loop3A_564, %parallel_loop3A_312 : vector<16xf32>
        %parallel_loop3A_566 = arith.index_cast %parallel_loop3A_526 : i32 to index
        %parallel_loop3A_567 = tpu.vector_load %arg10[%parallel_loop3A_566] {strides = array<i32>} : memref<16384xf32, #tpu.memory_space<vmem>>, vector<16xf32>,
        tpu.vector_store %arg10[%parallel_loop3A_566], %parallel_loop3A_565 {strides = array<i32>} : memref<16384xf32, #tpu.memory_space<vmem>>, vector<16xf32>,
        %parallel_loop3A_568 = arith.constant 0 : i32
        %parallel_loop3A_569 = vector.broadcast %parallel_loop3A_568 : i32 to vector<16xi32>
        %parallel_loop3A_570 = arith.cmpi slt, %add3A_33, %parallel_loop3A_569 : vector<16xi32>
        %parallel_loop3A_571 = arith.constant 16 : i32
        %parallel_loop3A_572 = vector.broadcast %parallel_loop3A_571 : i32 to vector<16xi32>
        %parallel_loop3A_573 = arith.addi %add3A_33, %parallel_loop3A_572 : vector<16xi32>
        %parallel_loop3A_574 = arith.select %parallel_loop3A_570, %parallel_loop3A_573, %add3A_33 : vector<16xi1>, vector<16xi32>
        %parallel_loop3A_575 = vector.shape_cast %parallel_loop3A_574 : vector<16xi32> to vector<16x1xi32>
        %parallel_loop3A_576 = vector.shape_cast %parallel_loop3A_575 : vector<16x1xi32> to vector<16xi32>
        %parallel_loop3A_577 = tpu.dynamic_gather %parallel_loop3A_543[%parallel_loop3A_576] in [0] : vector<16xf32>, vector<16xi32> -> vector<16xf32>
        %parallel_loop3A_578 = arith.mulf %parallel_loop3A_577, %parallel_loop3A_318 : vector<16xf32>
        %parallel_loop3A_579 = arith.constant 16 : i32
        %parallel_loop3A_580 = arith.addi %parallel_loop3A_526, %parallel_loop3A_579 : i32
        %parallel_loop3A_581 = arith.index_cast %parallel_loop3A_580 : i32 to index
        %parallel_loop3A_582 = tpu.vector_load %arg10[%parallel_loop3A_581] {strides = array<i32>} : memref<16384xf32, #tpu.memory_space<vmem>>, vector<16xf32>,
        tpu.vector_store %arg10[%parallel_loop3A_581], %parallel_loop3A_578 {strides = array<i32>} : memref<16384xf32, #tpu.memory_space<vmem>>, vector<16xf32>,
        %parallel_loop3A_583 = arith.constant 0 : i32
        %parallel_loop3A_584 = vector.broadcast %parallel_loop3A_583 : i32 to vector<16xi32>
        %parallel_loop3A_585 = arith.cmpi slt, %mul3A_30, %parallel_loop3A_584 : vector<16xi32>
        %parallel_loop3A_586 = arith.constant 16 : i32
        %parallel_loop3A_587 = vector.broadcast %parallel_loop3A_586 : i32 to vector<16xi32>
        %parallel_loop3A_588 = arith.addi %mul3A_30, %parallel_loop3A_587 : vector<16xi32>
        %parallel_loop3A_589 = arith.select %parallel_loop3A_585, %parallel_loop3A_588, %mul3A_30 : vector<16xi1>, vector<16xi32>
        %parallel_loop3A_590 = vector.shape_cast %parallel_loop3A_589 : vector<16xi32> to vector<16x1xi32>
        %parallel_loop3A_591 = vector.shape_cast %parallel_loop3A_590 : vector<16x1xi32> to vector<16xi32>
        %parallel_loop3A_592 = tpu.dynamic_gather %parallel_loop3A_554[%parallel_loop3A_591] in [0] : vector<16xf32>, vector<16xi32> -> vector<16xf32>
        %parallel_loop3A_593 = arith.mulf %parallel_loop3A_592, %parallel_loop3A_324 : vector<16xf32>
        %parallel_loop3A_594 = arith.constant 32 : i32
        %parallel_loop3A_595 = arith.addi %parallel_loop3A_526, %parallel_loop3A_594 : i32
        %parallel_loop3A_596 = arith.index_cast %parallel_loop3A_595 : i32 to index
        %parallel_loop3A_597 = tpu.vector_load %arg10[%parallel_loop3A_596] {strides = array<i32>} : memref<16384xf32, #tpu.memory_space<vmem>>, vector<16xf32>,
        tpu.vector_store %arg10[%parallel_loop3A_596], %parallel_loop3A_593 {strides = array<i32>} : memref<16384xf32, #tpu.memory_space<vmem>>, vector<16xf32>,
        %parallel_loop3A_598 = arith.constant 0 : i32
        %parallel_loop3A_599 = vector.broadcast %parallel_loop3A_598 : i32 to vector<16xi32>
        %parallel_loop3A_600 = arith.cmpi slt, %add3A_33, %parallel_loop3A_599 : vector<16xi32>
        %parallel_loop3A_601 = arith.constant 16 : i32
        %parallel_loop3A_602 = vector.broadcast %parallel_loop3A_601 : i32 to vector<16xi32>
        %parallel_loop3A_603 = arith.addi %add3A_33, %parallel_loop3A_602 : vector<16xi32>
        %parallel_loop3A_604 = arith.select %parallel_loop3A_600, %parallel_loop3A_603, %add3A_33 : vector<16xi1>, vector<16xi32>
        %parallel_loop3A_605 = vector.shape_cast %parallel_loop3A_604 : vector<16xi32> to vector<16x1xi32>
        %parallel_loop3A_606 = vector.shape_cast %parallel_loop3A_605 : vector<16x1xi32> to vector<16xi32>
        %parallel_loop3A_607 = tpu.dynamic_gather %parallel_loop3A_554[%parallel_loop3A_606] in [0] : vector<16xf32>, vector<16xi32> -> vector<16xf32>
        %parallel_loop3A_608 = arith.mulf %parallel_loop3A_607, %parallel_loop3A_330 : vector<16xf32>
        %parallel_loop3A_609 = arith.constant 48 : i32
        %parallel_loop3A_610 = arith.addi %parallel_loop3A_526, %parallel_loop3A_609 : i32
        %parallel_loop3A_611 = arith.index_cast %parallel_loop3A_610 : i32 to index
        %parallel_loop3A_612 = tpu.vector_load %arg10[%parallel_loop3A_611] {strides = array<i32>} : memref<16384xf32, #tpu.memory_space<vmem>>, vector<16xf32>,
        tpu.vector_store %arg10[%parallel_loop3A_611], %parallel_loop3A_608 {strides = array<i32>} : memref<16384xf32, #tpu.memory_space<vmem>>, vector<16xf32>,
        %parallel_loop3A_613 = arith.constant 2 : i32
        %parallel_loop3A_614 = arith.muli %parallel_loop3A_306, %parallel_loop3A_613 : i32
        %parallel_loop3A_615 = arith.constant 6144 : i32
        %parallel_loop3A_616 = arith.addi %parallel_loop3A_615, %parallel_loop3A_614 : i32
        %parallel_loop3A_617 = arith.constant 4 : i32
        %parallel_loop3A_618 = arith.muli %parallel_loop3A_306, %parallel_loop3A_617 : i32
        %parallel_loop3A_619 = arith.constant 12288 : i32
        %parallel_loop3A_620 = arith.addi %parallel_loop3A_619, %parallel_loop3A_618 : i32
        %parallel_loop3A_621 = arith.index_cast %parallel_loop3A_616 : i32 to index
        %parallel_loop3A_622 = tpu.vector_load %arg6[%parallel_loop3A_621] {strides = array<i32>} : memref<8192xf32, #tpu.memory_space<vmem>>, vector<16xf32>,
        %parallel_loop3A_623 = arith.constant 16 : i32
        %parallel_loop3A_624 = arith.addi %parallel_loop3A_616, %parallel_loop3A_623 : i32
        %parallel_loop3A_625 = arith.index_cast %parallel_loop3A_624 : i32 to index
        %parallel_loop3A_626 = tpu.vector_load %arg6[%parallel_loop3A_625] {strides = array<i32>} : memref<8192xf32, #tpu.memory_space<vmem>>, vector<16xf32>,
        %parallel_loop3A_627 = arith.constant 0 : i32
        %parallel_loop3A_628 = vector.broadcast %parallel_loop3A_627 : i32 to vector<16xi32>
        %parallel_loop3A_629 = arith.cmpi slt, %xor3A_4, %parallel_loop3A_628 : vector<16xi32>
        %parallel_loop3A_630 = arith.constant 16 : i32
        %parallel_loop3A_631 = vector.broadcast %parallel_loop3A_630 : i32 to vector<16xi32>
        %parallel_loop3A_632 = arith.addi %xor3A_4, %parallel_loop3A_631 : vector<16xi32>
        %parallel_loop3A_633 = arith.select %parallel_loop3A_629, %parallel_loop3A_632, %xor3A_4 : vector<16xi1>, vector<16xi32>
        %parallel_loop3A_634 = vector.shape_cast %parallel_loop3A_633 : vector<16xi32> to vector<16x1xi32>
        %parallel_loop3A_635 = vector.shape_cast %parallel_loop3A_634 : vector<16x1xi32> to vector<16xi32>
        %parallel_loop3A_636 = tpu.dynamic_gather %parallel_loop3A_622[%parallel_loop3A_635] in [0] : vector<16xf32>, vector<16xi32> -> vector<16xf32>
        %parallel_loop3A_637 = arith.maximumf %parallel_loop3A_622, %parallel_loop3A_636 : vector<16xf32>
        %parallel_loop3A_638 = arith.constant 0 : i32
        %parallel_loop3A_639 = vector.broadcast %parallel_loop3A_638 : i32 to vector<16xi32>
        %parallel_loop3A_640 = arith.cmpi slt, %xor3A_4, %parallel_loop3A_639 : vector<16xi32>
        %parallel_loop3A_641 = arith.constant 16 : i32
        %parallel_loop3A_642 = vector.broadcast %parallel_loop3A_641 : i32 to vector<16xi32>
        %parallel_loop3A_643 = arith.addi %xor3A_4, %parallel_loop3A_642 : vector<16xi32>
        %parallel_loop3A_644 = arith.select %parallel_loop3A_640, %parallel_loop3A_643, %xor3A_4 : vector<16xi1>, vector<16xi32>
        %parallel_loop3A_645 = vector.shape_cast %parallel_loop3A_644 : vector<16xi32> to vector<16x1xi32>
        %parallel_loop3A_646 = vector.shape_cast %parallel_loop3A_645 : vector<16x1xi32> to vector<16xi32>
        %parallel_loop3A_647 = tpu.dynamic_gather %parallel_loop3A_626[%parallel_loop3A_646] in [0] : vector<16xf32>, vector<16xi32> -> vector<16xf32>
        %parallel_loop3A_648 = arith.maximumf %parallel_loop3A_626, %parallel_loop3A_647 : vector<16xf32>
        %parallel_loop3A_649 = arith.constant 0 : i32
        %parallel_loop3A_650 = vector.broadcast %parallel_loop3A_649 : i32 to vector<16xi32>
        %parallel_loop3A_651 = arith.cmpi slt, %mul3A_30, %parallel_loop3A_650 : vector<16xi32>
        %parallel_loop3A_652 = arith.constant 16 : i32
        %parallel_loop3A_653 = vector.broadcast %parallel_loop3A_652 : i32 to vector<16xi32>
        %parallel_loop3A_654 = arith.addi %mul3A_30, %parallel_loop3A_653 : vector<16xi32>
        %parallel_loop3A_655 = arith.select %parallel_loop3A_651, %parallel_loop3A_654, %mul3A_30 : vector<16xi1>, vector<16xi32>
        %parallel_loop3A_656 = vector.shape_cast %parallel_loop3A_655 : vector<16xi32> to vector<16x1xi32>
        %parallel_loop3A_657 = vector.shape_cast %parallel_loop3A_656 : vector<16x1xi32> to vector<16xi32>
        %parallel_loop3A_658 = tpu.dynamic_gather %parallel_loop3A_637[%parallel_loop3A_657] in [0] : vector<16xf32>, vector<16xi32> -> vector<16xf32>
        %parallel_loop3A_659 = arith.mulf %parallel_loop3A_658, %parallel_loop3A_312 : vector<16xf32>
        %parallel_loop3A_660 = arith.index_cast %parallel_loop3A_620 : i32 to index
        %parallel_loop3A_661 = tpu.vector_load %arg10[%parallel_loop3A_660] {strides = array<i32>} : memref<16384xf32, #tpu.memory_space<vmem>>, vector<16xf32>,
        tpu.vector_store %arg10[%parallel_loop3A_660], %parallel_loop3A_659 {strides = array<i32>} : memref<16384xf32, #tpu.memory_space<vmem>>, vector<16xf32>,
        %parallel_loop3A_662 = arith.constant 0 : i32
        %parallel_loop3A_663 = vector.broadcast %parallel_loop3A_662 : i32 to vector<16xi32>
        %parallel_loop3A_664 = arith.cmpi slt, %add3A_33, %parallel_loop3A_663 : vector<16xi32>
        %parallel_loop3A_665 = arith.constant 16 : i32
        %parallel_loop3A_666 = vector.broadcast %parallel_loop3A_665 : i32 to vector<16xi32>
        %parallel_loop3A_667 = arith.addi %add3A_33, %parallel_loop3A_666 : vector<16xi32>
        %parallel_loop3A_668 = arith.select %parallel_loop3A_664, %parallel_loop3A_667, %add3A_33 : vector<16xi1>, vector<16xi32>
        %parallel_loop3A_669 = vector.shape_cast %parallel_loop3A_668 : vector<16xi32> to vector<16x1xi32>
        %parallel_loop3A_670 = vector.shape_cast %parallel_loop3A_669 : vector<16x1xi32> to vector<16xi32>
        %parallel_loop3A_671 = tpu.dynamic_gather %parallel_loop3A_637[%parallel_loop3A_670] in [0] : vector<16xf32>, vector<16xi32> -> vector<16xf32>
        %parallel_loop3A_672 = arith.mulf %parallel_loop3A_671, %parallel_loop3A_318 : vector<16xf32>
        %parallel_loop3A_673 = arith.constant 16 : i32
        %parallel_loop3A_674 = arith.addi %parallel_loop3A_620, %parallel_loop3A_673 : i32
        %parallel_loop3A_675 = arith.index_cast %parallel_loop3A_674 : i32 to index
        %parallel_loop3A_676 = tpu.vector_load %arg10[%parallel_loop3A_675] {strides = array<i32>} : memref<16384xf32, #tpu.memory_space<vmem>>, vector<16xf32>,
        tpu.vector_store %arg10[%parallel_loop3A_675], %parallel_loop3A_672 {strides = array<i32>} : memref<16384xf32, #tpu.memory_space<vmem>>, vector<16xf32>,
        %parallel_loop3A_677 = arith.constant 0 : i32
        %parallel_loop3A_678 = vector.broadcast %parallel_loop3A_677 : i32 to vector<16xi32>
        %parallel_loop3A_679 = arith.cmpi slt, %mul3A_30, %parallel_loop3A_678 : vector<16xi32>
        %parallel_loop3A_680 = arith.constant 16 : i32
        %parallel_loop3A_681 = vector.broadcast %parallel_loop3A_680 : i32 to vector<16xi32>
        %parallel_loop3A_682 = arith.addi %mul3A_30, %parallel_loop3A_681 : vector<16xi32>
        %parallel_loop3A_683 = arith.select %parallel_loop3A_679, %parallel_loop3A_682, %mul3A_30 : vector<16xi1>, vector<16xi32>
        %parallel_loop3A_684 = vector.shape_cast %parallel_loop3A_683 : vector<16xi32> to vector<16x1xi32>
        %parallel_loop3A_685 = vector.shape_cast %parallel_loop3A_684 : vector<16x1xi32> to vector<16xi32>
        %parallel_loop3A_686 = tpu.dynamic_gather %parallel_loop3A_648[%parallel_loop3A_685] in [0] : vector<16xf32>, vector<16xi32> -> vector<16xf32>
        %parallel_loop3A_687 = arith.mulf %parallel_loop3A_686, %parallel_loop3A_324 : vector<16xf32>
        %parallel_loop3A_688 = arith.constant 32 : i32
        %parallel_loop3A_689 = arith.addi %parallel_loop3A_620, %parallel_loop3A_688 : i32
        %parallel_loop3A_690 = arith.index_cast %parallel_loop3A_689 : i32 to index
        %parallel_loop3A_691 = tpu.vector_load %arg10[%parallel_loop3A_690] {strides = array<i32>} : memref<16384xf32, #tpu.memory_space<vmem>>, vector<16xf32>,
        tpu.vector_store %arg10[%parallel_loop3A_690], %parallel_loop3A_687 {strides = array<i32>} : memref<16384xf32, #tpu.memory_space<vmem>>, vector<16xf32>,
        %parallel_loop3A_692 = arith.constant 0 : i32
        %parallel_loop3A_693 = vector.broadcast %parallel_loop3A_692 : i32 to vector<16xi32>
        %parallel_loop3A_694 = arith.cmpi slt, %add3A_33, %parallel_loop3A_693 : vector<16xi32>
        %parallel_loop3A_695 = arith.constant 16 : i32
        %parallel_loop3A_696 = vector.broadcast %parallel_loop3A_695 : i32 to vector<16xi32>
        %parallel_loop3A_697 = arith.addi %add3A_33, %parallel_loop3A_696 : vector<16xi32>
        %parallel_loop3A_698 = arith.select %parallel_loop3A_694, %parallel_loop3A_697, %add3A_33 : vector<16xi1>, vector<16xi32>
        %parallel_loop3A_699 = vector.shape_cast %parallel_loop3A_698 : vector<16xi32> to vector<16x1xi32>
        %parallel_loop3A_700 = vector.shape_cast %parallel_loop3A_699 : vector<16x1xi32> to vector<16xi32>
        %parallel_loop3A_701 = tpu.dynamic_gather %parallel_loop3A_648[%parallel_loop3A_700] in [0] : vector<16xf32>, vector<16xi32> -> vector<16xf32>
        %parallel_loop3A_702 = arith.mulf %parallel_loop3A_701, %parallel_loop3A_330 : vector<16xf32>
        %parallel_loop3A_703 = arith.constant 48 : i32
        %parallel_loop3A_704 = arith.addi %parallel_loop3A_620, %parallel_loop3A_703 : i32
        %parallel_loop3A_705 = arith.index_cast %parallel_loop3A_704 : i32 to index
        %parallel_loop3A_706 = tpu.vector_load %arg10[%parallel_loop3A_705] {strides = array<i32>} : memref<16384xf32, #tpu.memory_space<vmem>>, vector<16xf32>,
        tpu.vector_store %arg10[%parallel_loop3A_705], %parallel_loop3A_702 {strides = array<i32>} : memref<16384xf32, #tpu.memory_space<vmem>>, vector<16xf32>,
      } {sc.loop_unroll_factor = 1 : i64, sc.parallel_access}
      %mul3A_191 = arith.constant 4 : i32
      %mul3A_192 = arith.muli %add3A_148, %mul3A_191 : i32
      %add3A_193 = arith.addi %mul3A_2, %mul3A_192 : i32
      %mul3A_194 = arith.constant 4096 : i32
      %mul3A_195 = arith.muli %add3A_193, %mul3A_194 : i32
      %dma_start3A_196 = tpu.memref_slice %arg4[%mul3A_195] : memref<16777216xf32, #tpu.memory_space<hbm>> -> memref<16384xf32, #tpu.memory_space<hbm>>
      %dma_start3A_197 = tpu.memref_slice %arg4[%mul3A_195] : memref<16777216xf32, #tpu.memory_space<hbm>> -> memref<16384xf32, #tpu.memory_space<hbm>>
      tpu.enqueue_dma source(%arg10 : memref<16384xf32, #tpu.memory_space<vmem>>) target(%dma_start3A_197 : memref<16384xf32, #tpu.memory_space<hbm>>) target_semaphore(%arg19 : memref<!tpu.dma_semaphore, #tpu.memory_space<semaphore_mem>>)
      %mul3A_198 = arith.constant 4 : i32
      %mul3A_199 = arith.muli %scan3A_97, %mul3A_198 : i32
      %add3A_200 = arith.constant 2 : i32
      %add3A_201 = arith.addi %mul3A_199, %add3A_200 : i32
      %mul3A_202 = arith.constant 4 : i32
      %mul3A_203 = arith.muli %add3A_201, %mul3A_202 : i32
      %add3A_204 = arith.addi %mul3A_2, %mul3A_203 : i32
      %mul3A_205 = arith.constant 2048 : i32
      %mul3A_206 = arith.muli %add3A_204, %mul3A_205 : i32
      %dma_wait3A_207 = tpu.memref_slice %arg2[%mul3A_206] : memref<8388608xf32, #tpu.memory_space<hbm>> -> memref<8192xf32, #tpu.memory_space<hbm>>
      %dma_wait3A_208 = tpu.memref_slice %arg2[%mul3A_206] : memref<8388608xf32, #tpu.memory_space<hbm>> -> memref<8192xf32, #tpu.memory_space<hbm>>
      tpu.wait_dma2 semaphore(%arg16 : memref<!tpu.dma_semaphore, #tpu.memory_space<semaphore_mem>>) src(%dma_wait3A_208 : memref<8192xf32, #tpu.memory_space<hbm>>) dst(%arg7 : memref<8192xf32, #tpu.memory_space<vmem>>)
      %add3A_209 = arith.constant 4 : i32
      %add3A_210 = arith.addi %add3A_201, %add3A_209 : i32
      %sub3A_211 = arith.constant 1 : i32
      %sub3A_212 = arith.subi %add3A_210, %sub3A_211 : i32
      %jit3A_213 = arith.constant 32 : i32
      %eq3A_214 = arith.constant 0 : i32
      %eq3A_215 = arith.cmpi eq, %jit3A_213, %eq3A_214 : i32
      %jit3A_216 = arith.constant 1 : i32
      %select_n3A_217 = arith.select %eq3A_215, %jit3A_216, %jit3A_213 : i32
      %rem3A_218 = arith.remsi %sub3A_212, %select_n3A_217 : i32
      %ne3A_219 = arith.constant 0 : i32
      %ne3A_220 = arith.cmpi ne, %rem3A_218, %ne3A_219 : i32
      %lt3A_221 = arith.constant 0 : i32
      %lt3A_222 = arith.cmpi slt, %rem3A_218, %lt3A_221 : i32
      %lt3A_223 = arith.constant 0 : i32
      %lt3A_224 = arith.cmpi slt, %select_n3A_217, %lt3A_223 : i32
      %ne3A_225 = arith.xori %lt3A_222, %lt3A_224 : i1
      %and3A_226 = arith.andi %ne3A_225, %ne3A_220 : i1
      %add3A_227 = arith.addi %rem3A_218, %select_n3A_217 : i32
      %select_n3A_228 = arith.select %and3A_226, %add3A_227, %rem3A_218 : i32
      %mul3A_229 = arith.constant 4 : i32
      %mul3A_230 = arith.muli %select_n3A_228, %mul3A_229 : i32
      %add3A_231 = arith.addi %mul3A_2, %mul3A_230 : i32
      %mul3A_232 = arith.constant 2048 : i32
      %mul3A_233 = arith.muli %add3A_231, %mul3A_232 : i32
      %dma_start3A_234 = tpu.memref_slice %arg2[%mul3A_233] : memref<8388608xf32, #tpu.memory_space<hbm>> -> memref<8192xf32, #tpu.memory_space<hbm>>
      %dma_start3A_235 = tpu.memref_slice %arg2[%mul3A_233] : memref<8388608xf32, #tpu.memory_space<hbm>> -> memref<8192xf32, #tpu.memory_space<hbm>>
      tpu.enqueue_dma source(%dma_start3A_235 : memref<8192xf32, #tpu.memory_space<hbm>>) target(%arg6 : memref<8192xf32, #tpu.memory_space<vmem>>) target_semaphore(%arg15 : memref<!tpu.dma_semaphore, #tpu.memory_space<semaphore_mem>>)
      %ge3A_236 = arith.constant 1 : i32
      %ge3A_237 = arith.cmpi sge, %scan3A_97, %ge3A_236 : i32
      %convert_element_type3A_238 = arith.extui %ge3A_237 : i1 to i32
      %cond3A_239 = arith.constant 0 : i32
      %cond3A_240 = arith.cmpi ne, %convert_element_type3A_238, %cond3A_239 : i32
      scf.if %cond3A_240 {
        %sub3A_304 = arith.constant 4 : i32
        %sub3A_305 = arith.subi %add3A_201, %sub3A_304 : i32
        %mul3A_306 = arith.constant 4 : i32
        %mul3A_307 = arith.muli %sub3A_305, %mul3A_306 : i32
        %add3A_308 = arith.addi %mul3A_2, %mul3A_307 : i32
        %mul3A_309 = arith.constant 4096 : i32
        %mul3A_310 = arith.muli %add3A_308, %mul3A_309 : i32
        %dma_wait3A_311 = tpu.memref_slice %arg4[%mul3A_310] : memref<16777216xf32, #tpu.memory_space<hbm>> -> memref<16384xf32, #tpu.memory_space<hbm>>
        %dma_wait3A_312 = tpu.memref_slice %arg4[%mul3A_310] : memref<16777216xf32, #tpu.memory_space<hbm>> -> memref<16384xf32, #tpu.memory_space<hbm>>
        tpu.wait_dma2 semaphore(%arg20 : memref<!tpu.dma_semaphore, #tpu.memory_space<semaphore_mem>>) src(%arg11 : memref<16384xf32, #tpu.memory_space<vmem>>) dst(%dma_wait3A_312 : memref<16384xf32, #tpu.memory_space<hbm>>)
      } else {
      }
      %parallel_loop3A_241 = arith.constant 0 : i32
      %parallel_loop3A_242 = arith.constant 64 : i32
      %parallel_loop3A_243 = arith.constant 1 : i32
      scf.for %parallel_loop3A_304 = %parallel_loop3A_241 to %parallel_loop3A_242 step %parallel_loop3A_243  : i32 {
        %parallel_loop3A_305 = arith.constant 16 : i32
        %parallel_loop3A_306 = arith.muli %parallel_loop3A_304, %parallel_loop3A_305 : i32
        %parallel_loop3A_307 = arith.constant 4 : i32
        %parallel_loop3A_308 = arith.muli %parallel_loop3A_306, %parallel_loop3A_307 : i32
        %parallel_loop3A_309 = arith.constant 0 : i32
        %parallel_loop3A_310 = arith.addi %parallel_loop3A_308, %parallel_loop3A_309 : i32
        %parallel_loop3A_311 = arith.index_cast %parallel_loop3A_310 : i32 to index
        %parallel_loop3A_312 = tpu.vector_load %arg13[%parallel_loop3A_311] {strides = array<i32>} : memref<4096xf32, #tpu.memory_space<vmem>>, vector<16xf32>,
        %parallel_loop3A_313 = arith.constant 4 : i32
        %parallel_loop3A_314 = arith.muli %parallel_loop3A_306, %parallel_loop3A_313 : i32
        %parallel_loop3A_315 = arith.constant 16 : i32
        %parallel_loop3A_316 = arith.addi %parallel_loop3A_314, %parallel_loop3A_315 : i32
        %parallel_loop3A_317 = arith.index_cast %parallel_loop3A_316 : i32 to index
        %parallel_loop3A_318 = tpu.vector_load %arg13[%parallel_loop3A_317] {strides = array<i32>} : memref<4096xf32, #tpu.memory_space<vmem>>, vector<16xf32>,
        %parallel_loop3A_319 = arith.constant 4 : i32
        %parallel_loop3A_320 = arith.muli %parallel_loop3A_306, %parallel_loop3A_319 : i32
        %parallel_loop3A_321 = arith.constant 32 : i32
        %parallel_loop3A_322 = arith.addi %parallel_loop3A_320, %parallel_loop3A_321 : i32
        %parallel_loop3A_323 = arith.index_cast %parallel_loop3A_322 : i32 to index
        %parallel_loop3A_324 = tpu.vector_load %arg13[%parallel_loop3A_323] {strides = array<i32>} : memref<4096xf32, #tpu.memory_space<vmem>>, vector<16xf32>,
        %parallel_loop3A_325 = arith.constant 4 : i32
        %parallel_loop3A_326 = arith.muli %parallel_loop3A_306, %parallel_loop3A_325 : i32
        %parallel_loop3A_327 = arith.constant 48 : i32
        %parallel_loop3A_328 = arith.addi %parallel_loop3A_326, %parallel_loop3A_327 : i32
        %parallel_loop3A_329 = arith.index_cast %parallel_loop3A_328 : i32 to index
        %parallel_loop3A_330 = tpu.vector_load %arg13[%parallel_loop3A_329] {strides = array<i32>} : memref<4096xf32, #tpu.memory_space<vmem>>, vector<16xf32>,
        %parallel_loop3A_331 = arith.constant 2 : i32
        %parallel_loop3A_332 = arith.muli %parallel_loop3A_306, %parallel_loop3A_331 : i32
        %parallel_loop3A_333 = arith.constant 0 : i32
        %parallel_loop3A_334 = arith.addi %parallel_loop3A_333, %parallel_loop3A_332 : i32
        %parallel_loop3A_335 = arith.constant 4 : i32
        %parallel_loop3A_336 = arith.muli %parallel_loop3A_306, %parallel_loop3A_335 : i32
        %parallel_loop3A_337 = arith.constant 0 : i32
        %parallel_loop3A_338 = arith.addi %parallel_loop3A_337, %parallel_loop3A_336 : i32
        %parallel_loop3A_339 = arith.index_cast %parallel_loop3A_334 : i32 to index
        %parallel_loop3A_340 = tpu.vector_load %arg7[%parallel_loop3A_339] {strides = array<i32>} : memref<8192xf32, #tpu.memory_space<vmem>>, vector<16xf32>,
        %parallel_loop3A_341 = arith.constant 16 : i32
        %parallel_loop3A_342 = arith.addi %parallel_loop3A_334, %parallel_loop3A_341 : i32
        %parallel_loop3A_343 = arith.index_cast %parallel_loop3A_342 : i32 to index
        %parallel_loop3A_344 = tpu.vector_load %arg7[%parallel_loop3A_343] {strides = array<i32>} : memref<8192xf32, #tpu.memory_space<vmem>>, vector<16xf32>,
        %parallel_loop3A_345 = arith.constant 0 : i32
        %parallel_loop3A_346 = vector.broadcast %parallel_loop3A_345 : i32 to vector<16xi32>
        %parallel_loop3A_347 = arith.cmpi slt, %xor3A_4, %parallel_loop3A_346 : vector<16xi32>
        %parallel_loop3A_348 = arith.constant 16 : i32
        %parallel_loop3A_349 = vector.broadcast %parallel_loop3A_348 : i32 to vector<16xi32>
        %parallel_loop3A_350 = arith.addi %xor3A_4, %parallel_loop3A_349 : vector<16xi32>
        %parallel_loop3A_351 = arith.select %parallel_loop3A_347, %parallel_loop3A_350, %xor3A_4 : vector<16xi1>, vector<16xi32>
        %parallel_loop3A_352 = vector.shape_cast %parallel_loop3A_351 : vector<16xi32> to vector<16x1xi32>
        %parallel_loop3A_353 = vector.shape_cast %parallel_loop3A_352 : vector<16x1xi32> to vector<16xi32>
        %parallel_loop3A_354 = tpu.dynamic_gather %parallel_loop3A_340[%parallel_loop3A_353] in [0] : vector<16xf32>, vector<16xi32> -> vector<16xf32>
        %parallel_loop3A_355 = arith.maximumf %parallel_loop3A_340, %parallel_loop3A_354 : vector<16xf32>
        %parallel_loop3A_356 = arith.constant 0 : i32
        %parallel_loop3A_357 = vector.broadcast %parallel_loop3A_356 : i32 to vector<16xi32>
        %parallel_loop3A_358 = arith.cmpi slt, %xor3A_4, %parallel_loop3A_357 : vector<16xi32>
        %parallel_loop3A_359 = arith.constant 16 : i32
        %parallel_loop3A_360 = vector.broadcast %parallel_loop3A_359 : i32 to vector<16xi32>
        %parallel_loop3A_361 = arith.addi %xor3A_4, %parallel_loop3A_360 : vector<16xi32>
        %parallel_loop3A_362 = arith.select %parallel_loop3A_358, %parallel_loop3A_361, %xor3A_4 : vector<16xi1>, vector<16xi32>
        %parallel_loop3A_363 = vector.shape_cast %parallel_loop3A_362 : vector<16xi32> to vector<16x1xi32>
        %parallel_loop3A_364 = vector.shape_cast %parallel_loop3A_363 : vector<16x1xi32> to vector<16xi32>
        %parallel_loop3A_365 = tpu.dynamic_gather %parallel_loop3A_344[%parallel_loop3A_364] in [0] : vector<16xf32>, vector<16xi32> -> vector<16xf32>
        %parallel_loop3A_366 = arith.maximumf %parallel_loop3A_344, %parallel_loop3A_365 : vector<16xf32>
        %parallel_loop3A_367 = arith.constant 0 : i32
        %parallel_loop3A_368 = vector.broadcast %parallel_loop3A_367 : i32 to vector<16xi32>
        %parallel_loop3A_369 = arith.cmpi slt, %mul3A_30, %parallel_loop3A_368 : vector<16xi32>
        %parallel_loop3A_370 = arith.constant 16 : i32
        %parallel_loop3A_371 = vector.broadcast %parallel_loop3A_370 : i32 to vector<16xi32>
        %parallel_loop3A_372 = arith.addi %mul3A_30, %parallel_loop3A_371 : vector<16xi32>
        %parallel_loop3A_373 = arith.select %parallel_loop3A_369, %parallel_loop3A_372, %mul3A_30 : vector<16xi1>, vector<16xi32>
        %parallel_loop3A_374 = vector.shape_cast %parallel_loop3A_373 : vector<16xi32> to vector<16x1xi32>
        %parallel_loop3A_375 = vector.shape_cast %parallel_loop3A_374 : vector<16x1xi32> to vector<16xi32>
        %parallel_loop3A_376 = tpu.dynamic_gather %parallel_loop3A_355[%parallel_loop3A_375] in [0] : vector<16xf32>, vector<16xi32> -> vector<16xf32>
        %parallel_loop3A_377 = arith.mulf %parallel_loop3A_376, %parallel_loop3A_312 : vector<16xf32>
        %parallel_loop3A_378 = arith.index_cast %parallel_loop3A_338 : i32 to index
        %parallel_loop3A_379 = tpu.vector_load %arg11[%parallel_loop3A_378] {strides = array<i32>} : memref<16384xf32, #tpu.memory_space<vmem>>, vector<16xf32>,
        tpu.vector_store %arg11[%parallel_loop3A_378], %parallel_loop3A_377 {strides = array<i32>} : memref<16384xf32, #tpu.memory_space<vmem>>, vector<16xf32>,
        %parallel_loop3A_380 = arith.constant 0 : i32
        %parallel_loop3A_381 = vector.broadcast %parallel_loop3A_380 : i32 to vector<16xi32>
        %parallel_loop3A_382 = arith.cmpi slt, %add3A_33, %parallel_loop3A_381 : vector<16xi32>
        %parallel_loop3A_383 = arith.constant 16 : i32
        %parallel_loop3A_384 = vector.broadcast %parallel_loop3A_383 : i32 to vector<16xi32>
        %parallel_loop3A_385 = arith.addi %add3A_33, %parallel_loop3A_384 : vector<16xi32>
        %parallel_loop3A_386 = arith.select %parallel_loop3A_382, %parallel_loop3A_385, %add3A_33 : vector<16xi1>, vector<16xi32>
        %parallel_loop3A_387 = vector.shape_cast %parallel_loop3A_386 : vector<16xi32> to vector<16x1xi32>
        %parallel_loop3A_388 = vector.shape_cast %parallel_loop3A_387 : vector<16x1xi32> to vector<16xi32>
        %parallel_loop3A_389 = tpu.dynamic_gather %parallel_loop3A_355[%parallel_loop3A_388] in [0] : vector<16xf32>, vector<16xi32> -> vector<16xf32>
        %parallel_loop3A_390 = arith.mulf %parallel_loop3A_389, %parallel_loop3A_318 : vector<16xf32>
        %parallel_loop3A_391 = arith.constant 16 : i32
        %parallel_loop3A_392 = arith.addi %parallel_loop3A_338, %parallel_loop3A_391 : i32
        %parallel_loop3A_393 = arith.index_cast %parallel_loop3A_392 : i32 to index
        %parallel_loop3A_394 = tpu.vector_load %arg11[%parallel_loop3A_393] {strides = array<i32>} : memref<16384xf32, #tpu.memory_space<vmem>>, vector<16xf32>,
        tpu.vector_store %arg11[%parallel_loop3A_393], %parallel_loop3A_390 {strides = array<i32>} : memref<16384xf32, #tpu.memory_space<vmem>>, vector<16xf32>,
        %parallel_loop3A_395 = arith.constant 0 : i32
        %parallel_loop3A_396 = vector.broadcast %parallel_loop3A_395 : i32 to vector<16xi32>
        %parallel_loop3A_397 = arith.cmpi slt, %mul3A_30, %parallel_loop3A_396 : vector<16xi32>
        %parallel_loop3A_398 = arith.constant 16 : i32
        %parallel_loop3A_399 = vector.broadcast %parallel_loop3A_398 : i32 to vector<16xi32>
        %parallel_loop3A_400 = arith.addi %mul3A_30, %parallel_loop3A_399 : vector<16xi32>
        %parallel_loop3A_401 = arith.select %parallel_loop3A_397, %parallel_loop3A_400, %mul3A_30 : vector<16xi1>, vector<16xi32>
        %parallel_loop3A_402 = vector.shape_cast %parallel_loop3A_401 : vector<16xi32> to vector<16x1xi32>
        %parallel_loop3A_403 = vector.shape_cast %parallel_loop3A_402 : vector<16x1xi32> to vector<16xi32>
        %parallel_loop3A_404 = tpu.dynamic_gather %parallel_loop3A_366[%parallel_loop3A_403] in [0] : vector<16xf32>, vector<16xi32> -> vector<16xf32>
        %parallel_loop3A_405 = arith.mulf %parallel_loop3A_404, %parallel_loop3A_324 : vector<16xf32>
        %parallel_loop3A_406 = arith.constant 32 : i32
        %parallel_loop3A_407 = arith.addi %parallel_loop3A_338, %parallel_loop3A_406 : i32
        %parallel_loop3A_408 = arith.index_cast %parallel_loop3A_407 : i32 to index
        %parallel_loop3A_409 = tpu.vector_load %arg11[%parallel_loop3A_408] {strides = array<i32>} : memref<16384xf32, #tpu.memory_space<vmem>>, vector<16xf32>,
        tpu.vector_store %arg11[%parallel_loop3A_408], %parallel_loop3A_405 {strides = array<i32>} : memref<16384xf32, #tpu.memory_space<vmem>>, vector<16xf32>,
        %parallel_loop3A_410 = arith.constant 0 : i32
        %parallel_loop3A_411 = vector.broadcast %parallel_loop3A_410 : i32 to vector<16xi32>
        %parallel_loop3A_412 = arith.cmpi slt, %add3A_33, %parallel_loop3A_411 : vector<16xi32>
        %parallel_loop3A_413 = arith.constant 16 : i32
        %parallel_loop3A_414 = vector.broadcast %parallel_loop3A_413 : i32 to vector<16xi32>
        %parallel_loop3A_415 = arith.addi %add3A_33, %parallel_loop3A_414 : vector<16xi32>
        %parallel_loop3A_416 = arith.select %parallel_loop3A_412, %parallel_loop3A_415, %add3A_33 : vector<16xi1>, vector<16xi32>
        %parallel_loop3A_417 = vector.shape_cast %parallel_loop3A_416 : vector<16xi32> to vector<16x1xi32>
        %parallel_loop3A_418 = vector.shape_cast %parallel_loop3A_417 : vector<16x1xi32> to vector<16xi32>
        %parallel_loop3A_419 = tpu.dynamic_gather %parallel_loop3A_366[%parallel_loop3A_418] in [0] : vector<16xf32>, vector<16xi32> -> vector<16xf32>
        %parallel_loop3A_420 = arith.mulf %parallel_loop3A_419, %parallel_loop3A_330 : vector<16xf32>
        %parallel_loop3A_421 = arith.constant 48 : i32
        %parallel_loop3A_422 = arith.addi %parallel_loop3A_338, %parallel_loop3A_421 : i32
        %parallel_loop3A_423 = arith.index_cast %parallel_loop3A_422 : i32 to index
        %parallel_loop3A_424 = tpu.vector_load %arg11[%parallel_loop3A_423] {strides = array<i32>} : memref<16384xf32, #tpu.memory_space<vmem>>, vector<16xf32>,
        tpu.vector_store %arg11[%parallel_loop3A_423], %parallel_loop3A_420 {strides = array<i32>} : memref<16384xf32, #tpu.memory_space<vmem>>, vector<16xf32>,
        %parallel_loop3A_425 = arith.constant 2 : i32
        %parallel_loop3A_426 = arith.muli %parallel_loop3A_306, %parallel_loop3A_425 : i32
        %parallel_loop3A_427 = arith.constant 2048 : i32
        %parallel_loop3A_428 = arith.addi %parallel_loop3A_427, %parallel_loop3A_426 : i32
        %parallel_loop3A_429 = arith.constant 4 : i32
        %parallel_loop3A_430 = arith.muli %parallel_loop3A_306, %parallel_loop3A_429 : i32
        %parallel_loop3A_431 = arith.constant 4096 : i32
        %parallel_loop3A_432 = arith.addi %parallel_loop3A_431, %parallel_loop3A_430 : i32
        %parallel_loop3A_433 = arith.index_cast %parallel_loop3A_428 : i32 to index
        %parallel_loop3A_434 = tpu.vector_load %arg7[%parallel_loop3A_433] {strides = array<i32>} : memref<8192xf32, #tpu.memory_space<vmem>>, vector<16xf32>,
        %parallel_loop3A_435 = arith.constant 16 : i32
        %parallel_loop3A_436 = arith.addi %parallel_loop3A_428, %parallel_loop3A_435 : i32
        %parallel_loop3A_437 = arith.index_cast %parallel_loop3A_436 : i32 to index
        %parallel_loop3A_438 = tpu.vector_load %arg7[%parallel_loop3A_437] {strides = array<i32>} : memref<8192xf32, #tpu.memory_space<vmem>>, vector<16xf32>,
        %parallel_loop3A_439 = arith.constant 0 : i32
        %parallel_loop3A_440 = vector.broadcast %parallel_loop3A_439 : i32 to vector<16xi32>
        %parallel_loop3A_441 = arith.cmpi slt, %xor3A_4, %parallel_loop3A_440 : vector<16xi32>
        %parallel_loop3A_442 = arith.constant 16 : i32
        %parallel_loop3A_443 = vector.broadcast %parallel_loop3A_442 : i32 to vector<16xi32>
        %parallel_loop3A_444 = arith.addi %xor3A_4, %parallel_loop3A_443 : vector<16xi32>
        %parallel_loop3A_445 = arith.select %parallel_loop3A_441, %parallel_loop3A_444, %xor3A_4 : vector<16xi1>, vector<16xi32>
        %parallel_loop3A_446 = vector.shape_cast %parallel_loop3A_445 : vector<16xi32> to vector<16x1xi32>
        %parallel_loop3A_447 = vector.shape_cast %parallel_loop3A_446 : vector<16x1xi32> to vector<16xi32>
        %parallel_loop3A_448 = tpu.dynamic_gather %parallel_loop3A_434[%parallel_loop3A_447] in [0] : vector<16xf32>, vector<16xi32> -> vector<16xf32>
        %parallel_loop3A_449 = arith.maximumf %parallel_loop3A_434, %parallel_loop3A_448 : vector<16xf32>
        %parallel_loop3A_450 = arith.constant 0 : i32
        %parallel_loop3A_451 = vector.broadcast %parallel_loop3A_450 : i32 to vector<16xi32>
        %parallel_loop3A_452 = arith.cmpi slt, %xor3A_4, %parallel_loop3A_451 : vector<16xi32>
        %parallel_loop3A_453 = arith.constant 16 : i32
        %parallel_loop3A_454 = vector.broadcast %parallel_loop3A_453 : i32 to vector<16xi32>
        %parallel_loop3A_455 = arith.addi %xor3A_4, %parallel_loop3A_454 : vector<16xi32>
        %parallel_loop3A_456 = arith.select %parallel_loop3A_452, %parallel_loop3A_455, %xor3A_4 : vector<16xi1>, vector<16xi32>
        %parallel_loop3A_457 = vector.shape_cast %parallel_loop3A_456 : vector<16xi32> to vector<16x1xi32>
        %parallel_loop3A_458 = vector.shape_cast %parallel_loop3A_457 : vector<16x1xi32> to vector<16xi32>
        %parallel_loop3A_459 = tpu.dynamic_gather %parallel_loop3A_438[%parallel_loop3A_458] in [0] : vector<16xf32>, vector<16xi32> -> vector<16xf32>
        %parallel_loop3A_460 = arith.maximumf %parallel_loop3A_438, %parallel_loop3A_459 : vector<16xf32>
        %parallel_loop3A_461 = arith.constant 0 : i32
        %parallel_loop3A_462 = vector.broadcast %parallel_loop3A_461 : i32 to vector<16xi32>
        %parallel_loop3A_463 = arith.cmpi slt, %mul3A_30, %parallel_loop3A_462 : vector<16xi32>
        %parallel_loop3A_464 = arith.constant 16 : i32
        %parallel_loop3A_465 = vector.broadcast %parallel_loop3A_464 : i32 to vector<16xi32>
        %parallel_loop3A_466 = arith.addi %mul3A_30, %parallel_loop3A_465 : vector<16xi32>
        %parallel_loop3A_467 = arith.select %parallel_loop3A_463, %parallel_loop3A_466, %mul3A_30 : vector<16xi1>, vector<16xi32>
        %parallel_loop3A_468 = vector.shape_cast %parallel_loop3A_467 : vector<16xi32> to vector<16x1xi32>
        %parallel_loop3A_469 = vector.shape_cast %parallel_loop3A_468 : vector<16x1xi32> to vector<16xi32>
        %parallel_loop3A_470 = tpu.dynamic_gather %parallel_loop3A_449[%parallel_loop3A_469] in [0] : vector<16xf32>, vector<16xi32> -> vector<16xf32>
        %parallel_loop3A_471 = arith.mulf %parallel_loop3A_470, %parallel_loop3A_312 : vector<16xf32>
        %parallel_loop3A_472 = arith.index_cast %parallel_loop3A_432 : i32 to index
        %parallel_loop3A_473 = tpu.vector_load %arg11[%parallel_loop3A_472] {strides = array<i32>} : memref<16384xf32, #tpu.memory_space<vmem>>, vector<16xf32>,
        tpu.vector_store %arg11[%parallel_loop3A_472], %parallel_loop3A_471 {strides = array<i32>} : memref<16384xf32, #tpu.memory_space<vmem>>, vector<16xf32>,
        %parallel_loop3A_474 = arith.constant 0 : i32
        %parallel_loop3A_475 = vector.broadcast %parallel_loop3A_474 : i32 to vector<16xi32>
        %parallel_loop3A_476 = arith.cmpi slt, %add3A_33, %parallel_loop3A_475 : vector<16xi32>
        %parallel_loop3A_477 = arith.constant 16 : i32
        %parallel_loop3A_478 = vector.broadcast %parallel_loop3A_477 : i32 to vector<16xi32>
        %parallel_loop3A_479 = arith.addi %add3A_33, %parallel_loop3A_478 : vector<16xi32>
        %parallel_loop3A_480 = arith.select %parallel_loop3A_476, %parallel_loop3A_479, %add3A_33 : vector<16xi1>, vector<16xi32>
        %parallel_loop3A_481 = vector.shape_cast %parallel_loop3A_480 : vector<16xi32> to vector<16x1xi32>
        %parallel_loop3A_482 = vector.shape_cast %parallel_loop3A_481 : vector<16x1xi32> to vector<16xi32>
        %parallel_loop3A_483 = tpu.dynamic_gather %parallel_loop3A_449[%parallel_loop3A_482] in [0] : vector<16xf32>, vector<16xi32> -> vector<16xf32>
        %parallel_loop3A_484 = arith.mulf %parallel_loop3A_483, %parallel_loop3A_318 : vector<16xf32>
        %parallel_loop3A_485 = arith.constant 16 : i32
        %parallel_loop3A_486 = arith.addi %parallel_loop3A_432, %parallel_loop3A_485 : i32
        %parallel_loop3A_487 = arith.index_cast %parallel_loop3A_486 : i32 to index
        %parallel_loop3A_488 = tpu.vector_load %arg11[%parallel_loop3A_487] {strides = array<i32>} : memref<16384xf32, #tpu.memory_space<vmem>>, vector<16xf32>,
        tpu.vector_store %arg11[%parallel_loop3A_487], %parallel_loop3A_484 {strides = array<i32>} : memref<16384xf32, #tpu.memory_space<vmem>>, vector<16xf32>,
        %parallel_loop3A_489 = arith.constant 0 : i32
        %parallel_loop3A_490 = vector.broadcast %parallel_loop3A_489 : i32 to vector<16xi32>
        %parallel_loop3A_491 = arith.cmpi slt, %mul3A_30, %parallel_loop3A_490 : vector<16xi32>
        %parallel_loop3A_492 = arith.constant 16 : i32
        %parallel_loop3A_493 = vector.broadcast %parallel_loop3A_492 : i32 to vector<16xi32>
        %parallel_loop3A_494 = arith.addi %mul3A_30, %parallel_loop3A_493 : vector<16xi32>
        %parallel_loop3A_495 = arith.select %parallel_loop3A_491, %parallel_loop3A_494, %mul3A_30 : vector<16xi1>, vector<16xi32>
        %parallel_loop3A_496 = vector.shape_cast %parallel_loop3A_495 : vector<16xi32> to vector<16x1xi32>
        %parallel_loop3A_497 = vector.shape_cast %parallel_loop3A_496 : vector<16x1xi32> to vector<16xi32>
        %parallel_loop3A_498 = tpu.dynamic_gather %parallel_loop3A_460[%parallel_loop3A_497] in [0] : vector<16xf32>, vector<16xi32> -> vector<16xf32>
        %parallel_loop3A_499 = arith.mulf %parallel_loop3A_498, %parallel_loop3A_324 : vector<16xf32>
        %parallel_loop3A_500 = arith.constant 32 : i32
        %parallel_loop3A_501 = arith.addi %parallel_loop3A_432, %parallel_loop3A_500 : i32
        %parallel_loop3A_502 = arith.index_cast %parallel_loop3A_501 : i32 to index
        %parallel_loop3A_503 = tpu.vector_load %arg11[%parallel_loop3A_502] {strides = array<i32>} : memref<16384xf32, #tpu.memory_space<vmem>>, vector<16xf32>,
        tpu.vector_store %arg11[%parallel_loop3A_502], %parallel_loop3A_499 {strides = array<i32>} : memref<16384xf32, #tpu.memory_space<vmem>>, vector<16xf32>,
        %parallel_loop3A_504 = arith.constant 0 : i32
        %parallel_loop3A_505 = vector.broadcast %parallel_loop3A_504 : i32 to vector<16xi32>
        %parallel_loop3A_506 = arith.cmpi slt, %add3A_33, %parallel_loop3A_505 : vector<16xi32>
        %parallel_loop3A_507 = arith.constant 16 : i32
        %parallel_loop3A_508 = vector.broadcast %parallel_loop3A_507 : i32 to vector<16xi32>
        %parallel_loop3A_509 = arith.addi %add3A_33, %parallel_loop3A_508 : vector<16xi32>
        %parallel_loop3A_510 = arith.select %parallel_loop3A_506, %parallel_loop3A_509, %add3A_33 : vector<16xi1>, vector<16xi32>
        %parallel_loop3A_511 = vector.shape_cast %parallel_loop3A_510 : vector<16xi32> to vector<16x1xi32>
        %parallel_loop3A_512 = vector.shape_cast %parallel_loop3A_511 : vector<16x1xi32> to vector<16xi32>
        %parallel_loop3A_513 = tpu.dynamic_gather %parallel_loop3A_460[%parallel_loop3A_512] in [0] : vector<16xf32>, vector<16xi32> -> vector<16xf32>
        %parallel_loop3A_514 = arith.mulf %parallel_loop3A_513, %parallel_loop3A_330 : vector<16xf32>
        %parallel_loop3A_515 = arith.constant 48 : i32
        %parallel_loop3A_516 = arith.addi %parallel_loop3A_432, %parallel_loop3A_515 : i32
        %parallel_loop3A_517 = arith.index_cast %parallel_loop3A_516 : i32 to index
        %parallel_loop3A_518 = tpu.vector_load %arg11[%parallel_loop3A_517] {strides = array<i32>} : memref<16384xf32, #tpu.memory_space<vmem>>, vector<16xf32>,
        tpu.vector_store %arg11[%parallel_loop3A_517], %parallel_loop3A_514 {strides = array<i32>} : memref<16384xf32, #tpu.memory_space<vmem>>, vector<16xf32>,
        %parallel_loop3A_519 = arith.constant 2 : i32
        %parallel_loop3A_520 = arith.muli %parallel_loop3A_306, %parallel_loop3A_519 : i32
        %parallel_loop3A_521 = arith.constant 4096 : i32
        %parallel_loop3A_522 = arith.addi %parallel_loop3A_521, %parallel_loop3A_520 : i32
        %parallel_loop3A_523 = arith.constant 4 : i32
        %parallel_loop3A_524 = arith.muli %parallel_loop3A_306, %parallel_loop3A_523 : i32
        %parallel_loop3A_525 = arith.constant 8192 : i32
        %parallel_loop3A_526 = arith.addi %parallel_loop3A_525, %parallel_loop3A_524 : i32
        %parallel_loop3A_527 = arith.index_cast %parallel_loop3A_522 : i32 to index
        %parallel_loop3A_528 = tpu.vector_load %arg7[%parallel_loop3A_527] {strides = array<i32>} : memref<8192xf32, #tpu.memory_space<vmem>>, vector<16xf32>,
        %parallel_loop3A_529 = arith.constant 16 : i32
        %parallel_loop3A_530 = arith.addi %parallel_loop3A_522, %parallel_loop3A_529 : i32
        %parallel_loop3A_531 = arith.index_cast %parallel_loop3A_530 : i32 to index
        %parallel_loop3A_532 = tpu.vector_load %arg7[%parallel_loop3A_531] {strides = array<i32>} : memref<8192xf32, #tpu.memory_space<vmem>>, vector<16xf32>,
        %parallel_loop3A_533 = arith.constant 0 : i32
        %parallel_loop3A_534 = vector.broadcast %parallel_loop3A_533 : i32 to vector<16xi32>
        %parallel_loop3A_535 = arith.cmpi slt, %xor3A_4, %parallel_loop3A_534 : vector<16xi32>
        %parallel_loop3A_536 = arith.constant 16 : i32
        %parallel_loop3A_537 = vector.broadcast %parallel_loop3A_536 : i32 to vector<16xi32>
        %parallel_loop3A_538 = arith.addi %xor3A_4, %parallel_loop3A_537 : vector<16xi32>
        %parallel_loop3A_539 = arith.select %parallel_loop3A_535, %parallel_loop3A_538, %xor3A_4 : vector<16xi1>, vector<16xi32>
        %parallel_loop3A_540 = vector.shape_cast %parallel_loop3A_539 : vector<16xi32> to vector<16x1xi32>
        %parallel_loop3A_541 = vector.shape_cast %parallel_loop3A_540 : vector<16x1xi32> to vector<16xi32>
        %parallel_loop3A_542 = tpu.dynamic_gather %parallel_loop3A_528[%parallel_loop3A_541] in [0] : vector<16xf32>, vector<16xi32> -> vector<16xf32>
        %parallel_loop3A_543 = arith.maximumf %parallel_loop3A_528, %parallel_loop3A_542 : vector<16xf32>
        %parallel_loop3A_544 = arith.constant 0 : i32
        %parallel_loop3A_545 = vector.broadcast %parallel_loop3A_544 : i32 to vector<16xi32>
        %parallel_loop3A_546 = arith.cmpi slt, %xor3A_4, %parallel_loop3A_545 : vector<16xi32>
        %parallel_loop3A_547 = arith.constant 16 : i32
        %parallel_loop3A_548 = vector.broadcast %parallel_loop3A_547 : i32 to vector<16xi32>
        %parallel_loop3A_549 = arith.addi %xor3A_4, %parallel_loop3A_548 : vector<16xi32>
        %parallel_loop3A_550 = arith.select %parallel_loop3A_546, %parallel_loop3A_549, %xor3A_4 : vector<16xi1>, vector<16xi32>
        %parallel_loop3A_551 = vector.shape_cast %parallel_loop3A_550 : vector<16xi32> to vector<16x1xi32>
        %parallel_loop3A_552 = vector.shape_cast %parallel_loop3A_551 : vector<16x1xi32> to vector<16xi32>
        %parallel_loop3A_553 = tpu.dynamic_gather %parallel_loop3A_532[%parallel_loop3A_552] in [0] : vector<16xf32>, vector<16xi32> -> vector<16xf32>
        %parallel_loop3A_554 = arith.maximumf %parallel_loop3A_532, %parallel_loop3A_553 : vector<16xf32>
        %parallel_loop3A_555 = arith.constant 0 : i32
        %parallel_loop3A_556 = vector.broadcast %parallel_loop3A_555 : i32 to vector<16xi32>
        %parallel_loop3A_557 = arith.cmpi slt, %mul3A_30, %parallel_loop3A_556 : vector<16xi32>
        %parallel_loop3A_558 = arith.constant 16 : i32
        %parallel_loop3A_559 = vector.broadcast %parallel_loop3A_558 : i32 to vector<16xi32>
        %parallel_loop3A_560 = arith.addi %mul3A_30, %parallel_loop3A_559 : vector<16xi32>
        %parallel_loop3A_561 = arith.select %parallel_loop3A_557, %parallel_loop3A_560, %mul3A_30 : vector<16xi1>, vector<16xi32>
        %parallel_loop3A_562 = vector.shape_cast %parallel_loop3A_561 : vector<16xi32> to vector<16x1xi32>
        %parallel_loop3A_563 = vector.shape_cast %parallel_loop3A_562 : vector<16x1xi32> to vector<16xi32>
        %parallel_loop3A_564 = tpu.dynamic_gather %parallel_loop3A_543[%parallel_loop3A_563] in [0] : vector<16xf32>, vector<16xi32> -> vector<16xf32>
        %parallel_loop3A_565 = arith.mulf %parallel_loop3A_564, %parallel_loop3A_312 : vector<16xf32>
        %parallel_loop3A_566 = arith.index_cast %parallel_loop3A_526 : i32 to index
        %parallel_loop3A_567 = tpu.vector_load %arg11[%parallel_loop3A_566] {strides = array<i32>} : memref<16384xf32, #tpu.memory_space<vmem>>, vector<16xf32>,
        tpu.vector_store %arg11[%parallel_loop3A_566], %parallel_loop3A_565 {strides = array<i32>} : memref<16384xf32, #tpu.memory_space<vmem>>, vector<16xf32>,
        %parallel_loop3A_568 = arith.constant 0 : i32
        %parallel_loop3A_569 = vector.broadcast %parallel_loop3A_568 : i32 to vector<16xi32>
        %parallel_loop3A_570 = arith.cmpi slt, %add3A_33, %parallel_loop3A_569 : vector<16xi32>
        %parallel_loop3A_571 = arith.constant 16 : i32
        %parallel_loop3A_572 = vector.broadcast %parallel_loop3A_571 : i32 to vector<16xi32>
        %parallel_loop3A_573 = arith.addi %add3A_33, %parallel_loop3A_572 : vector<16xi32>
        %parallel_loop3A_574 = arith.select %parallel_loop3A_570, %parallel_loop3A_573, %add3A_33 : vector<16xi1>, vector<16xi32>
        %parallel_loop3A_575 = vector.shape_cast %parallel_loop3A_574 : vector<16xi32> to vector<16x1xi32>
        %parallel_loop3A_576 = vector.shape_cast %parallel_loop3A_575 : vector<16x1xi32> to vector<16xi32>
        %parallel_loop3A_577 = tpu.dynamic_gather %parallel_loop3A_543[%parallel_loop3A_576] in [0] : vector<16xf32>, vector<16xi32> -> vector<16xf32>
        %parallel_loop3A_578 = arith.mulf %parallel_loop3A_577, %parallel_loop3A_318 : vector<16xf32>
        %parallel_loop3A_579 = arith.constant 16 : i32
        %parallel_loop3A_580 = arith.addi %parallel_loop3A_526, %parallel_loop3A_579 : i32
        %parallel_loop3A_581 = arith.index_cast %parallel_loop3A_580 : i32 to index
        %parallel_loop3A_582 = tpu.vector_load %arg11[%parallel_loop3A_581] {strides = array<i32>} : memref<16384xf32, #tpu.memory_space<vmem>>, vector<16xf32>,
        tpu.vector_store %arg11[%parallel_loop3A_581], %parallel_loop3A_578 {strides = array<i32>} : memref<16384xf32, #tpu.memory_space<vmem>>, vector<16xf32>,
        %parallel_loop3A_583 = arith.constant 0 : i32
        %parallel_loop3A_584 = vector.broadcast %parallel_loop3A_583 : i32 to vector<16xi32>
        %parallel_loop3A_585 = arith.cmpi slt, %mul3A_30, %parallel_loop3A_584 : vector<16xi32>
        %parallel_loop3A_586 = arith.constant 16 : i32
        %parallel_loop3A_587 = vector.broadcast %parallel_loop3A_586 : i32 to vector<16xi32>
        %parallel_loop3A_588 = arith.addi %mul3A_30, %parallel_loop3A_587 : vector<16xi32>
        %parallel_loop3A_589 = arith.select %parallel_loop3A_585, %parallel_loop3A_588, %mul3A_30 : vector<16xi1>, vector<16xi32>
        %parallel_loop3A_590 = vector.shape_cast %parallel_loop3A_589 : vector<16xi32> to vector<16x1xi32>
        %parallel_loop3A_591 = vector.shape_cast %parallel_loop3A_590 : vector<16x1xi32> to vector<16xi32>
        %parallel_loop3A_592 = tpu.dynamic_gather %parallel_loop3A_554[%parallel_loop3A_591] in [0] : vector<16xf32>, vector<16xi32> -> vector<16xf32>
        %parallel_loop3A_593 = arith.mulf %parallel_loop3A_592, %parallel_loop3A_324 : vector<16xf32>
        %parallel_loop3A_594 = arith.constant 32 : i32
        %parallel_loop3A_595 = arith.addi %parallel_loop3A_526, %parallel_loop3A_594 : i32
        %parallel_loop3A_596 = arith.index_cast %parallel_loop3A_595 : i32 to index
        %parallel_loop3A_597 = tpu.vector_load %arg11[%parallel_loop3A_596] {strides = array<i32>} : memref<16384xf32, #tpu.memory_space<vmem>>, vector<16xf32>,
        tpu.vector_store %arg11[%parallel_loop3A_596], %parallel_loop3A_593 {strides = array<i32>} : memref<16384xf32, #tpu.memory_space<vmem>>, vector<16xf32>,
        %parallel_loop3A_598 = arith.constant 0 : i32
        %parallel_loop3A_599 = vector.broadcast %parallel_loop3A_598 : i32 to vector<16xi32>
        %parallel_loop3A_600 = arith.cmpi slt, %add3A_33, %parallel_loop3A_599 : vector<16xi32>
        %parallel_loop3A_601 = arith.constant 16 : i32
        %parallel_loop3A_602 = vector.broadcast %parallel_loop3A_601 : i32 to vector<16xi32>
        %parallel_loop3A_603 = arith.addi %add3A_33, %parallel_loop3A_602 : vector<16xi32>
        %parallel_loop3A_604 = arith.select %parallel_loop3A_600, %parallel_loop3A_603, %add3A_33 : vector<16xi1>, vector<16xi32>
        %parallel_loop3A_605 = vector.shape_cast %parallel_loop3A_604 : vector<16xi32> to vector<16x1xi32>
        %parallel_loop3A_606 = vector.shape_cast %parallel_loop3A_605 : vector<16x1xi32> to vector<16xi32>
        %parallel_loop3A_607 = tpu.dynamic_gather %parallel_loop3A_554[%parallel_loop3A_606] in [0] : vector<16xf32>, vector<16xi32> -> vector<16xf32>
        %parallel_loop3A_608 = arith.mulf %parallel_loop3A_607, %parallel_loop3A_330 : vector<16xf32>
        %parallel_loop3A_609 = arith.constant 48 : i32
        %parallel_loop3A_610 = arith.addi %parallel_loop3A_526, %parallel_loop3A_609 : i32
        %parallel_loop3A_611 = arith.index_cast %parallel_loop3A_610 : i32 to index
        %parallel_loop3A_612 = tpu.vector_load %arg11[%parallel_loop3A_611] {strides = array<i32>} : memref<16384xf32, #tpu.memory_space<vmem>>, vector<16xf32>,
        tpu.vector_store %arg11[%parallel_loop3A_611], %parallel_loop3A_608 {strides = array<i32>} : memref<16384xf32, #tpu.memory_space<vmem>>, vector<16xf32>,
        %parallel_loop3A_613 = arith.constant 2 : i32
        %parallel_loop3A_614 = arith.muli %parallel_loop3A_306, %parallel_loop3A_613 : i32
        %parallel_loop3A_615 = arith.constant 6144 : i32
        %parallel_loop3A_616 = arith.addi %parallel_loop3A_615, %parallel_loop3A_614 : i32
        %parallel_loop3A_617 = arith.constant 4 : i32
        %parallel_loop3A_618 = arith.muli %parallel_loop3A_306, %parallel_loop3A_617 : i32
        %parallel_loop3A_619 = arith.constant 12288 : i32
        %parallel_loop3A_620 = arith.addi %parallel_loop3A_619, %parallel_loop3A_618 : i32
        %parallel_loop3A_621 = arith.index_cast %parallel_loop3A_616 : i32 to index
        %parallel_loop3A_622 = tpu.vector_load %arg7[%parallel_loop3A_621] {strides = array<i32>} : memref<8192xf32, #tpu.memory_space<vmem>>, vector<16xf32>,
        %parallel_loop3A_623 = arith.constant 16 : i32
        %parallel_loop3A_624 = arith.addi %parallel_loop3A_616, %parallel_loop3A_623 : i32
        %parallel_loop3A_625 = arith.index_cast %parallel_loop3A_624 : i32 to index
        %parallel_loop3A_626 = tpu.vector_load %arg7[%parallel_loop3A_625] {strides = array<i32>} : memref<8192xf32, #tpu.memory_space<vmem>>, vector<16xf32>,
        %parallel_loop3A_627 = arith.constant 0 : i32
        %parallel_loop3A_628 = vector.broadcast %parallel_loop3A_627 : i32 to vector<16xi32>
        %parallel_loop3A_629 = arith.cmpi slt, %xor3A_4, %parallel_loop3A_628 : vector<16xi32>
        %parallel_loop3A_630 = arith.constant 16 : i32
        %parallel_loop3A_631 = vector.broadcast %parallel_loop3A_630 : i32 to vector<16xi32>
        %parallel_loop3A_632 = arith.addi %xor3A_4, %parallel_loop3A_631 : vector<16xi32>
        %parallel_loop3A_633 = arith.select %parallel_loop3A_629, %parallel_loop3A_632, %xor3A_4 : vector<16xi1>, vector<16xi32>
        %parallel_loop3A_634 = vector.shape_cast %parallel_loop3A_633 : vector<16xi32> to vector<16x1xi32>
        %parallel_loop3A_635 = vector.shape_cast %parallel_loop3A_634 : vector<16x1xi32> to vector<16xi32>
        %parallel_loop3A_636 = tpu.dynamic_gather %parallel_loop3A_622[%parallel_loop3A_635] in [0] : vector<16xf32>, vector<16xi32> -> vector<16xf32>
        %parallel_loop3A_637 = arith.maximumf %parallel_loop3A_622, %parallel_loop3A_636 : vector<16xf32>
        %parallel_loop3A_638 = arith.constant 0 : i32
        %parallel_loop3A_639 = vector.broadcast %parallel_loop3A_638 : i32 to vector<16xi32>
        %parallel_loop3A_640 = arith.cmpi slt, %xor3A_4, %parallel_loop3A_639 : vector<16xi32>
        %parallel_loop3A_641 = arith.constant 16 : i32
        %parallel_loop3A_642 = vector.broadcast %parallel_loop3A_641 : i32 to vector<16xi32>
        %parallel_loop3A_643 = arith.addi %xor3A_4, %parallel_loop3A_642 : vector<16xi32>
        %parallel_loop3A_644 = arith.select %parallel_loop3A_640, %parallel_loop3A_643, %xor3A_4 : vector<16xi1>, vector<16xi32>
        %parallel_loop3A_645 = vector.shape_cast %parallel_loop3A_644 : vector<16xi32> to vector<16x1xi32>
        %parallel_loop3A_646 = vector.shape_cast %parallel_loop3A_645 : vector<16x1xi32> to vector<16xi32>
        %parallel_loop3A_647 = tpu.dynamic_gather %parallel_loop3A_626[%parallel_loop3A_646] in [0] : vector<16xf32>, vector<16xi32> -> vector<16xf32>
        %parallel_loop3A_648 = arith.maximumf %parallel_loop3A_626, %parallel_loop3A_647 : vector<16xf32>
        %parallel_loop3A_649 = arith.constant 0 : i32
        %parallel_loop3A_650 = vector.broadcast %parallel_loop3A_649 : i32 to vector<16xi32>
        %parallel_loop3A_651 = arith.cmpi slt, %mul3A_30, %parallel_loop3A_650 : vector<16xi32>
        %parallel_loop3A_652 = arith.constant 16 : i32
        %parallel_loop3A_653 = vector.broadcast %parallel_loop3A_652 : i32 to vector<16xi32>
        %parallel_loop3A_654 = arith.addi %mul3A_30, %parallel_loop3A_653 : vector<16xi32>
        %parallel_loop3A_655 = arith.select %parallel_loop3A_651, %parallel_loop3A_654, %mul3A_30 : vector<16xi1>, vector<16xi32>
        %parallel_loop3A_656 = vector.shape_cast %parallel_loop3A_655 : vector<16xi32> to vector<16x1xi32>
        %parallel_loop3A_657 = vector.shape_cast %parallel_loop3A_656 : vector<16x1xi32> to vector<16xi32>
        %parallel_loop3A_658 = tpu.dynamic_gather %parallel_loop3A_637[%parallel_loop3A_657] in [0] : vector<16xf32>, vector<16xi32> -> vector<16xf32>
        %parallel_loop3A_659 = arith.mulf %parallel_loop3A_658, %parallel_loop3A_312 : vector<16xf32>
        %parallel_loop3A_660 = arith.index_cast %parallel_loop3A_620 : i32 to index
        %parallel_loop3A_661 = tpu.vector_load %arg11[%parallel_loop3A_660] {strides = array<i32>} : memref<16384xf32, #tpu.memory_space<vmem>>, vector<16xf32>,
        tpu.vector_store %arg11[%parallel_loop3A_660], %parallel_loop3A_659 {strides = array<i32>} : memref<16384xf32, #tpu.memory_space<vmem>>, vector<16xf32>,
        %parallel_loop3A_662 = arith.constant 0 : i32
        %parallel_loop3A_663 = vector.broadcast %parallel_loop3A_662 : i32 to vector<16xi32>
        %parallel_loop3A_664 = arith.cmpi slt, %add3A_33, %parallel_loop3A_663 : vector<16xi32>
        %parallel_loop3A_665 = arith.constant 16 : i32
        %parallel_loop3A_666 = vector.broadcast %parallel_loop3A_665 : i32 to vector<16xi32>
        %parallel_loop3A_667 = arith.addi %add3A_33, %parallel_loop3A_666 : vector<16xi32>
        %parallel_loop3A_668 = arith.select %parallel_loop3A_664, %parallel_loop3A_667, %add3A_33 : vector<16xi1>, vector<16xi32>
        %parallel_loop3A_669 = vector.shape_cast %parallel_loop3A_668 : vector<16xi32> to vector<16x1xi32>
        %parallel_loop3A_670 = vector.shape_cast %parallel_loop3A_669 : vector<16x1xi32> to vector<16xi32>
        %parallel_loop3A_671 = tpu.dynamic_gather %parallel_loop3A_637[%parallel_loop3A_670] in [0] : vector<16xf32>, vector<16xi32> -> vector<16xf32>
        %parallel_loop3A_672 = arith.mulf %parallel_loop3A_671, %parallel_loop3A_318 : vector<16xf32>
        %parallel_loop3A_673 = arith.constant 16 : i32
        %parallel_loop3A_674 = arith.addi %parallel_loop3A_620, %parallel_loop3A_673 : i32
        %parallel_loop3A_675 = arith.index_cast %parallel_loop3A_674 : i32 to index
        %parallel_loop3A_676 = tpu.vector_load %arg11[%parallel_loop3A_675] {strides = array<i32>} : memref<16384xf32, #tpu.memory_space<vmem>>, vector<16xf32>,
        tpu.vector_store %arg11[%parallel_loop3A_675], %parallel_loop3A_672 {strides = array<i32>} : memref<16384xf32, #tpu.memory_space<vmem>>, vector<16xf32>,
        %parallel_loop3A_677 = arith.constant 0 : i32
        %parallel_loop3A_678 = vector.broadcast %parallel_loop3A_677 : i32 to vector<16xi32>
        %parallel_loop3A_679 = arith.cmpi slt, %mul3A_30, %parallel_loop3A_678 : vector<16xi32>
        %parallel_loop3A_680 = arith.constant 16 : i32
        %parallel_loop3A_681 = vector.broadcast %parallel_loop3A_680 : i32 to vector<16xi32>
        %parallel_loop3A_682 = arith.addi %mul3A_30, %parallel_loop3A_681 : vector<16xi32>
        %parallel_loop3A_683 = arith.select %parallel_loop3A_679, %parallel_loop3A_682, %mul3A_30 : vector<16xi1>, vector<16xi32>
        %parallel_loop3A_684 = vector.shape_cast %parallel_loop3A_683 : vector<16xi32> to vector<16x1xi32>
        %parallel_loop3A_685 = vector.shape_cast %parallel_loop3A_684 : vector<16x1xi32> to vector<16xi32>
        %parallel_loop3A_686 = tpu.dynamic_gather %parallel_loop3A_648[%parallel_loop3A_685] in [0] : vector<16xf32>, vector<16xi32> -> vector<16xf32>
        %parallel_loop3A_687 = arith.mulf %parallel_loop3A_686, %parallel_loop3A_324 : vector<16xf32>
        %parallel_loop3A_688 = arith.constant 32 : i32
        %parallel_loop3A_689 = arith.addi %parallel_loop3A_620, %parallel_loop3A_688 : i32
        %parallel_loop3A_690 = arith.index_cast %parallel_loop3A_689 : i32 to index
        %parallel_loop3A_691 = tpu.vector_load %arg11[%parallel_loop3A_690] {strides = array<i32>} : memref<16384xf32, #tpu.memory_space<vmem>>, vector<16xf32>,
        tpu.vector_store %arg11[%parallel_loop3A_690], %parallel_loop3A_687 {strides = array<i32>} : memref<16384xf32, #tpu.memory_space<vmem>>, vector<16xf32>,
        %parallel_loop3A_692 = arith.constant 0 : i32
        %parallel_loop3A_693 = vector.broadcast %parallel_loop3A_692 : i32 to vector<16xi32>
        %parallel_loop3A_694 = arith.cmpi slt, %add3A_33, %parallel_loop3A_693 : vector<16xi32>
        %parallel_loop3A_695 = arith.constant 16 : i32
        %parallel_loop3A_696 = vector.broadcast %parallel_loop3A_695 : i32 to vector<16xi32>
        %parallel_loop3A_697 = arith.addi %add3A_33, %parallel_loop3A_696 : vector<16xi32>
        %parallel_loop3A_698 = arith.select %parallel_loop3A_694, %parallel_loop3A_697, %add3A_33 : vector<16xi1>, vector<16xi32>
        %parallel_loop3A_699 = vector.shape_cast %parallel_loop3A_698 : vector<16xi32> to vector<16x1xi32>
        %parallel_loop3A_700 = vector.shape_cast %parallel_loop3A_699 : vector<16x1xi32> to vector<16xi32>
        %parallel_loop3A_701 = tpu.dynamic_gather %parallel_loop3A_648[%parallel_loop3A_700] in [0] : vector<16xf32>, vector<16xi32> -> vector<16xf32>
        %parallel_loop3A_702 = arith.mulf %parallel_loop3A_701, %parallel_loop3A_330 : vector<16xf32>
        %parallel_loop3A_703 = arith.constant 48 : i32
        %parallel_loop3A_704 = arith.addi %parallel_loop3A_620, %parallel_loop3A_703 : i32
        %parallel_loop3A_705 = arith.index_cast %parallel_loop3A_704 : i32 to index
        %parallel_loop3A_706 = tpu.vector_load %arg11[%parallel_loop3A_705] {strides = array<i32>} : memref<16384xf32, #tpu.memory_space<vmem>>, vector<16xf32>,
        tpu.vector_store %arg11[%parallel_loop3A_705], %parallel_loop3A_702 {strides = array<i32>} : memref<16384xf32, #tpu.memory_space<vmem>>, vector<16xf32>,
      } {sc.loop_unroll_factor = 1 : i64, sc.parallel_access}
      %mul3A_244 = arith.constant 4 : i32
      %mul3A_245 = arith.muli %add3A_201, %mul3A_244 : i32
      %add3A_246 = arith.addi %mul3A_2, %mul3A_245 : i32
      %mul3A_247 = arith.constant 4096 : i32
      %mul3A_248 = arith.muli %add3A_246, %mul3A_247 : i32
      %dma_start3A_249 = tpu.memref_slice %arg4[%mul3A_248] : memref<16777216xf32, #tpu.memory_space<hbm>> -> memref<16384xf32, #tpu.memory_space<hbm>>
      %dma_start3A_250 = tpu.memref_slice %arg4[%mul3A_248] : memref<16777216xf32, #tpu.memory_space<hbm>> -> memref<16384xf32, #tpu.memory_space<hbm>>
      tpu.enqueue_dma source(%arg11 : memref<16384xf32, #tpu.memory_space<vmem>>) target(%dma_start3A_250 : memref<16384xf32, #tpu.memory_space<hbm>>) target_semaphore(%arg20 : memref<!tpu.dma_semaphore, #tpu.memory_space<semaphore_mem>>)
      %mul3A_251 = arith.constant 4 : i32
      %mul3A_252 = arith.muli %scan3A_97, %mul3A_251 : i32
      %add3A_253 = arith.constant 3 : i32
      %add3A_254 = arith.addi %mul3A_252, %add3A_253 : i32
      %mul3A_255 = arith.constant 4 : i32
      %mul3A_256 = arith.muli %add3A_254, %mul3A_255 : i32
      %add3A_257 = arith.addi %mul3A_2, %mul3A_256 : i32
      %mul3A_258 = arith.constant 2048 : i32
      %mul3A_259 = arith.muli %add3A_257, %mul3A_258 : i32
      %dma_wait3A_260 = tpu.memref_slice %arg2[%mul3A_259] : memref<8388608xf32, #tpu.memory_space<hbm>> -> memref<8192xf32, #tpu.memory_space<hbm>>
      %dma_wait3A_261 = tpu.memref_slice %arg2[%mul3A_259] : memref<8388608xf32, #tpu.memory_space<hbm>> -> memref<8192xf32, #tpu.memory_space<hbm>>
      tpu.wait_dma2 semaphore(%arg17 : memref<!tpu.dma_semaphore, #tpu.memory_space<semaphore_mem>>) src(%dma_wait3A_261 : memref<8192xf32, #tpu.memory_space<hbm>>) dst(%arg8 : memref<8192xf32, #tpu.memory_space<vmem>>)
      %add3A_262 = arith.constant 4 : i32
      %add3A_263 = arith.addi %add3A_254, %add3A_262 : i32
      %sub3A_264 = arith.constant 1 : i32
      %sub3A_265 = arith.subi %add3A_263, %sub3A_264 : i32
      %jit3A_266 = arith.constant 32 : i32
      %eq3A_267 = arith.constant 0 : i32
      %eq3A_268 = arith.cmpi eq, %jit3A_266, %eq3A_267 : i32
      %jit3A_269 = arith.constant 1 : i32
      %select_n3A_270 = arith.select %eq3A_268, %jit3A_269, %jit3A_266 : i32
      %rem3A_271 = arith.remsi %sub3A_265, %select_n3A_270 : i32
      %ne3A_272 = arith.constant 0 : i32
      %ne3A_273 = arith.cmpi ne, %rem3A_271, %ne3A_272 : i32
      %lt3A_274 = arith.constant 0 : i32
      %lt3A_275 = arith.cmpi slt, %rem3A_271, %lt3A_274 : i32
      %lt3A_276 = arith.constant 0 : i32
      %lt3A_277 = arith.cmpi slt, %select_n3A_270, %lt3A_276 : i32
      %ne3A_278 = arith.xori %lt3A_275, %lt3A_277 : i1
      %and3A_279 = arith.andi %ne3A_278, %ne3A_273 : i1
      %add3A_280 = arith.addi %rem3A_271, %select_n3A_270 : i32
      %select_n3A_281 = arith.select %and3A_279, %add3A_280, %rem3A_271 : i32
      %mul3A_282 = arith.constant 4 : i32
      %mul3A_283 = arith.muli %select_n3A_281, %mul3A_282 : i32
      %add3A_284 = arith.addi %mul3A_2, %mul3A_283 : i32
      %mul3A_285 = arith.constant 2048 : i32
      %mul3A_286 = arith.muli %add3A_284, %mul3A_285 : i32
      %dma_start3A_287 = tpu.memref_slice %arg2[%mul3A_286] : memref<8388608xf32, #tpu.memory_space<hbm>> -> memref<8192xf32, #tpu.memory_space<hbm>>
      %dma_start3A_288 = tpu.memref_slice %arg2[%mul3A_286] : memref<8388608xf32, #tpu.memory_space<hbm>> -> memref<8192xf32, #tpu.memory_space<hbm>>
      tpu.enqueue_dma source(%dma_start3A_288 : memref<8192xf32, #tpu.memory_space<hbm>>) target(%arg7 : memref<8192xf32, #tpu.memory_space<vmem>>) target_semaphore(%arg16 : memref<!tpu.dma_semaphore, #tpu.memory_space<semaphore_mem>>)
      %ge3A_289 = arith.constant 1 : i32
      %ge3A_290 = arith.cmpi sge, %scan3A_97, %ge3A_289 : i32
      %convert_element_type3A_291 = arith.extui %ge3A_290 : i1 to i32
      %cond3A_292 = arith.constant 0 : i32
      %cond3A_293 = arith.cmpi ne, %convert_element_type3A_291, %cond3A_292 : i32
      scf.if %cond3A_293 {
        %sub3A_304 = arith.constant 4 : i32
        %sub3A_305 = arith.subi %add3A_254, %sub3A_304 : i32
        %mul3A_306 = arith.constant 4 : i32
        %mul3A_307 = arith.muli %sub3A_305, %mul3A_306 : i32
        %add3A_308 = arith.addi %mul3A_2, %mul3A_307 : i32
        %mul3A_309 = arith.constant 4096 : i32
        %mul3A_310 = arith.muli %add3A_308, %mul3A_309 : i32
        %dma_wait3A_311 = tpu.memref_slice %arg4[%mul3A_310] : memref<16777216xf32, #tpu.memory_space<hbm>> -> memref<16384xf32, #tpu.memory_space<hbm>>
        %dma_wait3A_312 = tpu.memref_slice %arg4[%mul3A_310] : memref<16777216xf32, #tpu.memory_space<hbm>> -> memref<16384xf32, #tpu.memory_space<hbm>>
        tpu.wait_dma2 semaphore(%arg21 : memref<!tpu.dma_semaphore, #tpu.memory_space<semaphore_mem>>) src(%arg12 : memref<16384xf32, #tpu.memory_space<vmem>>) dst(%dma_wait3A_312 : memref<16384xf32, #tpu.memory_space<hbm>>)
      } else {
      }
      %parallel_loop3A_294 = arith.constant 0 : i32
      %parallel_loop3A_295 = arith.constant 64 : i32
      %parallel_loop3A_296 = arith.constant 1 : i32
      scf.for %parallel_loop3A_304 = %parallel_loop3A_294 to %parallel_loop3A_295 step %parallel_loop3A_296  : i32 {
        %parallel_loop3A_305 = arith.constant 16 : i32
        %parallel_loop3A_306 = arith.muli %parallel_loop3A_304, %parallel_loop3A_305 : i32
        %parallel_loop3A_307 = arith.constant 4 : i32
        %parallel_loop3A_308 = arith.muli %parallel_loop3A_306, %parallel_loop3A_307 : i32
        %parallel_loop3A_309 = arith.constant 0 : i32
        %parallel_loop3A_310 = arith.addi %parallel_loop3A_308, %parallel_loop3A_309 : i32
        %parallel_loop3A_311 = arith.index_cast %parallel_loop3A_310 : i32 to index
        %parallel_loop3A_312 = tpu.vector_load %arg13[%parallel_loop3A_311] {strides = array<i32>} : memref<4096xf32, #tpu.memory_space<vmem>>, vector<16xf32>,
        %parallel_loop3A_313 = arith.constant 4 : i32
        %parallel_loop3A_314 = arith.muli %parallel_loop3A_306, %parallel_loop3A_313 : i32
        %parallel_loop3A_315 = arith.constant 16 : i32
        %parallel_loop3A_316 = arith.addi %parallel_loop3A_314, %parallel_loop3A_315 : i32
        %parallel_loop3A_317 = arith.index_cast %parallel_loop3A_316 : i32 to index
        %parallel_loop3A_318 = tpu.vector_load %arg13[%parallel_loop3A_317] {strides = array<i32>} : memref<4096xf32, #tpu.memory_space<vmem>>, vector<16xf32>,
        %parallel_loop3A_319 = arith.constant 4 : i32
        %parallel_loop3A_320 = arith.muli %parallel_loop3A_306, %parallel_loop3A_319 : i32
        %parallel_loop3A_321 = arith.constant 32 : i32
        %parallel_loop3A_322 = arith.addi %parallel_loop3A_320, %parallel_loop3A_321 : i32
        %parallel_loop3A_323 = arith.index_cast %parallel_loop3A_322 : i32 to index
        %parallel_loop3A_324 = tpu.vector_load %arg13[%parallel_loop3A_323] {strides = array<i32>} : memref<4096xf32, #tpu.memory_space<vmem>>, vector<16xf32>,
        %parallel_loop3A_325 = arith.constant 4 : i32
        %parallel_loop3A_326 = arith.muli %parallel_loop3A_306, %parallel_loop3A_325 : i32
        %parallel_loop3A_327 = arith.constant 48 : i32
        %parallel_loop3A_328 = arith.addi %parallel_loop3A_326, %parallel_loop3A_327 : i32
        %parallel_loop3A_329 = arith.index_cast %parallel_loop3A_328 : i32 to index
        %parallel_loop3A_330 = tpu.vector_load %arg13[%parallel_loop3A_329] {strides = array<i32>} : memref<4096xf32, #tpu.memory_space<vmem>>, vector<16xf32>,
        %parallel_loop3A_331 = arith.constant 2 : i32
        %parallel_loop3A_332 = arith.muli %parallel_loop3A_306, %parallel_loop3A_331 : i32
        %parallel_loop3A_333 = arith.constant 0 : i32
        %parallel_loop3A_334 = arith.addi %parallel_loop3A_333, %parallel_loop3A_332 : i32
        %parallel_loop3A_335 = arith.constant 4 : i32
        %parallel_loop3A_336 = arith.muli %parallel_loop3A_306, %parallel_loop3A_335 : i32
        %parallel_loop3A_337 = arith.constant 0 : i32
        %parallel_loop3A_338 = arith.addi %parallel_loop3A_337, %parallel_loop3A_336 : i32
        %parallel_loop3A_339 = arith.index_cast %parallel_loop3A_334 : i32 to index
        %parallel_loop3A_340 = tpu.vector_load %arg8[%parallel_loop3A_339] {strides = array<i32>} : memref<8192xf32, #tpu.memory_space<vmem>>, vector<16xf32>,
        %parallel_loop3A_341 = arith.constant 16 : i32
        %parallel_loop3A_342 = arith.addi %parallel_loop3A_334, %parallel_loop3A_341 : i32
        %parallel_loop3A_343 = arith.index_cast %parallel_loop3A_342 : i32 to index
        %parallel_loop3A_344 = tpu.vector_load %arg8[%parallel_loop3A_343] {strides = array<i32>} : memref<8192xf32, #tpu.memory_space<vmem>>, vector<16xf32>,
        %parallel_loop3A_345 = arith.constant 0 : i32
        %parallel_loop3A_346 = vector.broadcast %parallel_loop3A_345 : i32 to vector<16xi32>
        %parallel_loop3A_347 = arith.cmpi slt, %xor3A_4, %parallel_loop3A_346 : vector<16xi32>
        %parallel_loop3A_348 = arith.constant 16 : i32
        %parallel_loop3A_349 = vector.broadcast %parallel_loop3A_348 : i32 to vector<16xi32>
        %parallel_loop3A_350 = arith.addi %xor3A_4, %parallel_loop3A_349 : vector<16xi32>
        %parallel_loop3A_351 = arith.select %parallel_loop3A_347, %parallel_loop3A_350, %xor3A_4 : vector<16xi1>, vector<16xi32>
        %parallel_loop3A_352 = vector.shape_cast %parallel_loop3A_351 : vector<16xi32> to vector<16x1xi32>
        %parallel_loop3A_353 = vector.shape_cast %parallel_loop3A_352 : vector<16x1xi32> to vector<16xi32>
        %parallel_loop3A_354 = tpu.dynamic_gather %parallel_loop3A_340[%parallel_loop3A_353] in [0] : vector<16xf32>, vector<16xi32> -> vector<16xf32>
        %parallel_loop3A_355 = arith.maximumf %parallel_loop3A_340, %parallel_loop3A_354 : vector<16xf32>
        %parallel_loop3A_356 = arith.constant 0 : i32
        %parallel_loop3A_357 = vector.broadcast %parallel_loop3A_356 : i32 to vector<16xi32>
        %parallel_loop3A_358 = arith.cmpi slt, %xor3A_4, %parallel_loop3A_357 : vector<16xi32>
        %parallel_loop3A_359 = arith.constant 16 : i32
        %parallel_loop3A_360 = vector.broadcast %parallel_loop3A_359 : i32 to vector<16xi32>
        %parallel_loop3A_361 = arith.addi %xor3A_4, %parallel_loop3A_360 : vector<16xi32>
        %parallel_loop3A_362 = arith.select %parallel_loop3A_358, %parallel_loop3A_361, %xor3A_4 : vector<16xi1>, vector<16xi32>
        %parallel_loop3A_363 = vector.shape_cast %parallel_loop3A_362 : vector<16xi32> to vector<16x1xi32>
        %parallel_loop3A_364 = vector.shape_cast %parallel_loop3A_363 : vector<16x1xi32> to vector<16xi32>
        %parallel_loop3A_365 = tpu.dynamic_gather %parallel_loop3A_344[%parallel_loop3A_364] in [0] : vector<16xf32>, vector<16xi32> -> vector<16xf32>
        %parallel_loop3A_366 = arith.maximumf %parallel_loop3A_344, %parallel_loop3A_365 : vector<16xf32>
        %parallel_loop3A_367 = arith.constant 0 : i32
        %parallel_loop3A_368 = vector.broadcast %parallel_loop3A_367 : i32 to vector<16xi32>
        %parallel_loop3A_369 = arith.cmpi slt, %mul3A_30, %parallel_loop3A_368 : vector<16xi32>
        %parallel_loop3A_370 = arith.constant 16 : i32
        %parallel_loop3A_371 = vector.broadcast %parallel_loop3A_370 : i32 to vector<16xi32>
        %parallel_loop3A_372 = arith.addi %mul3A_30, %parallel_loop3A_371 : vector<16xi32>
        %parallel_loop3A_373 = arith.select %parallel_loop3A_369, %parallel_loop3A_372, %mul3A_30 : vector<16xi1>, vector<16xi32>
        %parallel_loop3A_374 = vector.shape_cast %parallel_loop3A_373 : vector<16xi32> to vector<16x1xi32>
        %parallel_loop3A_375 = vector.shape_cast %parallel_loop3A_374 : vector<16x1xi32> to vector<16xi32>
        %parallel_loop3A_376 = tpu.dynamic_gather %parallel_loop3A_355[%parallel_loop3A_375] in [0] : vector<16xf32>, vector<16xi32> -> vector<16xf32>
        %parallel_loop3A_377 = arith.mulf %parallel_loop3A_376, %parallel_loop3A_312 : vector<16xf32>
        %parallel_loop3A_378 = arith.index_cast %parallel_loop3A_338 : i32 to index
        %parallel_loop3A_379 = tpu.vector_load %arg12[%parallel_loop3A_378] {strides = array<i32>} : memref<16384xf32, #tpu.memory_space<vmem>>, vector<16xf32>,
        tpu.vector_store %arg12[%parallel_loop3A_378], %parallel_loop3A_377 {strides = array<i32>} : memref<16384xf32, #tpu.memory_space<vmem>>, vector<16xf32>,
        %parallel_loop3A_380 = arith.constant 0 : i32
        %parallel_loop3A_381 = vector.broadcast %parallel_loop3A_380 : i32 to vector<16xi32>
        %parallel_loop3A_382 = arith.cmpi slt, %add3A_33, %parallel_loop3A_381 : vector<16xi32>
        %parallel_loop3A_383 = arith.constant 16 : i32
        %parallel_loop3A_384 = vector.broadcast %parallel_loop3A_383 : i32 to vector<16xi32>
        %parallel_loop3A_385 = arith.addi %add3A_33, %parallel_loop3A_384 : vector<16xi32>
        %parallel_loop3A_386 = arith.select %parallel_loop3A_382, %parallel_loop3A_385, %add3A_33 : vector<16xi1>, vector<16xi32>
        %parallel_loop3A_387 = vector.shape_cast %parallel_loop3A_386 : vector<16xi32> to vector<16x1xi32>
        %parallel_loop3A_388 = vector.shape_cast %parallel_loop3A_387 : vector<16x1xi32> to vector<16xi32>
        %parallel_loop3A_389 = tpu.dynamic_gather %parallel_loop3A_355[%parallel_loop3A_388] in [0] : vector<16xf32>, vector<16xi32> -> vector<16xf32>
        %parallel_loop3A_390 = arith.mulf %parallel_loop3A_389, %parallel_loop3A_318 : vector<16xf32>
        %parallel_loop3A_391 = arith.constant 16 : i32
        %parallel_loop3A_392 = arith.addi %parallel_loop3A_338, %parallel_loop3A_391 : i32
        %parallel_loop3A_393 = arith.index_cast %parallel_loop3A_392 : i32 to index
        %parallel_loop3A_394 = tpu.vector_load %arg12[%parallel_loop3A_393] {strides = array<i32>} : memref<16384xf32, #tpu.memory_space<vmem>>, vector<16xf32>,
        tpu.vector_store %arg12[%parallel_loop3A_393], %parallel_loop3A_390 {strides = array<i32>} : memref<16384xf32, #tpu.memory_space<vmem>>, vector<16xf32>,
        %parallel_loop3A_395 = arith.constant 0 : i32
        %parallel_loop3A_396 = vector.broadcast %parallel_loop3A_395 : i32 to vector<16xi32>
        %parallel_loop3A_397 = arith.cmpi slt, %mul3A_30, %parallel_loop3A_396 : vector<16xi32>
        %parallel_loop3A_398 = arith.constant 16 : i32
        %parallel_loop3A_399 = vector.broadcast %parallel_loop3A_398 : i32 to vector<16xi32>
        %parallel_loop3A_400 = arith.addi %mul3A_30, %parallel_loop3A_399 : vector<16xi32>
        %parallel_loop3A_401 = arith.select %parallel_loop3A_397, %parallel_loop3A_400, %mul3A_30 : vector<16xi1>, vector<16xi32>
        %parallel_loop3A_402 = vector.shape_cast %parallel_loop3A_401 : vector<16xi32> to vector<16x1xi32>
        %parallel_loop3A_403 = vector.shape_cast %parallel_loop3A_402 : vector<16x1xi32> to vector<16xi32>
        %parallel_loop3A_404 = tpu.dynamic_gather %parallel_loop3A_366[%parallel_loop3A_403] in [0] : vector<16xf32>, vector<16xi32> -> vector<16xf32>
        %parallel_loop3A_405 = arith.mulf %parallel_loop3A_404, %parallel_loop3A_324 : vector<16xf32>
        %parallel_loop3A_406 = arith.constant 32 : i32
        %parallel_loop3A_407 = arith.addi %parallel_loop3A_338, %parallel_loop3A_406 : i32
        %parallel_loop3A_408 = arith.index_cast %parallel_loop3A_407 : i32 to index
        %parallel_loop3A_409 = tpu.vector_load %arg12[%parallel_loop3A_408] {strides = array<i32>} : memref<16384xf32, #tpu.memory_space<vmem>>, vector<16xf32>,
        tpu.vector_store %arg12[%parallel_loop3A_408], %parallel_loop3A_405 {strides = array<i32>} : memref<16384xf32, #tpu.memory_space<vmem>>, vector<16xf32>,
        %parallel_loop3A_410 = arith.constant 0 : i32
        %parallel_loop3A_411 = vector.broadcast %parallel_loop3A_410 : i32 to vector<16xi32>
        %parallel_loop3A_412 = arith.cmpi slt, %add3A_33, %parallel_loop3A_411 : vector<16xi32>
        %parallel_loop3A_413 = arith.constant 16 : i32
        %parallel_loop3A_414 = vector.broadcast %parallel_loop3A_413 : i32 to vector<16xi32>
        %parallel_loop3A_415 = arith.addi %add3A_33, %parallel_loop3A_414 : vector<16xi32>
        %parallel_loop3A_416 = arith.select %parallel_loop3A_412, %parallel_loop3A_415, %add3A_33 : vector<16xi1>, vector<16xi32>
        %parallel_loop3A_417 = vector.shape_cast %parallel_loop3A_416 : vector<16xi32> to vector<16x1xi32>
        %parallel_loop3A_418 = vector.shape_cast %parallel_loop3A_417 : vector<16x1xi32> to vector<16xi32>
        %parallel_loop3A_419 = tpu.dynamic_gather %parallel_loop3A_366[%parallel_loop3A_418] in [0] : vector<16xf32>, vector<16xi32> -> vector<16xf32>
        %parallel_loop3A_420 = arith.mulf %parallel_loop3A_419, %parallel_loop3A_330 : vector<16xf32>
        %parallel_loop3A_421 = arith.constant 48 : i32
        %parallel_loop3A_422 = arith.addi %parallel_loop3A_338, %parallel_loop3A_421 : i32
        %parallel_loop3A_423 = arith.index_cast %parallel_loop3A_422 : i32 to index
        %parallel_loop3A_424 = tpu.vector_load %arg12[%parallel_loop3A_423] {strides = array<i32>} : memref<16384xf32, #tpu.memory_space<vmem>>, vector<16xf32>,
        tpu.vector_store %arg12[%parallel_loop3A_423], %parallel_loop3A_420 {strides = array<i32>} : memref<16384xf32, #tpu.memory_space<vmem>>, vector<16xf32>,
        %parallel_loop3A_425 = arith.constant 2 : i32
        %parallel_loop3A_426 = arith.muli %parallel_loop3A_306, %parallel_loop3A_425 : i32
        %parallel_loop3A_427 = arith.constant 2048 : i32
        %parallel_loop3A_428 = arith.addi %parallel_loop3A_427, %parallel_loop3A_426 : i32
        %parallel_loop3A_429 = arith.constant 4 : i32
        %parallel_loop3A_430 = arith.muli %parallel_loop3A_306, %parallel_loop3A_429 : i32
        %parallel_loop3A_431 = arith.constant 4096 : i32
        %parallel_loop3A_432 = arith.addi %parallel_loop3A_431, %parallel_loop3A_430 : i32
        %parallel_loop3A_433 = arith.index_cast %parallel_loop3A_428 : i32 to index
        %parallel_loop3A_434 = tpu.vector_load %arg8[%parallel_loop3A_433] {strides = array<i32>} : memref<8192xf32, #tpu.memory_space<vmem>>, vector<16xf32>,
        %parallel_loop3A_435 = arith.constant 16 : i32
        %parallel_loop3A_436 = arith.addi %parallel_loop3A_428, %parallel_loop3A_435 : i32
        %parallel_loop3A_437 = arith.index_cast %parallel_loop3A_436 : i32 to index
        %parallel_loop3A_438 = tpu.vector_load %arg8[%parallel_loop3A_437] {strides = array<i32>} : memref<8192xf32, #tpu.memory_space<vmem>>, vector<16xf32>,
        %parallel_loop3A_439 = arith.constant 0 : i32
        %parallel_loop3A_440 = vector.broadcast %parallel_loop3A_439 : i32 to vector<16xi32>
        %parallel_loop3A_441 = arith.cmpi slt, %xor3A_4, %parallel_loop3A_440 : vector<16xi32>
        %parallel_loop3A_442 = arith.constant 16 : i32
        %parallel_loop3A_443 = vector.broadcast %parallel_loop3A_442 : i32 to vector<16xi32>
        %parallel_loop3A_444 = arith.addi %xor3A_4, %parallel_loop3A_443 : vector<16xi32>
        %parallel_loop3A_445 = arith.select %parallel_loop3A_441, %parallel_loop3A_444, %xor3A_4 : vector<16xi1>, vector<16xi32>
        %parallel_loop3A_446 = vector.shape_cast %parallel_loop3A_445 : vector<16xi32> to vector<16x1xi32>
        %parallel_loop3A_447 = vector.shape_cast %parallel_loop3A_446 : vector<16x1xi32> to vector<16xi32>
        %parallel_loop3A_448 = tpu.dynamic_gather %parallel_loop3A_434[%parallel_loop3A_447] in [0] : vector<16xf32>, vector<16xi32> -> vector<16xf32>
        %parallel_loop3A_449 = arith.maximumf %parallel_loop3A_434, %parallel_loop3A_448 : vector<16xf32>
        %parallel_loop3A_450 = arith.constant 0 : i32
        %parallel_loop3A_451 = vector.broadcast %parallel_loop3A_450 : i32 to vector<16xi32>
        %parallel_loop3A_452 = arith.cmpi slt, %xor3A_4, %parallel_loop3A_451 : vector<16xi32>
        %parallel_loop3A_453 = arith.constant 16 : i32
        %parallel_loop3A_454 = vector.broadcast %parallel_loop3A_453 : i32 to vector<16xi32>
        %parallel_loop3A_455 = arith.addi %xor3A_4, %parallel_loop3A_454 : vector<16xi32>
        %parallel_loop3A_456 = arith.select %parallel_loop3A_452, %parallel_loop3A_455, %xor3A_4 : vector<16xi1>, vector<16xi32>
        %parallel_loop3A_457 = vector.shape_cast %parallel_loop3A_456 : vector<16xi32> to vector<16x1xi32>
        %parallel_loop3A_458 = vector.shape_cast %parallel_loop3A_457 : vector<16x1xi32> to vector<16xi32>
        %parallel_loop3A_459 = tpu.dynamic_gather %parallel_loop3A_438[%parallel_loop3A_458] in [0] : vector<16xf32>, vector<16xi32> -> vector<16xf32>
        %parallel_loop3A_460 = arith.maximumf %parallel_loop3A_438, %parallel_loop3A_459 : vector<16xf32>
        %parallel_loop3A_461 = arith.constant 0 : i32
        %parallel_loop3A_462 = vector.broadcast %parallel_loop3A_461 : i32 to vector<16xi32>
        %parallel_loop3A_463 = arith.cmpi slt, %mul3A_30, %parallel_loop3A_462 : vector<16xi32>
        %parallel_loop3A_464 = arith.constant 16 : i32
        %parallel_loop3A_465 = vector.broadcast %parallel_loop3A_464 : i32 to vector<16xi32>
        %parallel_loop3A_466 = arith.addi %mul3A_30, %parallel_loop3A_465 : vector<16xi32>
        %parallel_loop3A_467 = arith.select %parallel_loop3A_463, %parallel_loop3A_466, %mul3A_30 : vector<16xi1>, vector<16xi32>
        %parallel_loop3A_468 = vector.shape_cast %parallel_loop3A_467 : vector<16xi32> to vector<16x1xi32>
        %parallel_loop3A_469 = vector.shape_cast %parallel_loop3A_468 : vector<16x1xi32> to vector<16xi32>
        %parallel_loop3A_470 = tpu.dynamic_gather %parallel_loop3A_449[%parallel_loop3A_469] in [0] : vector<16xf32>, vector<16xi32> -> vector<16xf32>
        %parallel_loop3A_471 = arith.mulf %parallel_loop3A_470, %parallel_loop3A_312 : vector<16xf32>
        %parallel_loop3A_472 = arith.index_cast %parallel_loop3A_432 : i32 to index
        %parallel_loop3A_473 = tpu.vector_load %arg12[%parallel_loop3A_472] {strides = array<i32>} : memref<16384xf32, #tpu.memory_space<vmem>>, vector<16xf32>,
        tpu.vector_store %arg12[%parallel_loop3A_472], %parallel_loop3A_471 {strides = array<i32>} : memref<16384xf32, #tpu.memory_space<vmem>>, vector<16xf32>,
        %parallel_loop3A_474 = arith.constant 0 : i32
        %parallel_loop3A_475 = vector.broadcast %parallel_loop3A_474 : i32 to vector<16xi32>
        %parallel_loop3A_476 = arith.cmpi slt, %add3A_33, %parallel_loop3A_475 : vector<16xi32>
        %parallel_loop3A_477 = arith.constant 16 : i32
        %parallel_loop3A_478 = vector.broadcast %parallel_loop3A_477 : i32 to vector<16xi32>
        %parallel_loop3A_479 = arith.addi %add3A_33, %parallel_loop3A_478 : vector<16xi32>
        %parallel_loop3A_480 = arith.select %parallel_loop3A_476, %parallel_loop3A_479, %add3A_33 : vector<16xi1>, vector<16xi32>
        %parallel_loop3A_481 = vector.shape_cast %parallel_loop3A_480 : vector<16xi32> to vector<16x1xi32>
        %parallel_loop3A_482 = vector.shape_cast %parallel_loop3A_481 : vector<16x1xi32> to vector<16xi32>
        %parallel_loop3A_483 = tpu.dynamic_gather %parallel_loop3A_449[%parallel_loop3A_482] in [0] : vector<16xf32>, vector<16xi32> -> vector<16xf32>
        %parallel_loop3A_484 = arith.mulf %parallel_loop3A_483, %parallel_loop3A_318 : vector<16xf32>
        %parallel_loop3A_485 = arith.constant 16 : i32
        %parallel_loop3A_486 = arith.addi %parallel_loop3A_432, %parallel_loop3A_485 : i32
        %parallel_loop3A_487 = arith.index_cast %parallel_loop3A_486 : i32 to index
        %parallel_loop3A_488 = tpu.vector_load %arg12[%parallel_loop3A_487] {strides = array<i32>} : memref<16384xf32, #tpu.memory_space<vmem>>, vector<16xf32>,
        tpu.vector_store %arg12[%parallel_loop3A_487], %parallel_loop3A_484 {strides = array<i32>} : memref<16384xf32, #tpu.memory_space<vmem>>, vector<16xf32>,
        %parallel_loop3A_489 = arith.constant 0 : i32
        %parallel_loop3A_490 = vector.broadcast %parallel_loop3A_489 : i32 to vector<16xi32>
        %parallel_loop3A_491 = arith.cmpi slt, %mul3A_30, %parallel_loop3A_490 : vector<16xi32>
        %parallel_loop3A_492 = arith.constant 16 : i32
        %parallel_loop3A_493 = vector.broadcast %parallel_loop3A_492 : i32 to vector<16xi32>
        %parallel_loop3A_494 = arith.addi %mul3A_30, %parallel_loop3A_493 : vector<16xi32>
        %parallel_loop3A_495 = arith.select %parallel_loop3A_491, %parallel_loop3A_494, %mul3A_30 : vector<16xi1>, vector<16xi32>
        %parallel_loop3A_496 = vector.shape_cast %parallel_loop3A_495 : vector<16xi32> to vector<16x1xi32>
        %parallel_loop3A_497 = vector.shape_cast %parallel_loop3A_496 : vector<16x1xi32> to vector<16xi32>
        %parallel_loop3A_498 = tpu.dynamic_gather %parallel_loop3A_460[%parallel_loop3A_497] in [0] : vector<16xf32>, vector<16xi32> -> vector<16xf32>
        %parallel_loop3A_499 = arith.mulf %parallel_loop3A_498, %parallel_loop3A_324 : vector<16xf32>
        %parallel_loop3A_500 = arith.constant 32 : i32
        %parallel_loop3A_501 = arith.addi %parallel_loop3A_432, %parallel_loop3A_500 : i32
        %parallel_loop3A_502 = arith.index_cast %parallel_loop3A_501 : i32 to index
        %parallel_loop3A_503 = tpu.vector_load %arg12[%parallel_loop3A_502] {strides = array<i32>} : memref<16384xf32, #tpu.memory_space<vmem>>, vector<16xf32>,
        tpu.vector_store %arg12[%parallel_loop3A_502], %parallel_loop3A_499 {strides = array<i32>} : memref<16384xf32, #tpu.memory_space<vmem>>, vector<16xf32>,
        %parallel_loop3A_504 = arith.constant 0 : i32
        %parallel_loop3A_505 = vector.broadcast %parallel_loop3A_504 : i32 to vector<16xi32>
        %parallel_loop3A_506 = arith.cmpi slt, %add3A_33, %parallel_loop3A_505 : vector<16xi32>
        %parallel_loop3A_507 = arith.constant 16 : i32
        %parallel_loop3A_508 = vector.broadcast %parallel_loop3A_507 : i32 to vector<16xi32>
        %parallel_loop3A_509 = arith.addi %add3A_33, %parallel_loop3A_508 : vector<16xi32>
        %parallel_loop3A_510 = arith.select %parallel_loop3A_506, %parallel_loop3A_509, %add3A_33 : vector<16xi1>, vector<16xi32>
        %parallel_loop3A_511 = vector.shape_cast %parallel_loop3A_510 : vector<16xi32> to vector<16x1xi32>
        %parallel_loop3A_512 = vector.shape_cast %parallel_loop3A_511 : vector<16x1xi32> to vector<16xi32>
        %parallel_loop3A_513 = tpu.dynamic_gather %parallel_loop3A_460[%parallel_loop3A_512] in [0] : vector<16xf32>, vector<16xi32> -> vector<16xf32>
        %parallel_loop3A_514 = arith.mulf %parallel_loop3A_513, %parallel_loop3A_330 : vector<16xf32>
        %parallel_loop3A_515 = arith.constant 48 : i32
        %parallel_loop3A_516 = arith.addi %parallel_loop3A_432, %parallel_loop3A_515 : i32
        %parallel_loop3A_517 = arith.index_cast %parallel_loop3A_516 : i32 to index
        %parallel_loop3A_518 = tpu.vector_load %arg12[%parallel_loop3A_517] {strides = array<i32>} : memref<16384xf32, #tpu.memory_space<vmem>>, vector<16xf32>,
        tpu.vector_store %arg12[%parallel_loop3A_517], %parallel_loop3A_514 {strides = array<i32>} : memref<16384xf32, #tpu.memory_space<vmem>>, vector<16xf32>,
        %parallel_loop3A_519 = arith.constant 2 : i32
        %parallel_loop3A_520 = arith.muli %parallel_loop3A_306, %parallel_loop3A_519 : i32
        %parallel_loop3A_521 = arith.constant 4096 : i32
        %parallel_loop3A_522 = arith.addi %parallel_loop3A_521, %parallel_loop3A_520 : i32
        %parallel_loop3A_523 = arith.constant 4 : i32
        %parallel_loop3A_524 = arith.muli %parallel_loop3A_306, %parallel_loop3A_523 : i32
        %parallel_loop3A_525 = arith.constant 8192 : i32
        %parallel_loop3A_526 = arith.addi %parallel_loop3A_525, %parallel_loop3A_524 : i32
        %parallel_loop3A_527 = arith.index_cast %parallel_loop3A_522 : i32 to index
        %parallel_loop3A_528 = tpu.vector_load %arg8[%parallel_loop3A_527] {strides = array<i32>} : memref<8192xf32, #tpu.memory_space<vmem>>, vector<16xf32>,
        %parallel_loop3A_529 = arith.constant 16 : i32
        %parallel_loop3A_530 = arith.addi %parallel_loop3A_522, %parallel_loop3A_529 : i32
        %parallel_loop3A_531 = arith.index_cast %parallel_loop3A_530 : i32 to index
        %parallel_loop3A_532 = tpu.vector_load %arg8[%parallel_loop3A_531] {strides = array<i32>} : memref<8192xf32, #tpu.memory_space<vmem>>, vector<16xf32>,
        %parallel_loop3A_533 = arith.constant 0 : i32
        %parallel_loop3A_534 = vector.broadcast %parallel_loop3A_533 : i32 to vector<16xi32>
        %parallel_loop3A_535 = arith.cmpi slt, %xor3A_4, %parallel_loop3A_534 : vector<16xi32>
        %parallel_loop3A_536 = arith.constant 16 : i32
        %parallel_loop3A_537 = vector.broadcast %parallel_loop3A_536 : i32 to vector<16xi32>
        %parallel_loop3A_538 = arith.addi %xor3A_4, %parallel_loop3A_537 : vector<16xi32>
        %parallel_loop3A_539 = arith.select %parallel_loop3A_535, %parallel_loop3A_538, %xor3A_4 : vector<16xi1>, vector<16xi32>
        %parallel_loop3A_540 = vector.shape_cast %parallel_loop3A_539 : vector<16xi32> to vector<16x1xi32>
        %parallel_loop3A_541 = vector.shape_cast %parallel_loop3A_540 : vector<16x1xi32> to vector<16xi32>
        %parallel_loop3A_542 = tpu.dynamic_gather %parallel_loop3A_528[%parallel_loop3A_541] in [0] : vector<16xf32>, vector<16xi32> -> vector<16xf32>
        %parallel_loop3A_543 = arith.maximumf %parallel_loop3A_528, %parallel_loop3A_542 : vector<16xf32>
        %parallel_loop3A_544 = arith.constant 0 : i32
        %parallel_loop3A_545 = vector.broadcast %parallel_loop3A_544 : i32 to vector<16xi32>
        %parallel_loop3A_546 = arith.cmpi slt, %xor3A_4, %parallel_loop3A_545 : vector<16xi32>
        %parallel_loop3A_547 = arith.constant 16 : i32
        %parallel_loop3A_548 = vector.broadcast %parallel_loop3A_547 : i32 to vector<16xi32>
        %parallel_loop3A_549 = arith.addi %xor3A_4, %parallel_loop3A_548 : vector<16xi32>
        %parallel_loop3A_550 = arith.select %parallel_loop3A_546, %parallel_loop3A_549, %xor3A_4 : vector<16xi1>, vector<16xi32>
        %parallel_loop3A_551 = vector.shape_cast %parallel_loop3A_550 : vector<16xi32> to vector<16x1xi32>
        %parallel_loop3A_552 = vector.shape_cast %parallel_loop3A_551 : vector<16x1xi32> to vector<16xi32>
        %parallel_loop3A_553 = tpu.dynamic_gather %parallel_loop3A_532[%parallel_loop3A_552] in [0] : vector<16xf32>, vector<16xi32> -> vector<16xf32>
        %parallel_loop3A_554 = arith.maximumf %parallel_loop3A_532, %parallel_loop3A_553 : vector<16xf32>
        %parallel_loop3A_555 = arith.constant 0 : i32
        %parallel_loop3A_556 = vector.broadcast %parallel_loop3A_555 : i32 to vector<16xi32>
        %parallel_loop3A_557 = arith.cmpi slt, %mul3A_30, %parallel_loop3A_556 : vector<16xi32>
        %parallel_loop3A_558 = arith.constant 16 : i32
        %parallel_loop3A_559 = vector.broadcast %parallel_loop3A_558 : i32 to vector<16xi32>
        %parallel_loop3A_560 = arith.addi %mul3A_30, %parallel_loop3A_559 : vector<16xi32>
        %parallel_loop3A_561 = arith.select %parallel_loop3A_557, %parallel_loop3A_560, %mul3A_30 : vector<16xi1>, vector<16xi32>
        %parallel_loop3A_562 = vector.shape_cast %parallel_loop3A_561 : vector<16xi32> to vector<16x1xi32>
        %parallel_loop3A_563 = vector.shape_cast %parallel_loop3A_562 : vector<16x1xi32> to vector<16xi32>
        %parallel_loop3A_564 = tpu.dynamic_gather %parallel_loop3A_543[%parallel_loop3A_563] in [0] : vector<16xf32>, vector<16xi32> -> vector<16xf32>
        %parallel_loop3A_565 = arith.mulf %parallel_loop3A_564, %parallel_loop3A_312 : vector<16xf32>
        %parallel_loop3A_566 = arith.index_cast %parallel_loop3A_526 : i32 to index
        %parallel_loop3A_567 = tpu.vector_load %arg12[%parallel_loop3A_566] {strides = array<i32>} : memref<16384xf32, #tpu.memory_space<vmem>>, vector<16xf32>,
        tpu.vector_store %arg12[%parallel_loop3A_566], %parallel_loop3A_565 {strides = array<i32>} : memref<16384xf32, #tpu.memory_space<vmem>>, vector<16xf32>,
        %parallel_loop3A_568 = arith.constant 0 : i32
        %parallel_loop3A_569 = vector.broadcast %parallel_loop3A_568 : i32 to vector<16xi32>
        %parallel_loop3A_570 = arith.cmpi slt, %add3A_33, %parallel_loop3A_569 : vector<16xi32>
        %parallel_loop3A_571 = arith.constant 16 : i32
        %parallel_loop3A_572 = vector.broadcast %parallel_loop3A_571 : i32 to vector<16xi32>
        %parallel_loop3A_573 = arith.addi %add3A_33, %parallel_loop3A_572 : vector<16xi32>
        %parallel_loop3A_574 = arith.select %parallel_loop3A_570, %parallel_loop3A_573, %add3A_33 : vector<16xi1>, vector<16xi32>
        %parallel_loop3A_575 = vector.shape_cast %parallel_loop3A_574 : vector<16xi32> to vector<16x1xi32>
        %parallel_loop3A_576 = vector.shape_cast %parallel_loop3A_575 : vector<16x1xi32> to vector<16xi32>
        %parallel_loop3A_577 = tpu.dynamic_gather %parallel_loop3A_543[%parallel_loop3A_576] in [0] : vector<16xf32>, vector<16xi32> -> vector<16xf32>
        %parallel_loop3A_578 = arith.mulf %parallel_loop3A_577, %parallel_loop3A_318 : vector<16xf32>
        %parallel_loop3A_579 = arith.constant 16 : i32
        %parallel_loop3A_580 = arith.addi %parallel_loop3A_526, %parallel_loop3A_579 : i32
        %parallel_loop3A_581 = arith.index_cast %parallel_loop3A_580 : i32 to index
        %parallel_loop3A_582 = tpu.vector_load %arg12[%parallel_loop3A_581] {strides = array<i32>} : memref<16384xf32, #tpu.memory_space<vmem>>, vector<16xf32>,
        tpu.vector_store %arg12[%parallel_loop3A_581], %parallel_loop3A_578 {strides = array<i32>} : memref<16384xf32, #tpu.memory_space<vmem>>, vector<16xf32>,
        %parallel_loop3A_583 = arith.constant 0 : i32
        %parallel_loop3A_584 = vector.broadcast %parallel_loop3A_583 : i32 to vector<16xi32>
        %parallel_loop3A_585 = arith.cmpi slt, %mul3A_30, %parallel_loop3A_584 : vector<16xi32>
        %parallel_loop3A_586 = arith.constant 16 : i32
        %parallel_loop3A_587 = vector.broadcast %parallel_loop3A_586 : i32 to vector<16xi32>
        %parallel_loop3A_588 = arith.addi %mul3A_30, %parallel_loop3A_587 : vector<16xi32>
        %parallel_loop3A_589 = arith.select %parallel_loop3A_585, %parallel_loop3A_588, %mul3A_30 : vector<16xi1>, vector<16xi32>
        %parallel_loop3A_590 = vector.shape_cast %parallel_loop3A_589 : vector<16xi32> to vector<16x1xi32>
        %parallel_loop3A_591 = vector.shape_cast %parallel_loop3A_590 : vector<16x1xi32> to vector<16xi32>
        %parallel_loop3A_592 = tpu.dynamic_gather %parallel_loop3A_554[%parallel_loop3A_591] in [0] : vector<16xf32>, vector<16xi32> -> vector<16xf32>
        %parallel_loop3A_593 = arith.mulf %parallel_loop3A_592, %parallel_loop3A_324 : vector<16xf32>
        %parallel_loop3A_594 = arith.constant 32 : i32
        %parallel_loop3A_595 = arith.addi %parallel_loop3A_526, %parallel_loop3A_594 : i32
        %parallel_loop3A_596 = arith.index_cast %parallel_loop3A_595 : i32 to index
        %parallel_loop3A_597 = tpu.vector_load %arg12[%parallel_loop3A_596] {strides = array<i32>} : memref<16384xf32, #tpu.memory_space<vmem>>, vector<16xf32>,
        tpu.vector_store %arg12[%parallel_loop3A_596], %parallel_loop3A_593 {strides = array<i32>} : memref<16384xf32, #tpu.memory_space<vmem>>, vector<16xf32>,
        %parallel_loop3A_598 = arith.constant 0 : i32
        %parallel_loop3A_599 = vector.broadcast %parallel_loop3A_598 : i32 to vector<16xi32>
        %parallel_loop3A_600 = arith.cmpi slt, %add3A_33, %parallel_loop3A_599 : vector<16xi32>
        %parallel_loop3A_601 = arith.constant 16 : i32
        %parallel_loop3A_602 = vector.broadcast %parallel_loop3A_601 : i32 to vector<16xi32>
        %parallel_loop3A_603 = arith.addi %add3A_33, %parallel_loop3A_602 : vector<16xi32>
        %parallel_loop3A_604 = arith.select %parallel_loop3A_600, %parallel_loop3A_603, %add3A_33 : vector<16xi1>, vector<16xi32>
        %parallel_loop3A_605 = vector.shape_cast %parallel_loop3A_604 : vector<16xi32> to vector<16x1xi32>
        %parallel_loop3A_606 = vector.shape_cast %parallel_loop3A_605 : vector<16x1xi32> to vector<16xi32>
        %parallel_loop3A_607 = tpu.dynamic_gather %parallel_loop3A_554[%parallel_loop3A_606] in [0] : vector<16xf32>, vector<16xi32> -> vector<16xf32>
        %parallel_loop3A_608 = arith.mulf %parallel_loop3A_607, %parallel_loop3A_330 : vector<16xf32>
        %parallel_loop3A_609 = arith.constant 48 : i32
        %parallel_loop3A_610 = arith.addi %parallel_loop3A_526, %parallel_loop3A_609 : i32
        %parallel_loop3A_611 = arith.index_cast %parallel_loop3A_610 : i32 to index
        %parallel_loop3A_612 = tpu.vector_load %arg12[%parallel_loop3A_611] {strides = array<i32>} : memref<16384xf32, #tpu.memory_space<vmem>>, vector<16xf32>,
        tpu.vector_store %arg12[%parallel_loop3A_611], %parallel_loop3A_608 {strides = array<i32>} : memref<16384xf32, #tpu.memory_space<vmem>>, vector<16xf32>,
        %parallel_loop3A_613 = arith.constant 2 : i32
        %parallel_loop3A_614 = arith.muli %parallel_loop3A_306, %parallel_loop3A_613 : i32
        %parallel_loop3A_615 = arith.constant 6144 : i32
        %parallel_loop3A_616 = arith.addi %parallel_loop3A_615, %parallel_loop3A_614 : i32
        %parallel_loop3A_617 = arith.constant 4 : i32
        %parallel_loop3A_618 = arith.muli %parallel_loop3A_306, %parallel_loop3A_617 : i32
        %parallel_loop3A_619 = arith.constant 12288 : i32
        %parallel_loop3A_620 = arith.addi %parallel_loop3A_619, %parallel_loop3A_618 : i32
        %parallel_loop3A_621 = arith.index_cast %parallel_loop3A_616 : i32 to index
        %parallel_loop3A_622 = tpu.vector_load %arg8[%parallel_loop3A_621] {strides = array<i32>} : memref<8192xf32, #tpu.memory_space<vmem>>, vector<16xf32>,
        %parallel_loop3A_623 = arith.constant 16 : i32
        %parallel_loop3A_624 = arith.addi %parallel_loop3A_616, %parallel_loop3A_623 : i32
        %parallel_loop3A_625 = arith.index_cast %parallel_loop3A_624 : i32 to index
        %parallel_loop3A_626 = tpu.vector_load %arg8[%parallel_loop3A_625] {strides = array<i32>} : memref<8192xf32, #tpu.memory_space<vmem>>, vector<16xf32>,
        %parallel_loop3A_627 = arith.constant 0 : i32
        %parallel_loop3A_628 = vector.broadcast %parallel_loop3A_627 : i32 to vector<16xi32>
        %parallel_loop3A_629 = arith.cmpi slt, %xor3A_4, %parallel_loop3A_628 : vector<16xi32>
        %parallel_loop3A_630 = arith.constant 16 : i32
        %parallel_loop3A_631 = vector.broadcast %parallel_loop3A_630 : i32 to vector<16xi32>
        %parallel_loop3A_632 = arith.addi %xor3A_4, %parallel_loop3A_631 : vector<16xi32>
        %parallel_loop3A_633 = arith.select %parallel_loop3A_629, %parallel_loop3A_632, %xor3A_4 : vector<16xi1>, vector<16xi32>
        %parallel_loop3A_634 = vector.shape_cast %parallel_loop3A_633 : vector<16xi32> to vector<16x1xi32>
        %parallel_loop3A_635 = vector.shape_cast %parallel_loop3A_634 : vector<16x1xi32> to vector<16xi32>
        %parallel_loop3A_636 = tpu.dynamic_gather %parallel_loop3A_622[%parallel_loop3A_635] in [0] : vector<16xf32>, vector<16xi32> -> vector<16xf32>
        %parallel_loop3A_637 = arith.maximumf %parallel_loop3A_622, %parallel_loop3A_636 : vector<16xf32>
        %parallel_loop3A_638 = arith.constant 0 : i32
        %parallel_loop3A_639 = vector.broadcast %parallel_loop3A_638 : i32 to vector<16xi32>
        %parallel_loop3A_640 = arith.cmpi slt, %xor3A_4, %parallel_loop3A_639 : vector<16xi32>
        %parallel_loop3A_641 = arith.constant 16 : i32
        %parallel_loop3A_642 = vector.broadcast %parallel_loop3A_641 : i32 to vector<16xi32>
        %parallel_loop3A_643 = arith.addi %xor3A_4, %parallel_loop3A_642 : vector<16xi32>
        %parallel_loop3A_644 = arith.select %parallel_loop3A_640, %parallel_loop3A_643, %xor3A_4 : vector<16xi1>, vector<16xi32>
        %parallel_loop3A_645 = vector.shape_cast %parallel_loop3A_644 : vector<16xi32> to vector<16x1xi32>
        %parallel_loop3A_646 = vector.shape_cast %parallel_loop3A_645 : vector<16x1xi32> to vector<16xi32>
        %parallel_loop3A_647 = tpu.dynamic_gather %parallel_loop3A_626[%parallel_loop3A_646] in [0] : vector<16xf32>, vector<16xi32> -> vector<16xf32>
        %parallel_loop3A_648 = arith.maximumf %parallel_loop3A_626, %parallel_loop3A_647 : vector<16xf32>
        %parallel_loop3A_649 = arith.constant 0 : i32
        %parallel_loop3A_650 = vector.broadcast %parallel_loop3A_649 : i32 to vector<16xi32>
        %parallel_loop3A_651 = arith.cmpi slt, %mul3A_30, %parallel_loop3A_650 : vector<16xi32>
        %parallel_loop3A_652 = arith.constant 16 : i32
        %parallel_loop3A_653 = vector.broadcast %parallel_loop3A_652 : i32 to vector<16xi32>
        %parallel_loop3A_654 = arith.addi %mul3A_30, %parallel_loop3A_653 : vector<16xi32>
        %parallel_loop3A_655 = arith.select %parallel_loop3A_651, %parallel_loop3A_654, %mul3A_30 : vector<16xi1>, vector<16xi32>
        %parallel_loop3A_656 = vector.shape_cast %parallel_loop3A_655 : vector<16xi32> to vector<16x1xi32>
        %parallel_loop3A_657 = vector.shape_cast %parallel_loop3A_656 : vector<16x1xi32> to vector<16xi32>
        %parallel_loop3A_658 = tpu.dynamic_gather %parallel_loop3A_637[%parallel_loop3A_657] in [0] : vector<16xf32>, vector<16xi32> -> vector<16xf32>
        %parallel_loop3A_659 = arith.mulf %parallel_loop3A_658, %parallel_loop3A_312 : vector<16xf32>
        %parallel_loop3A_660 = arith.index_cast %parallel_loop3A_620 : i32 to index
        %parallel_loop3A_661 = tpu.vector_load %arg12[%parallel_loop3A_660] {strides = array<i32>} : memref<16384xf32, #tpu.memory_space<vmem>>, vector<16xf32>,
        tpu.vector_store %arg12[%parallel_loop3A_660], %parallel_loop3A_659 {strides = array<i32>} : memref<16384xf32, #tpu.memory_space<vmem>>, vector<16xf32>,
        %parallel_loop3A_662 = arith.constant 0 : i32
        %parallel_loop3A_663 = vector.broadcast %parallel_loop3A_662 : i32 to vector<16xi32>
        %parallel_loop3A_664 = arith.cmpi slt, %add3A_33, %parallel_loop3A_663 : vector<16xi32>
        %parallel_loop3A_665 = arith.constant 16 : i32
        %parallel_loop3A_666 = vector.broadcast %parallel_loop3A_665 : i32 to vector<16xi32>
        %parallel_loop3A_667 = arith.addi %add3A_33, %parallel_loop3A_666 : vector<16xi32>
        %parallel_loop3A_668 = arith.select %parallel_loop3A_664, %parallel_loop3A_667, %add3A_33 : vector<16xi1>, vector<16xi32>
        %parallel_loop3A_669 = vector.shape_cast %parallel_loop3A_668 : vector<16xi32> to vector<16x1xi32>
        %parallel_loop3A_670 = vector.shape_cast %parallel_loop3A_669 : vector<16x1xi32> to vector<16xi32>
        %parallel_loop3A_671 = tpu.dynamic_gather %parallel_loop3A_637[%parallel_loop3A_670] in [0] : vector<16xf32>, vector<16xi32> -> vector<16xf32>
        %parallel_loop3A_672 = arith.mulf %parallel_loop3A_671, %parallel_loop3A_318 : vector<16xf32>
        %parallel_loop3A_673 = arith.constant 16 : i32
        %parallel_loop3A_674 = arith.addi %parallel_loop3A_620, %parallel_loop3A_673 : i32
        %parallel_loop3A_675 = arith.index_cast %parallel_loop3A_674 : i32 to index
        %parallel_loop3A_676 = tpu.vector_load %arg12[%parallel_loop3A_675] {strides = array<i32>} : memref<16384xf32, #tpu.memory_space<vmem>>, vector<16xf32>,
        tpu.vector_store %arg12[%parallel_loop3A_675], %parallel_loop3A_672 {strides = array<i32>} : memref<16384xf32, #tpu.memory_space<vmem>>, vector<16xf32>,
        %parallel_loop3A_677 = arith.constant 0 : i32
        %parallel_loop3A_678 = vector.broadcast %parallel_loop3A_677 : i32 to vector<16xi32>
        %parallel_loop3A_679 = arith.cmpi slt, %mul3A_30, %parallel_loop3A_678 : vector<16xi32>
        %parallel_loop3A_680 = arith.constant 16 : i32
        %parallel_loop3A_681 = vector.broadcast %parallel_loop3A_680 : i32 to vector<16xi32>
        %parallel_loop3A_682 = arith.addi %mul3A_30, %parallel_loop3A_681 : vector<16xi32>
        %parallel_loop3A_683 = arith.select %parallel_loop3A_679, %parallel_loop3A_682, %mul3A_30 : vector<16xi1>, vector<16xi32>
        %parallel_loop3A_684 = vector.shape_cast %parallel_loop3A_683 : vector<16xi32> to vector<16x1xi32>
        %parallel_loop3A_685 = vector.shape_cast %parallel_loop3A_684 : vector<16x1xi32> to vector<16xi32>
        %parallel_loop3A_686 = tpu.dynamic_gather %parallel_loop3A_648[%parallel_loop3A_685] in [0] : vector<16xf32>, vector<16xi32> -> vector<16xf32>
        %parallel_loop3A_687 = arith.mulf %parallel_loop3A_686, %parallel_loop3A_324 : vector<16xf32>
        %parallel_loop3A_688 = arith.constant 32 : i32
        %parallel_loop3A_689 = arith.addi %parallel_loop3A_620, %parallel_loop3A_688 : i32
        %parallel_loop3A_690 = arith.index_cast %parallel_loop3A_689 : i32 to index
        %parallel_loop3A_691 = tpu.vector_load %arg12[%parallel_loop3A_690] {strides = array<i32>} : memref<16384xf32, #tpu.memory_space<vmem>>, vector<16xf32>,
        tpu.vector_store %arg12[%parallel_loop3A_690], %parallel_loop3A_687 {strides = array<i32>} : memref<16384xf32, #tpu.memory_space<vmem>>, vector<16xf32>,
        %parallel_loop3A_692 = arith.constant 0 : i32
        %parallel_loop3A_693 = vector.broadcast %parallel_loop3A_692 : i32 to vector<16xi32>
        %parallel_loop3A_694 = arith.cmpi slt, %add3A_33, %parallel_loop3A_693 : vector<16xi32>
        %parallel_loop3A_695 = arith.constant 16 : i32
        %parallel_loop3A_696 = vector.broadcast %parallel_loop3A_695 : i32 to vector<16xi32>
        %parallel_loop3A_697 = arith.addi %add3A_33, %parallel_loop3A_696 : vector<16xi32>
        %parallel_loop3A_698 = arith.select %parallel_loop3A_694, %parallel_loop3A_697, %add3A_33 : vector<16xi1>, vector<16xi32>
        %parallel_loop3A_699 = vector.shape_cast %parallel_loop3A_698 : vector<16xi32> to vector<16x1xi32>
        %parallel_loop3A_700 = vector.shape_cast %parallel_loop3A_699 : vector<16x1xi32> to vector<16xi32>
        %parallel_loop3A_701 = tpu.dynamic_gather %parallel_loop3A_648[%parallel_loop3A_700] in [0] : vector<16xf32>, vector<16xi32> -> vector<16xf32>
        %parallel_loop3A_702 = arith.mulf %parallel_loop3A_701, %parallel_loop3A_330 : vector<16xf32>
        %parallel_loop3A_703 = arith.constant 48 : i32
        %parallel_loop3A_704 = arith.addi %parallel_loop3A_620, %parallel_loop3A_703 : i32
        %parallel_loop3A_705 = arith.index_cast %parallel_loop3A_704 : i32 to index
        %parallel_loop3A_706 = tpu.vector_load %arg12[%parallel_loop3A_705] {strides = array<i32>} : memref<16384xf32, #tpu.memory_space<vmem>>, vector<16xf32>,
        tpu.vector_store %arg12[%parallel_loop3A_705], %parallel_loop3A_702 {strides = array<i32>} : memref<16384xf32, #tpu.memory_space<vmem>>, vector<16xf32>,
      } {sc.loop_unroll_factor = 1 : i64, sc.parallel_access}
      %mul3A_297 = arith.constant 4 : i32
      %mul3A_298 = arith.muli %add3A_254, %mul3A_297 : i32
      %add3A_299 = arith.addi %mul3A_2, %mul3A_298 : i32
      %mul3A_300 = arith.constant 4096 : i32
      %mul3A_301 = arith.muli %add3A_299, %mul3A_300 : i32
      %dma_start3A_302 = tpu.memref_slice %arg4[%mul3A_301] : memref<16777216xf32, #tpu.memory_space<hbm>> -> memref<16384xf32, #tpu.memory_space<hbm>>
      %dma_start3A_303 = tpu.memref_slice %arg4[%mul3A_301] : memref<16777216xf32, #tpu.memory_space<hbm>> -> memref<16384xf32, #tpu.memory_space<hbm>>
      tpu.enqueue_dma source(%arg12 : memref<16384xf32, #tpu.memory_space<vmem>>) target(%dma_start3A_303 : memref<16384xf32, #tpu.memory_space<hbm>>) target_semaphore(%arg21 : memref<!tpu.dma_semaphore, #tpu.memory_space<semaphore_mem>>)
    }
    %scan3A_55 = arith.constant 8 : i32
    %add3A_56 = arith.constant 0 : i32
    %add3A_57 = arith.addi %mul3A_2, %add3A_56 : i32
    %mul3A_58 = arith.constant 2048 : i32
    %mul3A_59 = arith.muli %add3A_57, %mul3A_58 : i32
    %dma_wait3A = tpu.memref_slice %arg2[%mul3A_59] : memref<8388608xf32, #tpu.memory_space<hbm>> -> memref<8192xf32, #tpu.memory_space<hbm>>
    %dma_wait3A_60 = tpu.memref_slice %arg2[%mul3A_59] : memref<8388608xf32, #tpu.memory_space<hbm>> -> memref<8192xf32, #tpu.memory_space<hbm>>
    tpu.wait_dma2 semaphore(%arg14 : memref<!tpu.dma_semaphore, #tpu.memory_space<semaphore_mem>>) src(%dma_wait3A_60 : memref<8192xf32, #tpu.memory_space<hbm>>) dst(%arg5 : memref<8192xf32, #tpu.memory_space<vmem>>)
    %add3A_61 = arith.constant 4 : i32
    %add3A_62 = arith.addi %mul3A_2, %add3A_61 : i32
    %mul3A_63 = arith.constant 2048 : i32
    %mul3A_64 = arith.muli %add3A_62, %mul3A_63 : i32
    %dma_wait3A_65 = tpu.memref_slice %arg2[%mul3A_64] : memref<8388608xf32, #tpu.memory_space<hbm>> -> memref<8192xf32, #tpu.memory_space<hbm>>
    %dma_wait3A_66 = tpu.memref_slice %arg2[%mul3A_64] : memref<8388608xf32, #tpu.memory_space<hbm>> -> memref<8192xf32, #tpu.memory_space<hbm>>
    tpu.wait_dma2 semaphore(%arg15 : memref<!tpu.dma_semaphore, #tpu.memory_space<semaphore_mem>>) src(%dma_wait3A_66 : memref<8192xf32, #tpu.memory_space<hbm>>) dst(%arg6 : memref<8192xf32, #tpu.memory_space<vmem>>)
    %add3A_67 = arith.constant 8 : i32
    %add3A_68 = arith.addi %mul3A_2, %add3A_67 : i32
    %mul3A_69 = arith.constant 2048 : i32
    %mul3A_70 = arith.muli %add3A_68, %mul3A_69 : i32
    %dma_wait3A_71 = tpu.memref_slice %arg2[%mul3A_70] : memref<8388608xf32, #tpu.memory_space<hbm>> -> memref<8192xf32, #tpu.memory_space<hbm>>
    %dma_wait3A_72 = tpu.memref_slice %arg2[%mul3A_70] : memref<8388608xf32, #tpu.memory_space<hbm>> -> memref<8192xf32, #tpu.memory_space<hbm>>
    tpu.wait_dma2 semaphore(%arg16 : memref<!tpu.dma_semaphore, #tpu.memory_space<semaphore_mem>>) src(%dma_wait3A_72 : memref<8192xf32, #tpu.memory_space<hbm>>) dst(%arg7 : memref<8192xf32, #tpu.memory_space<vmem>>)
    %add3A_73 = arith.constant 112 : i32
    %add3A_74 = arith.addi %mul3A_2, %add3A_73 : i32
    %mul3A_75 = arith.constant 4096 : i32
    %mul3A_76 = arith.muli %add3A_74, %mul3A_75 : i32
    %dma_wait3A_77 = tpu.memref_slice %arg4[%mul3A_76] : memref<16777216xf32, #tpu.memory_space<hbm>> -> memref<16384xf32, #tpu.memory_space<hbm>>
    %dma_wait3A_78 = tpu.memref_slice %arg4[%mul3A_76] : memref<16777216xf32, #tpu.memory_space<hbm>> -> memref<16384xf32, #tpu.memory_space<hbm>>
    tpu.wait_dma2 semaphore(%arg18 : memref<!tpu.dma_semaphore, #tpu.memory_space<semaphore_mem>>) src(%arg9 : memref<16384xf32, #tpu.memory_space<vmem>>) dst(%dma_wait3A_78 : memref<16384xf32, #tpu.memory_space<hbm>>)
    %add3A_79 = arith.constant 116 : i32
    %add3A_80 = arith.addi %mul3A_2, %add3A_79 : i32
    %mul3A_81 = arith.constant 4096 : i32
    %mul3A_82 = arith.muli %add3A_80, %mul3A_81 : i32
    %dma_wait3A_83 = tpu.memref_slice %arg4[%mul3A_82] : memref<16777216xf32, #tpu.memory_space<hbm>> -> memref<16384xf32, #tpu.memory_space<hbm>>
    %dma_wait3A_84 = tpu.memref_slice %arg4[%mul3A_82] : memref<16777216xf32, #tpu.memory_space<hbm>> -> memref<16384xf32, #tpu.memory_space<hbm>>
    tpu.wait_dma2 semaphore(%arg19 : memref<!tpu.dma_semaphore, #tpu.memory_space<semaphore_mem>>) src(%arg10 : memref<16384xf32, #tpu.memory_space<vmem>>) dst(%dma_wait3A_84 : memref<16384xf32, #tpu.memory_space<hbm>>)
    %add3A_85 = arith.constant 120 : i32
    %add3A_86 = arith.addi %mul3A_2, %add3A_85 : i32
    %mul3A_87 = arith.constant 4096 : i32
    %mul3A_88 = arith.muli %add3A_86, %mul3A_87 : i32
    %dma_wait3A_89 = tpu.memref_slice %arg4[%mul3A_88] : memref<16777216xf32, #tpu.memory_space<hbm>> -> memref<16384xf32, #tpu.memory_space<hbm>>
    %dma_wait3A_90 = tpu.memref_slice %arg4[%mul3A_88] : memref<16777216xf32, #tpu.memory_space<hbm>> -> memref<16384xf32, #tpu.memory_space<hbm>>
    tpu.wait_dma2 semaphore(%arg20 : memref<!tpu.dma_semaphore, #tpu.memory_space<semaphore_mem>>) src(%arg11 : memref<16384xf32, #tpu.memory_space<vmem>>) dst(%dma_wait3A_90 : memref<16384xf32, #tpu.memory_space<hbm>>)
    %add3A_91 = arith.constant 124 : i32
    %add3A_92 = arith.addi %mul3A_2, %add3A_91 : i32
    %mul3A_93 = arith.constant 4096 : i32
    %mul3A_94 = arith.muli %add3A_92, %mul3A_93 : i32
    %dma_wait3A_95 = tpu.memref_slice %arg4[%mul3A_94] : memref<16777216xf32, #tpu.memory_space<hbm>> -> memref<16384xf32, #tpu.memory_space<hbm>>
    %dma_wait3A_96 = tpu.memref_slice %arg4[%mul3A_94] : memref<16777216xf32, #tpu.memory_space<hbm>> -> memref<16384xf32, #tpu.memory_space<hbm>>
    tpu.wait_dma2 semaphore(%arg21 : memref<!tpu.dma_semaphore, #tpu.memory_space<semaphore_mem>>) src(%arg12 : memref<16384xf32, #tpu.memory_space<vmem>>) dst(%dma_wait3A_96 : memref<16384xf32, #tpu.memory_space<hbm>>)
    return
  }
}

</mosaic_0001>

<sc_bundles>
// kernel: kernel.3.cloned.1.call-start
scs
__scs_entry_jumppad:
0x0: {  	(pc) =	sbr.rel $0x88, $3  }
0x1: {  	(tag) =	ssettag $0x0;
	lr =	simm.s32 $0x1  }
0x2: {  	[smem:$0x3F9F] =	sst lr;
	_ =	strace $0xD0000000  }
0x3: {  	_ = 	snop  }
0x4: {  	_ = 	snop  }
0x5: {  	_ = 	snop  }
0x6: {  	_ = 	snop  }
0x7: {  	_ = 	snop  }
__scs_overlays_trampoline_lowered:
0x8: {  	[smem:$0x3FAE] =	sst s0  }
0x9: {  	[smem:$0x3FAF] =	sst s1  }
0xa: {  	[smem:$0x3FB0] =	sst s2  }
0xb: {  	[smem:$0x3FB1] =	sst s3  }
0xc: {  	[smem:$0x3FB2] =	sst s4  }
0xd: {  	[smem:$0x3FB3] =	sst s5  }
0xe: {  	[smem:$0x3FB4] =	sst s6  }
0xf: {  	[smem:$0x3FB5] =	sst s7  }
0x10: {  	[smem:$0x3FB6] =	sst s8  }
0x11: {  	[smem:$0x3FB7] =	sst s9;
	s0 =	simm.s32 @!p0 $0x0  }
0x12: {  	s1 =	sld [smem:$0x3F9D];
	s0 =	simm.s32 @p0 $0x1  }
0x13: {  	[smem:$0x3FB8] =	sst s0;
	s0 =	simm.s32 @!p1 $0x0  }
0x14: {  	s2 =	sld [smem:$0x3F9C];
	s0 =	simm.s32 @p1 $0x1  }
0x15: {  	[smem:$0x3FB9] =	sst s0;
	s0 =	simm.s32 @!p2 $0x0  }
0x16: {  	s3 =	sld [smem:$0x3FDB];
	s0 =	simm.s32 @p2 $0x1  }
0x17: {  	s4 =	simm.s32 $0x1BF5;
	[smem:$0x3FBB] =	sst s0  }
0x18: {  	s0 =	sld [smem:$0x3F9E];
	_ =	swait.ge [sflag:s4], $0x0  }
0x19: {  	s7 =	sld [smem:$0x3F9F]  }
0x1a: {  	s8 =	sadd.s32 $0xFFFFE003, lr  }
0x1b: {  	s9 =	sadd.s32 $0xFFFFFEF7, lr;
	s5 =	simm.s32 $0xFFFFFFFF;
	p2 =	slt.u32 s8, $0xFFFFF086  }
0x1c: {  	p1 =	slt.u32 s9, $0xF7A;
	s5 =	simm.s32 @!p2 $0x0  }
0x1d: {  	s5 =	simm.s32 @p1 $0x1;
	p0 =	seq.s32 s7, s2  }
0x1e: {  	s7 =	smul.u32 @!p0 $0xF7A, s2;
	p2 =	seq.s32 @!p0 s5, $0x0  }
0x1f: {  	s9 =	smul.u32 $0xF7A, s1;
	s8 =	simm.s32 @!p0 $0x1BF5;
	p2 =	por !p2, p0  }
0x20: {  	[sflag:s8] =	ssyncset.s32 @!p0 $0xFFFFF086;
	s6 =	sadd.s32 @!p0 s3, s7;
	s7 =	simm.s32 @!p0 $0x108  }
0x21: {  	s3 =	sadd.s32 s3, s9;
	s6 =	sadd.s32 @!p0 $0x88, s6;
	s7 =	simm.s32 @p2 $0x1082  }
0x22: {  	[simem:s7], [sflag:s8] =	dma.local @!p0 [hbm:s6], $0xF7A  }
0x23: {  	s9 =	sor.u32 $0xD0000000, s2;
	s6 =	simm.s32 $0x108;
	_ =	swait.ge @!p0 [sflag:s8], $0x0  }
0x24: {  	s3 =	sadd.s32 $0x88, s3;
	s6 =	simm.s32 @!p1 $0x1082;
	[sflag:s4] =	ssyncset.s32 $0xFFFFF086  }
0x25: {  	[simem:s6], [sflag:s4] =	dma.local [hbm:s3], $0xF7A  }
0x26: {  	[smem:$0x3F9F] =	sst s1;
	(tag) =	ssettag s2;
	_ =	strace s9  }
0x27: {  	s1 =	sld [smem:$0x3FAF]  }
0x28: {  	s2 =	sld [smem:$0x3FB0]  }
0x29: {  	s4 =	sld [smem:$0x3FB2]  }
0x2a: {  	p0 =	seq.s32 s5, $0x0;
	s5 =	sld [smem:$0x3FB3]  }
0x2b: {  	s6 =	sld [smem:$0x3FB4]  }
0x2c: {  	s7 =	sld [smem:$0x3FB5]  }
0x2d: {  	s3 =	simm.s32 $0x108;
	s8 =	sld [smem:$0x3FB6]  }
0x2e: {  	s3 =	simm.s32 @!p0 $0x1082;
	s9 =	sld [smem:$0x3FB7]  }
0x2f: {  	lr =	sadd.s32 s0, s3;
	s0 =	sld [smem:$0x3FAE]  }
0x30: {  	s3 =	sld [smem:$0x3FB1]  }
0x31: {  	[smem:$0x3FBA] =	sst s10  }
0x32: {  	s10 =	sld [smem:$0x3FB8];
	_ =	sdelay $0x3  }
0x33: {  	p0 =	seq.s32 s10, $0x1;
	s10 =	sld [smem:$0x3FBA];
	_ =	sdelay $0x3  }
0x34: {  	[smem:$0x3FBA] =	sst s10  }
0x35: {  	s10 =	sld [smem:$0x3FB9];
	_ =	sdelay $0x3  }
0x36: {  	p1 =	seq.s32 s10, $0x1;
	s10 =	sld [smem:$0x3FBA];
	_ =	sdelay $0x3  }
0x37: {  	[smem:$0x3FBA] =	sst s10  }
0x38: {  	s10 =	sld [smem:$0x3FBB]  }
0x39: {  	_ = 	snop;
	(pc) =	sbr.ind lr, $3  }
0x3a: {  	_ = 	snop  }
0x3b: {  	_ = 	snop  }
0x3c: {  	p2 =	seq.s32 s10, $0x1;
	s10 =	sld [smem:$0x3FBA]  }
0x3d: {  	_ =	shalt  }
0x3e: {  	_ =	shalt  }
0x3f: {  	_ =	shalt  }
0x40: {  	_ =	shalt  }
0x41: {  	_ =	shalt  }
0x42: {  	_ =	shalt  }
0x43: {  	_ =	shalt  }
0x44: {  	_ =	shalt  }
0x45: {  	_ =	shalt  }
0x46: {  	_ =	shalt  }
0x47: {  	_ =	shalt  }
0x48: {  	_ =	shalt  }
0x49: {  	_ =	shalt  }
0x4a: {  	_ =	shalt  }
0x4b: {  	_ =	shalt  }
0x4c: {  	_ =	shalt  }
0x4d: {  	_ =	shalt  }
0x4e: {  	_ =	shalt  }
0x4f: {  	_ =	shalt  }
0x50: {  	_ =	shalt  }
0x51: {  	_ =	shalt  }
0x52: {  	_ =	shalt  }
0x53: {  	_ =	shalt  }
0x54: {  	_ =	shalt  }
0x55: {  	_ =	shalt  }
0x56: {  	_ =	shalt  }
0x57: {  	_ =	shalt  }
0x58: {  	_ =	shalt  }
0x59: {  	_ =	shalt  }
0x5a: {  	_ =	shalt  }
0x5b: {  	_ =	shalt  }
0x5c: {  	_ =	shalt  }
0x5d: {  	_ =	shalt  }
0x5e: {  	_ =	shalt  }
0x5f: {  	_ =	shalt  }
0x60: {  	_ =	shalt  }
0x61: {  	_ =	shalt  }
0x62: {  	_ =	shalt  }
0x63: {  	_ =	shalt  }
0x64: {  	_ =	shalt  }
0x65: {  	_ =	shalt  }
0x66: {  	_ =	shalt  }
0x67: {  	_ =	shalt  }
0x68: {  	_ =	shalt  }
0x69: {  	_ =	shalt  }
0x6a: {  	_ =	shalt  }
0x6b: {  	_ =	shalt  }
0x6c: {  	_ =	shalt  }
0x6d: {  	_ =	shalt  }
0x6e: {  	_ =	shalt  }
0x6f: {  	_ =	shalt  }
0x70: {  	_ =	shalt  }
0x71: {  	_ =	shalt  }
0x72: {  	_ =	shalt  }
0x73: {  	_ =	shalt  }
0x74: {  	_ =	shalt  }
0x75: {  	_ =	shalt  }
0x76: {  	_ =	shalt  }
0x77: {  	_ =	shalt  }
0x78: {  	_ =	shalt  }
0x79: {  	_ =	shalt  }
0x7a: {  	_ =	shalt  }
0x7b: {  	_ =	shalt  }
0x7c: {  	_ =	shalt  }
0x7d: {  	_ =	shalt  }
0x7e: {  	_ =	shalt  }
0x7f: {  	_ =	shalt  }
0x80: {  	_ =	shalt  }
0x81: {  	_ =	shalt  }
0x82: {  	_ =	shalt  }
0x83: {  	_ =	shalt  }
0x84: {  	_ =	shalt  }
0x85: {  	_ =	shalt  }
0x86: {  	_ =	shalt  }
0x87: {  	_ =	shalt  }
.Lfunc_end0:
.L_simem_size_0:
called_computation.1_lowered:
.L_overlay_start_0:
0x88: {  	s2 =	sld [smem:$0x3FD9]  }
0x89: {  	s3 =	sld [smem:$0x3FFE];
	_ =	sdelay $0x1  }
0x8a: {  	s1 =	srdreg.scid  }
0x8b: {  	s0 =	sand.u32 $0x1, s1  }
0x8c: {  	s17 =	sshll.u32 s0, $0xA;
	s2 =	sadd.s32 s3, s2  }
0x8d: {  	s2 =	sadd.s32 s2, s17  }
0x8e: {  	[smem:$0x3FC6] =	sst s2  }
0x8f: {  	_ = 	snop  }
0x90: {  	s2 =	sld [smem:$0x3FD0];
	(tm) =	ssettm $0x1  }
0x91: {  	s18 =	sld [smem:$0x3FFB];
	_ =	sdelay $0x3  }
0x92: {  	_ =	strace s18  }
0x93: {  	s3 =	sld [smem:$0x3FFC];
	_ =	sdelay $0x3  }
0x94: {  	_ =	strace s3  }
0x95: {  	s3 =	sld [smem:$0x3FFD];
	_ =	sdelay $0x3  }
0x96: {  	_ =	strace s3  }
0x97: {  	_ =	strace $0x8FFFFFFF  }
0x98: {  	s19 =	sld [smem:$0x3FDB];
	_ =	sdelay $0x1  }
0x99: {  	s4 =	simm.s32 $_scs_section_size  }
0x9a: {  	s5 =	simm.s32 $_size__tile_overlayer_lowered;
	s6 =	simm.s32 $_tile_overlayer_lowered  }
0x9b: {  	s22 =	simm.s32 $0x1BFF;
	s21 =	sshll.u32 s6, $0x1;
	s3 =	sadd.s32 s4, s19  }
0x9c: {  	s7 =	simm.s32 $0x0;
	s20 =	sshll.u32 s5, $0x1;
	s5 =	sadd.s32 s21, s3  }
0x9d: {  	[timem:s7], [sflag:s22] =	dma.local [hbm:s5], s20  }
0x9e: {  	_ =	swait.ge [sflag:s22], s20  }
0x9f: {  	s4 =	ssub.s32 $0x0, s20;
	[sflag:s22] =	ssyncset.done $0x0  }
0xa0: {  	[sflag:s22] =	ssyncadd.s32 s4;
	_ =	sdelay $0x1  }
0xa1: {  	s23 =	simm.s32 $0x1B8B  }
0xa2: {  	_ =	swait.ge [sflag:s23], $0x1  }
0xa3: {  	[sflag:s23] =	ssyncset.done $0x0  }
0xa4: {  	s25 =	simm.s32 $0x1B8E;
	s24 =	sld [smem:$0x3FFE];
	[sflag:s23] =	ssyncadd.s32 $0xFFFFFFFF  }
0xa5: {  	s26 =	simm.s32 $execute0_lowered;
	[smem:$0x3FD2] =	sst s25  }
0xa6: {  	s5 =	sshll.u32 s26, $0x1;
	_ =	strace $0x80000049;
	[dreg:$0x1] =	wrdreg $0xFFFFFFFF  }
0xa7: {  	s28 =	simm.s32 $_size_execute0_lowered;
	s3 =	sadd.s32 s3, s5;
	[dreg:$0x0] =	wrdreg $0x0  }
0xa8: {  	s5 =	sshll.u32 s28, $0x1;
	[dreg:$0x2] =	wrdreg s3  }
0xa9: {  	[dreg:$0x3] =	wrdreg s5  }
0xaa: {  	[dreg:$0x4] =	wrdreg $0xC0  }
0xab: {  	_ =	task [dreg:s7], $0x5FFFF  }
0xac: {  	[dreg:$0x1] =	wrdreg $0xFFFFFFFF  }
0xad: {  	[dreg:$0x0] =	wrdreg $0x60  }
0xae: {  	[dreg:$0x2] =	wrdreg s2  }
0xaf: {  	[dreg:$0x3] =	wrdreg s24  }
0xb0: {  	[dreg:$0x4] =	wrdreg $0x9  }
0xb1: {  	_ =	task.clear_ibuf [dreg:s7], $0x5FFFF;
	_ =	strace $0x90000049  }
0xb2: {  	s29 =	simm.s32 $0x9;
	_ =	strace $0x8000004B  }
0xb3: {  	_ =	swait.ge [sflag:s29], $0x1  }
0xb4: {  	[sflag:s29] =	ssyncadd.s32 $0xFFFFFFFF  }
0xb5: {  	_ =	strace $0x9000004B  }
0xb6: {  	_ =	sfence  }
0xb7: {  	s30 =	sld [smem:$0x0];
	_ =	sdelay $0x2  }
0xb8: {  	s31 =	sshll.u32 s1, $0xD;
	s1 =	sshrl.u32 s1, $0x2  }
0xb9: {  	s3 =	sand.u32 $0x4000, s31;
	s1 =	sadd.s32 s1, s30  }
0xba: {  	s0 =	sor.u32 s3, s0;
	s1 =	sshll.u32 s1, $0x11  }
0xbb: {  	s0 =	sor.u32 s1, s0  }
0xbc: {  	s0 =	sadd.s32 $0x8F2B, s0  }
0xbd: {  	[sflag:s0] =	ssyncadd.remote.s32 $0x1  }
0xbe: {  	_ =	sfence.sel $0xFFFF  }
0xbf: {  	[dreg:$0x0] =	wrdreg $0xFFFFFFFF;
	(pc) =	sbr.abs _section_cstart, $3  }
0xc0: {  	[dreg:$0x1] =	wrdreg $0xFFFFFFFF  }
0xc1: {  	_ =	task.clear_ibuf [dreg:s7], $0x2FFFF;
	_ =	strace $0x9FFFFFFF  }
0xc2: {  	(tm) =	ssettm $0x7FFFFFFF  }
0xc3: {  	_ =	shalt  }
tec
execute0_lowered:
.L_overlay_start_1:
0x0: {  	(tag) =	ssettag $0x1  }
0x1: {  	s1 =	rddreg [dreg:$0x0]  }
0x2: {  	s0 =	rddreg [dreg:$0x1];
	s3 =	simm.s32 $0x0;
	s2 =	srdreg.scid  }
0x3: {  	s4 =	stileid.u32;
	s14 =	simm.s32 $0x2000;
	s15 =	simm.s32 $0x4000  }
0x4: {  	s16 =	simm.s32 $0x1;
	s19 =	simm.s32 $0x2;
	s21 =	simm.s32 $0x3  }
0x5: {  	v0 =	vimm.s32 $0xEFCDAB89;
	v1 =	vimm.s32 $0x67452301;
	s23 =	simm.s32 $0x4;
	s2 =	sand.u32 $0x1, s2;
	s4 =	sshll.u32 s4, $0x1  }
0x6: {  	[smem:$0x7FF] =	sst s3;
	v0 =	vunpack.c.l.s4.s8 v0;
	v1 =	vunpack.c.l.s4.s8 v1;
	s6 =	ssub.s32 $0x2, s2;
	s2 =	sor.u32 s2, s4  }
0x7: {  	s26 =	sadd.s32 $0xC00, s0;
	s28 =	sshrl.u32 s6, $0x1;
	s7 =	sshll.u32 s2, $0xF  }
0x8: {  	v2 =	vlaneseq.u32;
	s5 =	sadd.s32 $0xE00, s0;
	v0 =	vunpack.c.0.s8.s32 v0;
	v1 =	vunpack.c.0.s8.s32 v1;
	s29 =	ssub.s32 s6, s28;
	s6 =	sadd.s32 s1, s7  }
0x9: {  	v2 =	vshrl.u32 v2, $0x2;
	_ =	strace $0x8000004A;
	[dreg:$0x3] =	wrdreg s26;
	s30 =	sadd.s32 $0x400, s6  }
0xa: {  	s7 =	sshll.u32 s2, $0x7;
	s31 =	sadd.s32 $0x800, s6;
	v1 =	vcombine.low v1, v0;
	v0 =	vmul.u32 $0x2, v2;
	[dreg:$0x4] =	wrdreg s30  }
0xb: {  	s2 =	sshll.u32 s2, $0x10;
	s0 =	smax.u32 s29, $0x1;
	[dreg:$0x5] =	wrdreg s31  }
0xc: {  	s4 =	simm.s32 $0x0;
	s10 =	sadd.s32 s5, s2;
	[dreg:$0x6] =	wrdreg s0;
	v1 =	vand.u32 $0xF, v1;
	v2 =	vor.u32 $0x8, v0  }
.LBB2_1:
0xd: {  	[dreg:$0x7] =	wrdreg s4  }
0xe: {  	s0 =	rddreg [dreg:$0x3];
	s2 =	simm.s32 $0x18000;
	s28 =	simm.s32 $0x9  }
0xf: {  	[tilespmem:s2], [sflag:$0x9] =	stream.linear.gather [hbm4b:s0+s3], $0x1000, $0x38;
	[tilespmem:$0x19000] =	vst v63  }
0x10: {  	_ =	swait.ge [sflag:s28], $0x1000  }
0x11: {  	[sflag:s28] =	ssyncset.done $0x0  }
0x12: {  	[sflag:s28] =	ssyncadd.s32 $0xFFFFF000  }
0x13: {  	[tilespmem:s3], [sflag:$0x1] =	stream.linear.gather [hbm4b:s6+s3], $0x2000, $0x38;
	[tilespmem:$0x19000] =	vst v63  }
0x14: {  	s29 =	rddreg [dreg:$0x4]  }
0x15: {  	[tilespmem:s14], [sflag:$0x2] =	stream.linear.gather [hbm4b:s29+s3], $0x2000, $0x38;
	[tilespmem:$0x19000] =	vst v63  }
0x16: {  	s31 =	simm.s32 $0x0;
	s30 =	rddreg [dreg:$0x5]  }
0x17: {  	[tilespmem:s15], [sflag:$0x3] =	stream.linear.gather [hbm4b:s30+s3], $0x2000, $0x38;
	[tilespmem:$0x19000] =	vst v63  }
.LBB2_2:
0x18: {  	_ =	swait.ge [sflag:s16], $0x2000;
	s0 =	sshllo.u32 s31, $0x2  }
0x19: {  	s4 =	simm.s32 $0x6000;
	[sflag:s16] =	ssyncset.done $0x0;
	s2 =	sshll.u32 s0, $0xA  }
0x1a: {  	p0 =	seq.s32 s31, $0x0;
	[sflag:s16] =	ssyncadd.s32 $0xFFFFE000;
	s2 =	sadd.s32 s2, s6  }
0x1b: {  	[tilespmem:s4], [sflag:$0x4] =	stream.linear.gather [hbm4b:s2+s3], $0x2000, $0x38;
	[tilespmem:$0x19000] =	vst v63  }
0x1c: {  	s2 =	simm.s32 @!p0 $0x5  }
0x1d: {  	_ =	swait.ge @!p0 [sflag:s2], $0x4000  }
0x1e: {  	[sflag:s2] =	ssyncset.done @!p0 $0x0  }
0x1f: {  	s11 =	simm.s32 $0x0;
	[sflag:s2] =	ssyncadd.s32 @!p0 $0xFFFFC000  }
0x20: {  	v6 =	vld [tilespmem:s11+$0x0];
	_ =	sdelay $0x1  }
0x21: {  	v7 =	vld [tilespmem:s11+$0x10];
	_ =	sdelay $0x1  }
0x22: {  	s29 =	simm.s32 $0x18020  }
0x23: {  	v4 =	vld [tilespmem:s29+$0xFFFFFFE0];
	v8 =	vperm.xlane v6, v1  }
0x24: {  	v3 =	vld [tilespmem:s29+$0xFFFFFFF0]  }
0x25: {  	v5 =	vld [tilespmem:s29+$0x0];
	v9 =	vperm.xlane v7, v1;
	v8 =	vmax.f32 v6, v8  }
0x26: {  	v6 =	vld [tilespmem:s29+$0x10];
	v10 =	vperm.xlane v8, v0  }
0x27: {  	v7 =	vmax.f32 v7, v9;
	v8 =	vperm.xlane v8, v2  }
0x28: {  	v9 =	vmul.f32 v10, v4;
	v10 =	vperm.xlane v7, v0  }
0x29: {  	s2 =	simm.s32 $0xA010;
	v8 =	vmul.f32 v8, v3;
	v7 =	vperm.xlane v7, v2  }
0x2a: {  	[tilespmem:s2+$0xFFFFDFF0] =	vst v9;
	v9 =	vmul.f32 v10, v5  }
0x2b: {  	[tilespmem:s2+$0xFFFFE000] =	vst v8;
	v7 =	vmul.f32 v7, v6  }
0x2c: {  	[tilespmem:s2+$0xFFFFE010] =	vst v9  }
0x2d: {  	s13 =	sand.u32 $0x7E0, s11;
	[tilespmem:s2+$0xFFFFE020] =	vst v7  }
0x2e: {  	v7 =	vld [tilespmem:s13+$0x800]  }
0x2f: {  	v8 =	vld [tilespmem:s11+$0x810]  }
0x30: {  	s8 =	simm.s32 $0x20  }
0x31: {  	v10 =	vld [tilespmem:s8+$0x0];
	_ =	sdelay $0x1  }
0x32: {  	v9 =	vperm.xlane v7, v1  }
0x33: {  	v11 =	vld [tilespmem:s8+$0x10];
	v12 =	vperm.xlane v8, v1  }
0x34: {  	v7 =	vmax.f32 v7, v9  }
0x35: {  	s30 =	simm.s32 $0x18060;
	v13 =	vperm.xlane v10, v1;
	v12 =	vmax.f32 v8, v12;
	v14 =	vperm.xlane v7, v0  }
0x36: {  	v9 =	vld [tilespmem:s30+$0xFFFFFFE0];
	v16 =	vperm.xlane v7, v2;
	v17 =	vperm.xlane v12, v0  }
0x37: {  	v8 =	vld [tilespmem:s30+$0xFFFFFFF0];
	v12 =	vperm.xlane v12, v2;
	v14 =	vmul.f32 v14, v4  }
0x38: {  	s9 =	sand.u32 $0xFC0, s11;
	v15 =	vperm.xlane v11, v1;
	v13 =	vmax.f32 v10, v13;
	v7 =	vld [tilespmem:s30+$0x0];
	v16 =	vmul.f32 v16, v3  }
0x39: {  	v10 =	vld [tilespmem:s30+$0x10];
	v18 =	vperm.xlane v13, v0;
	v12 =	vmul.f32 v12, v6;
	[tilespmem:s9+$0x9000] =	vst v14  }
0x3a: {  	v11 =	vmax.f32 v11, v15;
	v13 =	vperm.xlane v13, v2;
	v14 =	vmul.f32 v17, v5;
	[tilespmem:s2+$0xFFFFF000] =	vst v16  }
0x3b: {  	v15 =	vmul.f32 v18, v9;
	v16 =	vperm.xlane v11, v0;
	[tilespmem:s2+$0xFFFFF020] =	vst v12  }
0x3c: {  	s4 =	simm.s32 $0xA050;
	v13 =	vmul.f32 v13, v8;
	v11 =	vperm.xlane v11, v2;
	[tilespmem:s2+$0xFFFFF010] =	vst v14  }
0x3d: {  	[tilespmem:s4+$0xFFFFDFF0] =	vst v15;
	v12 =	vmul.f32 v16, v7  }
0x3e: {  	s17 =	simm.s32 $0x40;
	[tilespmem:s4+$0xFFFFE000] =	vst v13;
	v14 =	vld [tilespmem:s13+$0x1000];
	v11 =	vmul.f32 v11, v10  }
0x3f: {  	v13 =	vld [tilespmem:s17+$0x0];
	[tilespmem:s4+$0xFFFFE010] =	vst v12  }
0x40: {  	s12 =	sand.u32 $0x7E0, s8;
	v12 =	vld [tilespmem:s11+$0x1010];
	[tilespmem:s4+$0xFFFFE020] =	vst v11  }
0x41: {  	v11 =	vld [tilespmem:s12+$0x800]  }
0x42: {  	v16 =	vld [tilespmem:s8+$0x810]  }
0x43: {  	v15 =	vperm.xlane v14, v1;
	_ =	sdelay $0x1  }
0x44: {  	v17 =	vperm.xlane v13, v1;
	v14 =	vmax.f32 v14, v15;
	v15 =	vperm.xlane v12, v1  }
0x45: {  	v19 =	vld [tilespmem:s17+$0x10];
	v18 =	vperm.xlane v14, v0;
	v20 =	vperm.xlane v11, v1  }
0x46: {  	v14 =	vperm.xlane v14, v2;
	v21 =	vperm.xlane v16, v1;
	v12 =	vmax.f32 v12, v15  }
0x47: {  	v15 =	vmul.f32 v18, v4;
	v18 =	vperm.xlane v12, v0  }
0x48: {  	s18 =	simm.s32 $0x180A0;
	v14 =	vmul.f32 v14, v3;
	v12 =	vperm.xlane v12, v2;
	v20 =	vmax.f32 v11, v20  }
0x49: {  	v17 =	vmax.f32 v13, v17;
	v13 =	vld [tilespmem:s18+$0x10];
	v18 =	vmul.f32 v18, v5;
	[tilespmem:s9+$0xA000] =	vst v15;
	v15 =	vperm.xlane v20, v0  }
0x4a: {  	v22 =	vperm.xlane v19, v1;
	v11 =	vld [tilespmem:s18+$0xFFFFFFE0];
	v12 =	vmul.f32 v12, v6;
	[tilespmem:s2+$0x0] =	vst v14  }
0x4b: {  	s20 =	simm.s32 $0x40;
	v16 =	vmax.f32 v16, v21;
	v20 =	vperm.xlane v20, v2;
	v14 =	vld [tilespmem:s18+$0xFFFFFFF0];
	[tilespmem:s2+$0x10] =	vst v18;
	v15 =	vmul.f32 v15, v9  }
0x4c: {  	s25 =	sand.u32 $0xFC0, s20;
	v18 =	vperm.xlane v16, v0;
	[tilespmem:s2+$0x20] =	vst v12;
	v16 =	vperm.xlane v16, v2;
	v12 =	vld [tilespmem:s18+$0x0]  }
0x4d: {  	v21 =	vperm.xlane v17, v0;
	v20 =	vmul.f32 v20, v8;
	[tilespmem:s25+$0x9000] =	vst v15;
	v15 =	vld [tilespmem:s13+$0x1800]  }
0x4e: {  	v23 =	vmul.f32 v18, v7;
	v24 =	vmul.f32 v16, v10;
	v16 =	vld [tilespmem:s11+$0x1810]  }
0x4f: {  	v22 =	vmax.f32 v19, v22;
	v19 =	vperm.xlane v17, v2;
	[tilespmem:s4+$0xFFFFF000] =	vst v20  }
0x50: {  	s26 =	simm.s32 $0x80;
	s28 =	simm.s32 $0xC0;
	v17 =	vmul.f32 v21, v11;
	v18 =	vperm.xlane v22, v0;
	[tilespmem:s4+$0xFFFFF010] =	vst v23  }
0x51: {  	s20 =	simm.s32 $0x20;
	s11 =	simm.s32 $0xA090;
	s13 =	simm.s32 $0x40;
	v20 =	vperm.xlane v22, v2;
	v19 =	vmul.f32 v19, v14;
	[tilespmem:s4+$0xFFFFF020] =	vst v24  }
.LBB2_3:
0x52: {  	p1 =	sne.s32 s28, $0xFC0;
	[tilespmem:s11+$0xFFFFDFF0] =	vst v17;
	v17 =	vmul.f32 v18, v12;
	v18 =	vld [tilespmem:s12+$0x1000];
	v21 =	vperm.xlane v15, v1  }
0x53: {  	[tilespmem:s11+$0xFFFFE000] =	vst v19;
	v19 =	vmul.f32 v20, v13;
	v20 =	vperm.xlane v16, v1  }
0x54: {  	s17 =	sadd.s32 $0x20, s17;
	s20 =	sadd.s32 $0x20, s20;
	[tilespmem:s11+$0xFFFFE010] =	vst v17;
	v17 =	vld [tilespmem:s8+$0x1010];
	v15 =	vmax.f32 v15, v21  }
0x55: {  	s22 =	sand.u32 $0x7E0, s20;
	v21 =	vld [tilespmem:s17+$0x0];
	[tilespmem:s11+$0xFFFFE020] =	vst v19;
	v16 =	vmax.f32 v16, v20;
	v19 =	vperm.xlane v15, v0;
	v15 =	vperm.xlane v15, v2  }
0x56: {  	v20 =	vld [tilespmem:s22+$0x800];
	v22 =	vperm.xlane v16, v0;
	v16 =	vperm.xlane v16, v2  }
0x57: {  	v23 =	vperm.xlane v18, v1;
	v19 =	vmul.f32 v19, v4;
	v4 =	vmovc v9;
	v9 =	vmov v11  }
0x58: {  	v11 =	vmul.f32 v15, v3;
	v3 =	vmovc v8;
	v8 =	vmovc v14;
	v15 =	vmul.f32 v16, v6;
	v6 =	vmov v10  }
0x59: {  	v16 =	vld [tilespmem:s13+$0x810];
	v10 =	vmax.f32 v18, v23;
	v14 =	vperm.xlane v17, v1;
	[tilespmem:s9+$0xB000] =	vst v19;
	v18 =	vmul.f32 v22, v5;
	s9 =	smov.u32 s25  }
0x5a: {  	v5 =	vmovc v7;
	v7 =	vmov v12;
	v19 =	vperm.xlane v21, v1;
	v22 =	vperm.xlane v10, v0;
	[tilespmem:s2+$0x1020] =	vst v15  }
0x5b: {  	v15 =	vperm.xlane v10, v2;
	v23 =	vld [tilespmem:s17+$0x10];
	v12 =	vperm.xlane v20, v1;
	v14 =	vmax.f32 v17, v14;
	[tilespmem:s2+$0x1000] =	vst v11  }
0x5c: {  	v17 =	vmul.f32 v22, v4;
	v22 =	vperm.xlane v14, v0;
	[tilespmem:s2+$0x1010] =	vst v18;
	v10 =	vmov v13;
	s2 =	smov.u32 s4;
	s4 =	smov.u32 s11  }
0x5d: {  	s18 =	sadd.s32 $0x40, s18;
	v13 =	vmul.f32 v15, v3;
	v15 =	vperm.xlane v14, v2  }
0x5e: {  	v18 =	vmax.f32 v20, v12;
	v11 =	vld [tilespmem:s18+$0xFFFFFFE0];
	v20 =	vperm.xlane v16, v1;
	[tilespmem:s9+$0xA000] =	vst v17;
	v17 =	vmul.f32 v22, v5  }
0x5f: {  	v22 =	vperm.xlane v18, v0;
	v15 =	vmul.f32 v15, v6;
	v14 =	vld [tilespmem:s18+$0xFFFFFFF0];
	[tilespmem:s2+$0x0] =	vst v13  }
0x60: {  	v18 =	vperm.xlane v18, v2;
	v12 =	vld [tilespmem:s18+$0x0];
	v24 =	vperm.xlane v23, v1;
	v16 =	vmax.f32 v16, v20;
	[tilespmem:s2+$0x10] =	vst v17  }
0x61: {  	v17 =	vmul.f32 v22, v9;
	v13 =	vld [tilespmem:s18+$0x10];
	v20 =	vperm.xlane v16, v0;
	[tilespmem:s2+$0x20] =	vst v15  }
.Ltmp0:
0x62: {  	s25 =	sand.u32 $0xFC0, s26;
	v19 =	vmax.f32 v21, v19;
	v18 =	vmul.f32 v18, v8;
	v21 =	vperm.xlane v16, v2;
	v15 =	vld [tilespmem:s12+$0x1800];
	s12 =	smov.u32 s22;
	(pc) =	sbr.rel @p1 .LBB2_3-.Ltmp0, $4  }
0x63: {  	s26 =	smov.u32 s28;
	v22 =	vperm.xlane v19, v0;
	[tilespmem:s25+$0x9000] =	vst v17;
	v20 =	vmul.f32 v20, v7;
	v16 =	vld [tilespmem:s8+$0x1810];
	s8 =	smov.u32 s13;
	s13 =	smov.u32 s17  }
0x64: {  	v19 =	vperm.xlane v19, v2;
	v23 =	vmax.f32 v23, v24;
	v21 =	vmul.f32 v21, v10;
	[tilespmem:s11+$0xFFFFF000] =	vst v18  }
0x65: {  	v17 =	vmul.f32 v22, v11;
	v18 =	vperm.xlane v23, v0;
	[tilespmem:s11+$0xFFFFF010] =	vst v20  }
0x66: {  	s28 =	sadd.s32 $0x40, s28;
	v19 =	vmul.f32 v19, v14;
	v20 =	vperm.xlane v23, v2;
	s11 =	sadd.s32 $0x40, s11;
	[tilespmem:s4+$0xFFFFF020] =	vst v21  }
0x67: {  	[tilespmem:s11+$0xFFFFDFF0] =	vst v17;
	v17 =	vmul.f32 v18, v12  }
0x68: {  	[tilespmem:s11+$0xFFFFE000] =	vst v19;
	v18 =	vmul.f32 v20, v13  }
0x69: {  	s17 =	sadd.s32 $0x20, s20;
	[tilespmem:s11+$0xFFFFE010] =	vst v17  }
0x6a: {  	s18 =	sand.u32 $0x7E0, s17;
	[tilespmem:s11+$0xFFFFE020] =	vst v18  }
0x6b: {  	v17 =	vld [tilespmem:s18+$0x800];
	_ =	sdelay $0x1  }
0x6c: {  	v18 =	vld [tilespmem:s13+$0x810];
	_ =	sdelay $0x2  }
0x6d: {  	v19 =	vperm.xlane v17, v1;
	_ =	sdelay $0x1  }
0x6e: {  	v17 =	vmax.f32 v17, v19;
	v19 =	vperm.xlane v18, v1  }
0x6f: {  	v20 =	vperm.xlane v17, v0  }
0x70: {  	v17 =	vperm.xlane v17, v2;
	v18 =	vmax.f32 v18, v19  }
0x71: {  	v19 =	vmul.f32 v20, v11;
	v20 =	vperm.xlane v18, v0  }
0x72: {  	v21 =	vld [tilespmem:s12+$0x1000];
	s26 =	sand.u32 $0xFC0, s26;
	v17 =	vmul.f32 v17, v14;
	v18 =	vperm.xlane v18, v2  }
0x73: {  	[tilespmem:s26+$0x9000] =	vst v19;
	v19 =	vmul.f32 v20, v12  }
0x74: {  	[tilespmem:s11+$0xFFFFF000] =	vst v17;
	v17 =	vmul.f32 v18, v13  }
0x75: {  	v18 =	vld [tilespmem:s8+$0x1010];
	[tilespmem:s11+$0xFFFFF010] =	vst v19  }
0x76: {  	[tilespmem:s11+$0xFFFFF020] =	vst v17  }
0x77: {  	v17 =	vperm.xlane v21, v1;
	v19 =	vld [tilespmem:s18+$0x1000];
	_ =	sdelay $0x1  }
0x78: {  	v20 =	vld [tilespmem:s13+$0x1010];
	v17 =	vmax.f32 v21, v17  }
0x79: {  	v21 =	vperm.xlane v18, v1;
	v22 =	vperm.xlane v17, v0  }
0x7a: {  	v17 =	vperm.xlane v17, v2  }
0x7b: {  	v18 =	vmax.f32 v18, v21;
	v21 =	vmul.f32 v22, v9;
	v22 =	vperm.xlane v19, v1  }
0x7c: {  	v17 =	vmul.f32 v17, v8;
	v23 =	vperm.xlane v18, v0  }
0x7d: {  	v18 =	vperm.xlane v18, v2;
	v19 =	vmax.f32 v19, v22;
	v22 =	vperm.xlane v20, v1  }
0x7e: {  	[tilespmem:s25+$0xA000] =	vst v21;
	v21 =	vmul.f32 v23, v7;
	v23 =	vperm.xlane v19, v0  }
0x7f: {  	[tilespmem:s4+$0x0] =	vst v17;
	v17 =	vmul.f32 v18, v10;
	v19 =	vperm.xlane v19, v2;
	v18 =	vmax.f32 v20, v22  }
0x80: {  	[tilespmem:s4+$0x10] =	vst v21;
	v20 =	vmul.f32 v23, v11;
	v21 =	vperm.xlane v18, v0  }
0x81: {  	[tilespmem:s4+$0x20] =	vst v17;
	v17 =	vmul.f32 v19, v14;
	v18 =	vperm.xlane v18, v2  }
0x82: {  	v19 =	vperm.xlane v15, v1;
	v22 =	vld [tilespmem:s12+$0x1800];
	[tilespmem:s26+$0xA000] =	vst v20;
	v20 =	vmul.f32 v21, v12  }
0x83: {  	v23 =	vld [tilespmem:s8+$0x1810];
	v21 =	vperm.xlane v16, v1;
	[tilespmem:s11+$0x0] =	vst v17;
	v17 =	vmul.f32 v18, v13  }
0x84: {  	v15 =	vmax.f32 v15, v19;
	[tilespmem:s11+$0x10] =	vst v20  }
0x85: {  	v18 =	vperm.xlane v15, v0;
	v15 =	vperm.xlane v15, v2;
	v16 =	vmax.f32 v16, v21;
	[tilespmem:s11+$0x20] =	vst v17  }
0x86: {  	v17 =	vperm.xlane v16, v0;
	v16 =	vperm.xlane v16, v2;
	v19 =	vld [tilespmem:s18+$0x1800]  }
0x87: {  	v4 =	vmul.f32 v18, v4;
	v18 =	vperm.xlane v22, v1;
	v20 =	vld [tilespmem:s13+$0x1810]  }
0x88: {  	v3 =	vmul.f32 v15, v3;
	v15 =	vperm.xlane v23, v1  }
0x89: {  	v6 =	vmul.f32 v16, v6;
	v5 =	vmul.f32 v17, v5;
	v16 =	vmax.f32 v22, v18  }
0x8a: {  	[tilespmem:s9+$0xB000] =	vst v4;
	v4 =	vmax.f32 v23, v15;
	v15 =	vperm.xlane v16, v0;
	v16 =	vperm.xlane v16, v2  }
0x8b: {  	[tilespmem:s2+$0x1020] =	vst v6;
	v6 =	vperm.xlane v4, v2;
	v17 =	vperm.xlane v19, v1  }
0x8c: {  	[tilespmem:s2+$0x1000] =	vst v3;
	v3 =	vmul.f32 v15, v9;
	v9 =	vperm.xlane v20, v1  }
0x8d: {  	[tilespmem:s2+$0x1010] =	vst v5;
	v4 =	vperm.xlane v4, v0;
	v5 =	vmul.f32 v6, v10;
	v6 =	vmax.f32 v19, v17  }
0x8e: {  	v8 =	vmul.f32 v16, v8;
	[tilespmem:s25+$0xB000] =	vst v3;
	v3 =	vmax.f32 v20, v9;
	v9 =	vperm.xlane v6, v0  }
0x8f: {  	v4 =	vmul.f32 v4, v7;
	[tilespmem:s4+$0x1020] =	vst v5;
	v5 =	vperm.xlane v3, v2  }
0x90: {  	[tilespmem:s4+$0x1000] =	vst v8;
	v6 =	vperm.xlane v6, v2;
	v7 =	vmul.f32 v9, v11  }
0x91: {  	[tilespmem:s4+$0x1010] =	vst v4;
	v3 =	vperm.xlane v3, v0;
	v4 =	vmul.f32 v5, v13  }
0x92: {  	v5 =	vmul.f32 v6, v14;
	[tilespmem:s26+$0xB000] =	vst v7  }
0x93: {  	v3 =	vmul.f32 v3, v12;
	[tilespmem:s11+$0x1020] =	vst v4  }
0x94: {  	s9 =	sshll.u32 s31, $0xD;
	[tilespmem:s11+$0x1000] =	vst v5  }
0x95: {  	s12 =	simm.s32 $0x8000;
	s2 =	sadd.s32 s9, s10;
	[tilespmem:s11+$0x1010] =	vst v3  }
0x96: {  	[hbm4b:s2+s3] =	stream.linear.scatter [tilespmem:s12], [sflag:$0x5], $0x4000, $0x38;
	[tilespmem:$0x19000] =	vst v63  }
0x97: {  	s2 =	sshll.u32 s31, $0x4  }
0x98: {  	s13 =	sadd.s32 $0x10, s2  }
0x99: {  	s4 =	sand.u32 $0x70, s13  }
0x9a: {  	s4 =	sor.u32 s7, s4  }
0x9b: {  	_ =	swait.ge [sflag:s19], $0x2000;
	s4 =	sshll.u32 s4, $0x8  }
0x9c: {  	[sflag:s19] =	ssyncset.done $0x0;
	s4 =	sand.u32 $0xFF000, s4  }
0x9d: {  	[sflag:s19] =	ssyncadd.s32 $0xFFFFE000;
	s4 =	sadd.s32 s1, s4  }
0x9e: {  	[tilespmem:s3], [sflag:$0x1] =	stream.linear.gather [hbm4b:s4+s3], $0x2000, $0x38;
	[tilespmem:$0x19000] =	vst v63  }
0x9f: {  	s4 =	simm.s32 @!p0 $0x6  }
0xa0: {  	_ =	swait.ge @!p0 [sflag:s4], $0x4000  }
0xa1: {  	[sflag:s4] =	ssyncset.done @!p0 $0x0  }
0xa2: {  	s26 =	simm.s32 $0x2000;
	[sflag:s4] =	ssyncadd.s32 @!p0 $0xFFFFC000  }
0xa3: {  	v6 =	vld [tilespmem:s26+$0x0];
	_ =	sdelay $0x1  }
0xa4: {  	v7 =	vld [tilespmem:s26+$0x10];
	_ =	sdelay $0x1  }
0xa5: {  	s17 =	simm.s32 $0x18020  }
0xa6: {  	v4 =	vld [tilespmem:s17+$0xFFFFFFE0];
	v8 =	vperm.xlane v6, v1  }
0xa7: {  	v3 =	vld [tilespmem:s17+$0xFFFFFFF0]  }
0xa8: {  	v5 =	vld [tilespmem:s17+$0x0];
	v9 =	vperm.xlane v7, v1;
	v8 =	vmax.f32 v6, v8  }
0xa9: {  	v6 =	vld [tilespmem:s17+$0x10];
	v10 =	vperm.xlane v8, v0  }
0xaa: {  	v7 =	vmax.f32 v7, v9;
	v8 =	vperm.xlane v8, v2  }
0xab: {  	v9 =	vmul.f32 v10, v4;
	v10 =	vperm.xlane v7, v0  }
0xac: {  	s4 =	simm.s32 $0xE010;
	v8 =	vmul.f32 v8, v3;
	v7 =	vperm.xlane v7, v2  }
0xad: {  	[tilespmem:s4+$0xFFFFDFF0] =	vst v9;
	v9 =	vmul.f32 v10, v5  }
0xae: {  	[tilespmem:s4+$0xFFFFE000] =	vst v8;
	v7 =	vmul.f32 v7, v6  }
0xaf: {  	s18 =	simm.s32 $0x0;
	[tilespmem:s4+$0xFFFFE010] =	vst v9  }
0xb0: {  	s22 =	sand.u32 $0x7E0, s18;
	[tilespmem:s4+$0xFFFFE020] =	vst v7  }
0xb1: {  	v7 =	vld [tilespmem:s22+$0x2800]  }
0xb2: {  	v8 =	vld [tilespmem:s26+$0x810]  }
0xb3: {  	s9 =	simm.s32 $0x2020  }
0xb4: {  	v10 =	vld [tilespmem:s9+$0x0];
	_ =	sdelay $0x1  }
0xb5: {  	v9 =	vperm.xlane v7, v1  }
0xb6: {  	v11 =	vld [tilespmem:s9+$0x10];
	v12 =	vperm.xlane v8, v1  }
0xb7: {  	v7 =	vmax.f32 v7, v9  }
0xb8: {  	s20 =	simm.s32 $0x18060;
	v13 =	vperm.xlane v10, v1;
	v12 =	vmax.f32 v8, v12;
	v14 =	vperm.xlane v7, v0  }
0xb9: {  	v9 =	vld [tilespmem:s20+$0xFFFFFFE0];
	v16 =	vperm.xlane v7, v2;
	v17 =	vperm.xlane v12, v0  }
0xba: {  	v8 =	vld [tilespmem:s20+$0xFFFFFFF0];
	v12 =	vperm.xlane v12, v2;
	v14 =	vmul.f32 v14, v4  }
0xbb: {  	s11 =	sand.u32 $0xFC0, s18;
	v15 =	vperm.xlane v11, v1;
	v13 =	vmax.f32 v10, v13;
	v7 =	vld [tilespmem:s20+$0x0];
	v16 =	vmul.f32 v16, v3  }
0xbc: {  	v10 =	vld [tilespmem:s20+$0x10];
	v18 =	vperm.xlane v13, v0;
	v12 =	vmul.f32 v12, v6;
	[tilespmem:s11+$0xD000] =	vst v14  }
0xbd: {  	v11 =	vmax.f32 v11, v15;
	v13 =	vperm.xlane v13, v2;
	v14 =	vmul.f32 v17, v5;
	[tilespmem:s4+$0xFFFFF000] =	vst v16  }
0xbe: {  	v15 =	vmul.f32 v18, v9;
	v16 =	vperm.xlane v11, v0;
	[tilespmem:s4+$0xFFFFF020] =	vst v12  }
0xbf: {  	s8 =	simm.s32 $0xE050;
	s17 =	simm.s32 $0x2040;
	v13 =	vmul.f32 v13, v8;
	v11 =	vperm.xlane v11, v2;
	[tilespmem:s4+$0xFFFFF010] =	vst v14  }
0xc0: {  	v19 =	vld [tilespmem:s17+$0x10];
	[tilespmem:s8+$0xFFFFDFF0] =	vst v15;
	v12 =	vmul.f32 v16, v7  }
0xc1: {  	[tilespmem:s8+$0xFFFFE000] =	vst v13;
	v14 =	vld [tilespmem:s22+$0x3000];
	v11 =	vmul.f32 v11, v10  }
0xc2: {  	s30 =	simm.s32 $0x20;
	v15 =	vld [tilespmem:s17+$0x0];
	[tilespmem:s8+$0xFFFFE010] =	vst v12  }
0xc3: {  	s25 =	sand.u32 $0x7E0, s30;
	v12 =	vld [tilespmem:s26+$0x1010];
	[tilespmem:s8+$0xFFFFE020] =	vst v11  }
0xc4: {  	v11 =	vld [tilespmem:s25+$0x2800]  }
0xc5: {  	v16 =	vld [tilespmem:s9+$0x810]  }
0xc6: {  	v13 =	vperm.xlane v14, v1  }
0xc7: {  	v22 =	vperm.xlane v19, v1  }
0xc8: {  	v17 =	vperm.xlane v15, v1;
	v13 =	vmax.f32 v14, v13;
	v14 =	vperm.xlane v12, v1  }
0xc9: {  	v18 =	vperm.xlane v13, v0;
	v20 =	vperm.xlane v11, v1  }
0xca: {  	v13 =	vperm.xlane v13, v2;
	v21 =	vperm.xlane v16, v1;
	v12 =	vmax.f32 v12, v14  }
0xcb: {  	v14 =	vmul.f32 v18, v4;
	v18 =	vperm.xlane v12, v0  }
0xcc: {  	v13 =	vmul.f32 v13, v3;
	v12 =	vperm.xlane v12, v2;
	v20 =	vmax.f32 v11, v20  }
0xcd: {  	s18 =	simm.s32 $0x180A0;
	v22 =	vmax.f32 v19, v22;
	v18 =	vmul.f32 v18, v5;
	[tilespmem:s11+$0xE000] =	vst v14;
	v14 =	vperm.xlane v20, v0  }
0xce: {  	v15 =	vmax.f32 v15, v17;
	v11 =	vld [tilespmem:s18+$0xFFFFFFE0];
	v12 =	vmul.f32 v12, v6;
	v20 =	vperm.xlane v20, v2;
	[tilespmem:s4+$0x0] =	vst v13  }
0xcf: {  	v19 =	vperm.xlane v15, v2;
	v16 =	vmax.f32 v16, v21;
	v13 =	vld [tilespmem:s18+$0xFFFFFFF0];
	[tilespmem:s4+$0x10] =	vst v18;
	v14 =	vmul.f32 v14, v9  }
0xd0: {  	s24 =	simm.s32 $0x40;
	v18 =	vperm.xlane v16, v0;
	[tilespmem:s4+$0x20] =	vst v12;
	v17 =	vmul.f32 v20, v8;
	v12 =	vld [tilespmem:s18+$0x0]  }
0xd1: {  	s29 =	sand.u32 $0xFC0, s24;
	v16 =	vperm.xlane v16, v2;
	v20 =	vperm.xlane v15, v0;
	v15 =	vld [tilespmem:s22+$0x3800]  }
0xd2: {  	[tilespmem:s29+$0xD000] =	vst v14;
	v14 =	vld [tilespmem:s18+$0x10]  }
0xd3: {  	v21 =	vmul.f32 v18, v7;
	v23 =	vmul.f32 v16, v10;
	v16 =	vld [tilespmem:s26+$0x1810]  }
0xd4: {  	s12 =	sadd.s32 s2, s7;
	[tilespmem:s8+$0xFFFFF000] =	vst v17  }
0xd5: {  	s28 =	simm.s32 $0x2040;
	s13 =	sadd.s32 $0x4, s12;
	v18 =	vperm.xlane v22, v0;
	v17 =	vmul.f32 v20, v11;
	[tilespmem:s8+$0xFFFFF010] =	vst v21  }
0xd6: {  	s20 =	simm.s32 $0x80;
	s22 =	simm.s32 $0xC0;
	s26 =	simm.s32 $0xE090;
	v20 =	vperm.xlane v22, v2;
	v19 =	vmul.f32 v19, v13;
	[tilespmem:s8+$0xFFFFF020] =	vst v23  }
.LBB2_5:
0xd7: {  	p1 =	sne.s32 s22, $0xFC0;
	[tilespmem:s26+$0xFFFFDFF0] =	vst v17;
	v17 =	vmul.f32 v18, v12;
	v18 =	vld [tilespmem:s25+$0x3000];
	v21 =	vperm.xlane v15, v1  }
0xd8: {  	[tilespmem:s26+$0xFFFFE000] =	vst v19;
	v19 =	vmul.f32 v20, v14;
	v20 =	vperm.xlane v16, v1  }
0xd9: {  	s17 =	sadd.s32 $0x20, s17;
	s30 =	sadd.s32 $0x20, s30;
	[tilespmem:s26+$0xFFFFE010] =	vst v17;
	v17 =	vld [tilespmem:s9+$0x1010];
	v15 =	vmax.f32 v15, v21  }
0xda: {  	s24 =	sand.u32 $0x7E0, s30;
	v21 =	vld [tilespmem:s17+$0x0];
	[tilespmem:s26+$0xFFFFE020] =	vst v19;
	v16 =	vmax.f32 v16, v20;
	v19 =	vperm.xlane v15, v0;
	v15 =	vperm.xlane v15, v2  }
0xdb: {  	v20 =	vld [tilespmem:s24+$0x2800];
	v22 =	vperm.xlane v16, v0;
	v16 =	vperm.xlane v16, v2  }
0xdc: {  	v23 =	vperm.xlane v18, v1;
	v19 =	vmul.f32 v19, v4;
	v4 =	vmovc v9;
	v9 =	vmov v11  }
0xdd: {  	v11 =	vmul.f32 v15, v3;
	v3 =	vmovc v8;
	v8 =	vmovc v13;
	v15 =	vmul.f32 v16, v6;
	v6 =	vmov v10  }
0xde: {  	v16 =	vld [tilespmem:s28+$0x810];
	v10 =	vmax.f32 v18, v23;
	v13 =	vperm.xlane v17, v1;
	[tilespmem:s11+$0xF000] =	vst v19;
	v18 =	vmul.f32 v22, v5;
	s11 =	smov.u32 s29  }
0xdf: {  	v5 =	vmovc v7;
	v7 =	vmov v12;
	v19 =	vperm.xlane v21, v1;
	v22 =	vperm.xlane v10, v0;
	[tilespmem:s4+$0x1020] =	vst v15  }
0xe0: {  	v15 =	vperm.xlane v10, v2;
	v23 =	vld [tilespmem:s17+$0x10];
	v12 =	vperm.xlane v20, v1;
	v13 =	vmax.f32 v17, v13;
	[tilespmem:s4+$0x1000] =	vst v11  }
0xe1: {  	v17 =	vmul.f32 v22, v4;
	v22 =	vperm.xlane v13, v0;
	[tilespmem:s4+$0x1010] =	vst v18;
	v10 =	vmov v14;
	s4 =	smov.u32 s8;
	s8 =	smov.u32 s26  }
0xe2: {  	s18 =	sadd.s32 $0x40, s18;
	v14 =	vmul.f32 v15, v3;
	v15 =	vperm.xlane v13, v2  }
0xe3: {  	v18 =	vmax.f32 v20, v12;
	v11 =	vld [tilespmem:s18+$0xFFFFFFE0];
	v20 =	vperm.xlane v16, v1;
	[tilespmem:s11+$0xE000] =	vst v17;
	v17 =	vmul.f32 v22, v5  }
0xe4: {  	v22 =	vperm.xlane v18, v0;
	v15 =	vmul.f32 v15, v6;
	v13 =	vld [tilespmem:s18+$0xFFFFFFF0];
	[tilespmem:s4+$0x0] =	vst v14  }
0xe5: {  	v18 =	vperm.xlane v18, v2;
	v12 =	vld [tilespmem:s18+$0x0];
	v24 =	vperm.xlane v23, v1;
	v16 =	vmax.f32 v16, v20;
	[tilespmem:s4+$0x10] =	vst v17  }
0xe6: {  	v17 =	vmul.f32 v22, v9;
	v14 =	vld [tilespmem:s18+$0x10];
	v20 =	vperm.xlane v16, v0;
	[tilespmem:s4+$0x20] =	vst v15  }
.Ltmp1:
0xe7: {  	s29 =	sand.u32 $0xFC0, s20;
	v19 =	vmax.f32 v21, v19;
	v18 =	vmul.f32 v18, v8;
	v21 =	vperm.xlane v16, v2;
	v15 =	vld [tilespmem:s25+$0x3800];
	s25 =	smov.u32 s24;
	(pc) =	sbr.rel @p1 .LBB2_5-.Ltmp1, $4  }
0xe8: {  	s20 =	smov.u32 s22;
	v22 =	vperm.xlane v19, v0;
	[tilespmem:s29+$0xD000] =	vst v17;
	v20 =	vmul.f32 v20, v7;
	v16 =	vld [tilespmem:s9+$0x1810];
	s9 =	smov.u32 s28;
	s28 =	smov.u32 s17  }
0xe9: {  	v19 =	vperm.xlane v19, v2;
	v23 =	vmax.f32 v23, v24;
	v21 =	vmul.f32 v21, v10;
	[tilespmem:s26+$0xFFFFF000] =	vst v18  }
0xea: {  	v17 =	vmul.f32 v22, v11;
	v18 =	vperm.xlane v23, v0;
	[tilespmem:s26+$0xFFFFF010] =	vst v20  }
0xeb: {  	s22 =	sadd.s32 $0x40, s22;
	v19 =	vmul.f32 v19, v13;
	v20 =	vperm.xlane v23, v2;
	s26 =	sadd.s32 $0x40, s26;
	[tilespmem:s8+$0xFFFFF020] =	vst v21  }
0xec: {  	[tilespmem:s26+$0xFFFFDFF0] =	vst v17;
	v17 =	vmul.f32 v18, v12  }
0xed: {  	[tilespmem:s26+$0xFFFFE000] =	vst v19;
	v18 =	vmul.f32 v20, v14  }
0xee: {  	s17 =	sadd.s32 $0x20, s30;
	[tilespmem:s26+$0xFFFFE010] =	vst v17  }
0xef: {  	s18 =	sand.u32 $0x7E0, s17;
	[tilespmem:s26+$0xFFFFE020] =	vst v18  }
0xf0: {  	v17 =	vld [tilespmem:s18+$0x2800];
	_ =	sdelay $0x1  }
0xf1: {  	v18 =	vld [tilespmem:s28+$0x810];
	_ =	sdelay $0x2  }
0xf2: {  	v19 =	vperm.xlane v17, v1;
	_ =	sdelay $0x1  }
0xf3: {  	v17 =	vmax.f32 v17, v19;
	v19 =	vperm.xlane v18, v1  }
0xf4: {  	v20 =	vperm.xlane v17, v0  }
0xf5: {  	v17 =	vperm.xlane v17, v2;
	v18 =	vmax.f32 v18, v19  }
0xf6: {  	v19 =	vmul.f32 v20, v11;
	v20 =	vperm.xlane v18, v0  }
0xf7: {  	v21 =	vld [tilespmem:s25+$0x3000];
	s30 =	sand.u32 $0xFC0, s20;
	v17 =	vmul.f32 v17, v13;
	v18 =	vperm.xlane v18, v2  }
0xf8: {  	[tilespmem:s30+$0xD000] =	vst v19;
	v19 =	vmul.f32 v20, v12  }
0xf9: {  	[tilespmem:s26+$0xFFFFF000] =	vst v17;
	v17 =	vmul.f32 v18, v14  }
0xfa: {  	v18 =	vld [tilespmem:s9+$0x1010];
	[tilespmem:s26+$0xFFFFF010] =	vst v19  }
0xfb: {  	[tilespmem:s26+$0xFFFFF020] =	vst v17  }
0xfc: {  	v17 =	vperm.xlane v21, v1;
	v19 =	vld [tilespmem:s18+$0x3000];
	_ =	sdelay $0x1  }
0xfd: {  	v20 =	vld [tilespmem:s28+$0x1010];
	v17 =	vmax.f32 v21, v17  }
0xfe: {  	v21 =	vperm.xlane v18, v1;
	v22 =	vperm.xlane v17, v0  }
0xff: {  	v17 =	vperm.xlane v17, v2  }
0x100: {  	v18 =	vmax.f32 v18, v21;
	v21 =	vmul.f32 v22, v9;
	v22 =	vperm.xlane v19, v1  }
0x101: {  	v17 =	vmul.f32 v17, v8;
	v23 =	vperm.xlane v18, v0  }
0x102: {  	v18 =	vperm.xlane v18, v2;
	v19 =	vmax.f32 v19, v22;
	v22 =	vperm.xlane v20, v1  }
0x103: {  	[tilespmem:s29+$0xE000] =	vst v21;
	v21 =	vmul.f32 v23, v7;
	v23 =	vperm.xlane v19, v0  }
0x104: {  	[tilespmem:s8+$0x0] =	vst v17;
	v17 =	vmul.f32 v18, v10;
	v19 =	vperm.xlane v19, v2;
	v18 =	vmax.f32 v20, v22  }
0x105: {  	[tilespmem:s8+$0x10] =	vst v21;
	v20 =	vmul.f32 v23, v11;
	v21 =	vperm.xlane v18, v0  }
0x106: {  	[tilespmem:s8+$0x20] =	vst v17;
	v17 =	vmul.f32 v19, v13;
	v18 =	vperm.xlane v18, v2  }
0x107: {  	v19 =	vperm.xlane v15, v1;
	v22 =	vld [tilespmem:s25+$0x3800];
	[tilespmem:s30+$0xE000] =	vst v20;
	v20 =	vmul.f32 v21, v12  }
0x108: {  	v23 =	vld [tilespmem:s9+$0x1810];
	v21 =	vperm.xlane v16, v1;
	[tilespmem:s26+$0x0] =	vst v17;
	v17 =	vmul.f32 v18, v14  }
0x109: {  	v15 =	vmax.f32 v15, v19;
	[tilespmem:s26+$0x10] =	vst v20  }
0x10a: {  	v18 =	vperm.xlane v15, v0;
	v15 =	vperm.xlane v15, v2;
	v16 =	vmax.f32 v16, v21;
	[tilespmem:s26+$0x20] =	vst v17  }
0x10b: {  	v17 =	vperm.xlane v16, v0;
	v16 =	vperm.xlane v16, v2;
	v19 =	vld [tilespmem:s18+$0x3800]  }
0x10c: {  	v4 =	vmul.f32 v18, v4;
	v18 =	vperm.xlane v22, v1;
	v20 =	vld [tilespmem:s28+$0x1810]  }
0x10d: {  	v3 =	vmul.f32 v15, v3;
	v15 =	vperm.xlane v23, v1  }
0x10e: {  	v6 =	vmul.f32 v16, v6;
	v5 =	vmul.f32 v17, v5;
	v16 =	vmax.f32 v22, v18  }
0x10f: {  	[tilespmem:s11+$0xF000] =	vst v4;
	v4 =	vmax.f32 v23, v15;
	v15 =	vperm.xlane v16, v0;
	v16 =	vperm.xlane v16, v2  }
0x110: {  	[tilespmem:s4+$0x1020] =	vst v6;
	v6 =	vperm.xlane v4, v2;
	v17 =	vperm.xlane v19, v1  }
0x111: {  	[tilespmem:s4+$0x1000] =	vst v3;
	v3 =	vmul.f32 v15, v9;
	v9 =	vperm.xlane v20, v1  }
0x112: {  	[tilespmem:s4+$0x1010] =	vst v5;
	v4 =	vperm.xlane v4, v0;
	v5 =	vmul.f32 v6, v10;
	v6 =	vmax.f32 v19, v17  }
0x113: {  	v8 =	vmul.f32 v16, v8;
	[tilespmem:s29+$0xF000] =	vst v3;
	v3 =	vmax.f32 v20, v9;
	v9 =	vperm.xlane v6, v0  }
0x114: {  	v4 =	vmul.f32 v4, v7;
	[tilespmem:s8+$0x1020] =	vst v5;
	v5 =	vperm.xlane v3, v2  }
0x115: {  	[tilespmem:s8+$0x1000] =	vst v8;
	v6 =	vperm.xlane v6, v2;
	v7 =	vmul.f32 v9, v11  }
0x116: {  	[tilespmem:s8+$0x1010] =	vst v4;
	v3 =	vperm.xlane v3, v0;
	v4 =	vmul.f32 v5, v14  }
0x117: {  	v5 =	vmul.f32 v6, v13;
	[tilespmem:s30+$0xF000] =	vst v7  }
0x118: {  	s18 =	sshll.u32 s13, $0x9;
	v3 =	vmul.f32 v3, v12;
	[tilespmem:s26+$0x1020] =	vst v4  }
0x119: {  	s4 =	sand.u32 $0x1FFFE800, s18;
	[tilespmem:s26+$0x1000] =	vst v5  }
0x11a: {  	s20 =	simm.s32 $0xC000;
	s22 =	sadd.s32 $0x14, s2;
	s4 =	sadd.s32 s5, s4;
	[tilespmem:s26+$0x1010] =	vst v3  }
0x11b: {  	[hbm4b:s4+s3] =	stream.linear.scatter [tilespmem:s20], [sflag:$0x6], $0x4000, $0x38;
	[tilespmem:$0x19000] =	vst v63  }
0x11c: {  	s4 =	sand.u32 $0x74, s22  }
0x11d: {  	s4 =	sor.u32 s7, s4  }
0x11e: {  	_ =	swait.ge [sflag:s21], $0x2000;
	s4 =	sshll.u32 s4, $0x8  }
0x11f: {  	[sflag:s21] =	ssyncset.done $0x0;
	s4 =	sand.u32 $0xFF400, s4  }
0x120: {  	[sflag:s21] =	ssyncadd.s32 $0xFFFFE000;
	s4 =	sadd.s32 s1, s4  }
0x121: {  	[tilespmem:s14], [sflag:$0x2] =	stream.linear.gather [hbm4b:s4+s3], $0x2000, $0x38;
	[tilespmem:$0x19000] =	vst v63  }
0x122: {  	s4 =	simm.s32 @!p0 $0x7  }
0x123: {  	_ =	swait.ge @!p0 [sflag:s4], $0x4000  }
0x124: {  	[sflag:s4] =	ssyncset.done @!p0 $0x0  }
0x125: {  	s13 =	simm.s32 $0x4000;
	[sflag:s4] =	ssyncadd.s32 @!p0 $0xFFFFC000  }
0x126: {  	v6 =	vld [tilespmem:s13+$0x0];
	_ =	sdelay $0x1  }
0x127: {  	v7 =	vld [tilespmem:s13+$0x10];
	_ =	sdelay $0x1  }
0x128: {  	s24 =	simm.s32 $0x18020  }
0x129: {  	v4 =	vld [tilespmem:s24+$0xFFFFFFE0];
	v8 =	vperm.xlane v6, v1  }
0x12a: {  	v3 =	vld [tilespmem:s24+$0xFFFFFFF0]  }
0x12b: {  	v5 =	vld [tilespmem:s24+$0x0];
	v9 =	vperm.xlane v7, v1;
	v8 =	vmax.f32 v6, v8  }
0x12c: {  	v6 =	vld [tilespmem:s24+$0x10];
	v10 =	vperm.xlane v8, v0  }
0x12d: {  	v7 =	vmax.f32 v7, v9;
	v8 =	vperm.xlane v8, v2  }
0x12e: {  	v9 =	vmul.f32 v10, v4;
	v10 =	vperm.xlane v7, v0  }
0x12f: {  	s4 =	simm.s32 $0x12010;
	v8 =	vmul.f32 v8, v3;
	v7 =	vperm.xlane v7, v2  }
0x130: {  	[tilespmem:s4+$0xFFFFDFF0] =	vst v9;
	v9 =	vmul.f32 v10, v5  }
0x131: {  	[tilespmem:s4+$0xFFFFE000] =	vst v8;
	v7 =	vmul.f32 v7, v6  }
0x132: {  	s25 =	simm.s32 $0x0;
	[tilespmem:s4+$0xFFFFE010] =	vst v9  }
0x133: {  	s22 =	sand.u32 $0x7E0, s25;
	[tilespmem:s4+$0xFFFFE020] =	vst v7  }
0x134: {  	v7 =	vld [tilespmem:s22+$0x4800]  }
0x135: {  	v8 =	vld [tilespmem:s13+$0x810]  }
0x136: {  	s9 =	simm.s32 $0x4020  }
0x137: {  	v10 =	vld [tilespmem:s9+$0x0];
	_ =	sdelay $0x1  }
0x138: {  	v9 =	vperm.xlane v7, v1  }
0x139: {  	v11 =	vld [tilespmem:s9+$0x10];
	v12 =	vperm.xlane v8, v1  }
0x13a: {  	v7 =	vmax.f32 v7, v9  }
0x13b: {  	s26 =	simm.s32 $0x18060;
	v13 =	vperm.xlane v10, v1;
	v12 =	vmax.f32 v8, v12;
	v14 =	vperm.xlane v7, v0  }
0x13c: {  	v9 =	vld [tilespmem:s26+$0xFFFFFFE0];
	v16 =	vperm.xlane v7, v2;
	v17 =	vperm.xlane v12, v0  }
0x13d: {  	v8 =	vld [tilespmem:s26+$0xFFFFFFF0];
	v12 =	vperm.xlane v12, v2;
	v14 =	vmul.f32 v14, v4  }
0x13e: {  	s11 =	sand.u32 $0xFC0, s25;
	v15 =	vperm.xlane v11, v1;
	v13 =	vmax.f32 v10, v13;
	v7 =	vld [tilespmem:s26+$0x0];
	v16 =	vmul.f32 v16, v3  }
0x13f: {  	v10 =	vld [tilespmem:s26+$0x10];
	v18 =	vperm.xlane v13, v0;
	v12 =	vmul.f32 v12, v6;
	[tilespmem:s11+$0x11000] =	vst v14  }
0x140: {  	v11 =	vmax.f32 v11, v15;
	v13 =	vperm.xlane v13, v2;
	v14 =	vmul.f32 v17, v5;
	[tilespmem:s4+$0xFFFFF000] =	vst v16  }
0x141: {  	v15 =	vmul.f32 v18, v9;
	v16 =	vperm.xlane v11, v0;
	[tilespmem:s4+$0xFFFFF020] =	vst v12  }
0x142: {  	s8 =	simm.s32 $0x12050;
	v13 =	vmul.f32 v13, v8;
	v11 =	vperm.xlane v11, v2;
	[tilespmem:s4+$0xFFFFF010] =	vst v14  }
0x143: {  	[tilespmem:s8+$0xFFFFDFF0] =	vst v15;
	v12 =	vmul.f32 v16, v7  }
0x144: {  	s17 =	simm.s32 $0x4040;
	[tilespmem:s8+$0xFFFFE000] =	vst v13;
	v14 =	vld [tilespmem:s22+$0x5000];
	v11 =	vmul.f32 v11, v10  }
0x145: {  	s29 =	simm.s32 $0x20;
	v13 =	vld [tilespmem:s17+$0x0];
	[tilespmem:s8+$0xFFFFE010] =	vst v12  }
0x146: {  	s25 =	sand.u32 $0x7E0, s29;
	v12 =	vld [tilespmem:s13+$0x1010];
	[tilespmem:s8+$0xFFFFE020] =	vst v11  }
0x147: {  	v11 =	vld [tilespmem:s25+$0x4800]  }
0x148: {  	v16 =	vld [tilespmem:s9+$0x810]  }
0x149: {  	v15 =	vperm.xlane v14, v1;
	_ =	sdelay $0x1  }
0x14a: {  	v17 =	vperm.xlane v13, v1;
	v14 =	vmax.f32 v14, v15;
	v15 =	vperm.xlane v12, v1  }
0x14b: {  	v19 =	vld [tilespmem:s17+$0x10];
	v18 =	vperm.xlane v14, v0;
	v20 =	vperm.xlane v11, v1  }
0x14c: {  	v14 =	vperm.xlane v14, v2;
	v21 =	vperm.xlane v16, v1;
	v12 =	vmax.f32 v12, v15  }
0x14d: {  	v15 =	vmul.f32 v18, v4;
	v18 =	vperm.xlane v12, v0  }
0x14e: {  	s18 =	simm.s32 $0x180A0;
	v14 =	vmul.f32 v14, v3;
	v12 =	vperm.xlane v12, v2;
	v20 =	vmax.f32 v11, v20  }
0x14f: {  	v17 =	vmax.f32 v13, v17;
	v13 =	vld [tilespmem:s18+$0x10];
	v18 =	vmul.f32 v18, v5;
	[tilespmem:s11+$0x12000] =	vst v15;
	v15 =	vperm.xlane v20, v0  }
0x150: {  	v22 =	vperm.xlane v19, v1;
	v11 =	vld [tilespmem:s18+$0xFFFFFFE0];
	v12 =	vmul.f32 v12, v6;
	[tilespmem:s4+$0x0] =	vst v14  }
0x151: {  	s30 =	simm.s32 $0x40;
	v16 =	vmax.f32 v16, v21;
	v20 =	vperm.xlane v20, v2;
	v14 =	vld [tilespmem:s18+$0xFFFFFFF0];
	[tilespmem:s4+$0x10] =	vst v18;
	v15 =	vmul.f32 v15, v9  }
0x152: {  	s28 =	sand.u32 $0xFC0, s30;
	v18 =	vperm.xlane v16, v0;
	[tilespmem:s4+$0x20] =	vst v12;
	v16 =	vperm.xlane v16, v2;
	v12 =	vld [tilespmem:s18+$0x0]  }
0x153: {  	v21 =	vperm.xlane v17, v0;
	v20 =	vmul.f32 v20, v8;
	[tilespmem:s28+$0x11000] =	vst v15;
	v15 =	vld [tilespmem:s22+$0x5800]  }
0x154: {  	v23 =	vmul.f32 v18, v7;
	v24 =	vmul.f32 v16, v10;
	v16 =	vld [tilespmem:s13+$0x1810]  }
0x155: {  	v22 =	vmax.f32 v19, v22;
	v19 =	vperm.xlane v17, v2;
	[tilespmem:s8+$0xFFFFF000] =	vst v20  }
0x156: {  	s12 =	sadd.s32 $0x8, s12;
	s20 =	simm.s32 $0x80;
	v17 =	vmul.f32 v21, v11;
	v18 =	vperm.xlane v22, v0;
	[tilespmem:s8+$0xFFFFF010] =	vst v23  }
0x157: {  	s26 =	simm.s32 $0x4040;
	s22 =	simm.s32 $0xC0;
	s13 =	simm.s32 $0x12090;
	v20 =	vperm.xlane v22, v2;
	v19 =	vmul.f32 v19, v14;
	[tilespmem:s8+$0xFFFFF020] =	vst v24  }
.LBB2_7:
0x158: {  	p1 =	sne.s32 s22, $0xFC0;
	[tilespmem:s13+$0xFFFFDFF0] =	vst v17;
	v17 =	vmul.f32 v18, v12;
	v18 =	vld [tilespmem:s25+$0x5000];
	v21 =	vperm.xlane v15, v1  }
0x159: {  	[tilespmem:s13+$0xFFFFE000] =	vst v19;
	v19 =	vmul.f32 v20, v13;
	v20 =	vperm.xlane v16, v1  }
0x15a: {  	s17 =	sadd.s32 $0x20, s17;
	s29 =	sadd.s32 $0x20, s29;
	[tilespmem:s13+$0xFFFFE010] =	vst v17;
	v17 =	vld [tilespmem:s9+$0x1010];
	v15 =	vmax.f32 v15, v21  }
0x15b: {  	s24 =	sand.u32 $0x7E0, s29;
	v21 =	vld [tilespmem:s17+$0x0];
	[tilespmem:s13+$0xFFFFE020] =	vst v19;
	v16 =	vmax.f32 v16, v20;
	v19 =	vperm.xlane v15, v0;
	v15 =	vperm.xlane v15, v2  }
0x15c: {  	v20 =	vld [tilespmem:s24+$0x4800];
	v22 =	vperm.xlane v16, v0;
	v16 =	vperm.xlane v16, v2  }
0x15d: {  	v23 =	vperm.xlane v18, v1;
	v19 =	vmul.f32 v19, v4;
	v4 =	vmovc v9;
	v9 =	vmov v11  }
0x15e: {  	v11 =	vmul.f32 v15, v3;
	v3 =	vmovc v8;
	v8 =	vmovc v14;
	v15 =	vmul.f32 v16, v6;
	v6 =	vmov v10  }
0x15f: {  	v16 =	vld [tilespmem:s26+$0x810];
	v10 =	vmax.f32 v18, v23;
	v14 =	vperm.xlane v17, v1;
	[tilespmem:s11+$0x13000] =	vst v19;
	v18 =	vmul.f32 v22, v5;
	s11 =	smov.u32 s28  }
0x160: {  	v5 =	vmovc v7;
	v7 =	vmov v12;
	v19 =	vperm.xlane v21, v1;
	v22 =	vperm.xlane v10, v0;
	[tilespmem:s4+$0x1020] =	vst v15  }
0x161: {  	v15 =	vperm.xlane v10, v2;
	v23 =	vld [tilespmem:s17+$0x10];
	v12 =	vperm.xlane v20, v1;
	v14 =	vmax.f32 v17, v14;
	[tilespmem:s4+$0x1000] =	vst v11  }
0x162: {  	v17 =	vmul.f32 v22, v4;
	v22 =	vperm.xlane v14, v0;
	[tilespmem:s4+$0x1010] =	vst v18;
	v10 =	vmov v13;
	s4 =	smov.u32 s8;
	s8 =	smov.u32 s13  }
0x163: {  	s18 =	sadd.s32 $0x40, s18;
	v13 =	vmul.f32 v15, v3;
	v15 =	vperm.xlane v14, v2  }
0x164: {  	v18 =	vmax.f32 v20, v12;
	v11 =	vld [tilespmem:s18+$0xFFFFFFE0];
	v20 =	vperm.xlane v16, v1;
	[tilespmem:s11+$0x12000] =	vst v17;
	v17 =	vmul.f32 v22, v5  }
0x165: {  	v22 =	vperm.xlane v18, v0;
	v15 =	vmul.f32 v15, v6;
	v14 =	vld [tilespmem:s18+$0xFFFFFFF0];
	[tilespmem:s4+$0x0] =	vst v13  }
0x166: {  	v18 =	vperm.xlane v18, v2;
	v12 =	vld [tilespmem:s18+$0x0];
	v24 =	vperm.xlane v23, v1;
	v16 =	vmax.f32 v16, v20;
	[tilespmem:s4+$0x10] =	vst v17  }
0x167: {  	v17 =	vmul.f32 v22, v9;
	v13 =	vld [tilespmem:s18+$0x10];
	v20 =	vperm.xlane v16, v0;
	[tilespmem:s4+$0x20] =	vst v15  }
.Ltmp2:
0x168: {  	s28 =	sand.u32 $0xFC0, s20;
	v19 =	vmax.f32 v21, v19;
	v18 =	vmul.f32 v18, v8;
	v21 =	vperm.xlane v16, v2;
	v15 =	vld [tilespmem:s25+$0x5800];
	s25 =	smov.u32 s24;
	(pc) =	sbr.rel @p1 .LBB2_7-.Ltmp2, $4  }
0x169: {  	s20 =	smov.u32 s22;
	v22 =	vperm.xlane v19, v0;
	[tilespmem:s28+$0x11000] =	vst v17;
	v20 =	vmul.f32 v20, v7;
	v16 =	vld [tilespmem:s9+$0x1810];
	s9 =	smov.u32 s26;
	s26 =	smov.u32 s17  }
0x16a: {  	v19 =	vperm.xlane v19, v2;
	v23 =	vmax.f32 v23, v24;
	v21 =	vmul.f32 v21, v10;
	[tilespmem:s13+$0xFFFFF000] =	vst v18  }
0x16b: {  	v17 =	vmul.f32 v22, v11;
	v18 =	vperm.xlane v23, v0;
	[tilespmem:s13+$0xFFFFF010] =	vst v20  }
0x16c: {  	s22 =	sadd.s32 $0x40, s22;
	v19 =	vmul.f32 v19, v14;
	v20 =	vperm.xlane v23, v2;
	s13 =	sadd.s32 $0x40, s13;
	[tilespmem:s8+$0xFFFFF020] =	vst v21  }
0x16d: {  	[tilespmem:s13+$0xFFFFDFF0] =	vst v17;
	v17 =	vmul.f32 v18, v12  }
0x16e: {  	[tilespmem:s13+$0xFFFFE000] =	vst v19;
	v18 =	vmul.f32 v20, v13  }
0x16f: {  	s17 =	sadd.s32 $0x20, s29;
	[tilespmem:s13+$0xFFFFE010] =	vst v17  }
0x170: {  	s18 =	sand.u32 $0x7E0, s17;
	[tilespmem:s13+$0xFFFFE020] =	vst v18  }
0x171: {  	v17 =	vld [tilespmem:s18+$0x4800];
	_ =	sdelay $0x1  }
0x172: {  	v18 =	vld [tilespmem:s26+$0x810];
	_ =	sdelay $0x2  }
0x173: {  	v19 =	vperm.xlane v17, v1;
	_ =	sdelay $0x1  }
0x174: {  	v17 =	vmax.f32 v17, v19;
	v19 =	vperm.xlane v18, v1  }
0x175: {  	v20 =	vperm.xlane v17, v0  }
0x176: {  	v17 =	vperm.xlane v17, v2;
	v18 =	vmax.f32 v18, v19  }
0x177: {  	v19 =	vmul.f32 v20, v11;
	v20 =	vperm.xlane v18, v0  }
0x178: {  	v21 =	vld [tilespmem:s25+$0x5000];
	s30 =	sand.u32 $0xFC0, s20;
	v17 =	vmul.f32 v17, v14;
	v18 =	vperm.xlane v18, v2  }
0x179: {  	[tilespmem:s30+$0x11000] =	vst v19;
	v19 =	vmul.f32 v20, v12  }
0x17a: {  	[tilespmem:s13+$0xFFFFF000] =	vst v17;
	v17 =	vmul.f32 v18, v13  }
0x17b: {  	v18 =	vld [tilespmem:s9+$0x1010];
	[tilespmem:s13+$0xFFFFF010] =	vst v19  }
0x17c: {  	[tilespmem:s13+$0xFFFFF020] =	vst v17  }
0x17d: {  	v17 =	vperm.xlane v21, v1;
	v19 =	vld [tilespmem:s18+$0x5000];
	_ =	sdelay $0x1  }
0x17e: {  	v20 =	vld [tilespmem:s26+$0x1010];
	v17 =	vmax.f32 v21, v17  }
0x17f: {  	v21 =	vperm.xlane v18, v1;
	v22 =	vperm.xlane v17, v0  }
0x180: {  	v17 =	vperm.xlane v17, v2  }
0x181: {  	v18 =	vmax.f32 v18, v21;
	v21 =	vmul.f32 v22, v9;
	v22 =	vperm.xlane v19, v1  }
0x182: {  	v17 =	vmul.f32 v17, v8;
	v23 =	vperm.xlane v18, v0  }
0x183: {  	v18 =	vperm.xlane v18, v2;
	v19 =	vmax.f32 v19, v22;
	v22 =	vperm.xlane v20, v1  }
0x184: {  	[tilespmem:s28+$0x12000] =	vst v21;
	v21 =	vmul.f32 v23, v7;
	v23 =	vperm.xlane v19, v0  }
0x185: {  	[tilespmem:s8+$0x0] =	vst v17;
	v17 =	vmul.f32 v18, v10;
	v19 =	vperm.xlane v19, v2;
	v18 =	vmax.f32 v20, v22  }
0x186: {  	[tilespmem:s8+$0x10] =	vst v21;
	v20 =	vmul.f32 v23, v11;
	v21 =	vperm.xlane v18, v0  }
0x187: {  	[tilespmem:s8+$0x20] =	vst v17;
	v17 =	vmul.f32 v19, v14;
	v18 =	vperm.xlane v18, v2  }
0x188: {  	v19 =	vperm.xlane v15, v1;
	v22 =	vld [tilespmem:s25+$0x5800];
	[tilespmem:s30+$0x12000] =	vst v20;
	v20 =	vmul.f32 v21, v12  }
0x189: {  	v23 =	vld [tilespmem:s9+$0x1810];
	v21 =	vperm.xlane v16, v1;
	[tilespmem:s13+$0x0] =	vst v17;
	v17 =	vmul.f32 v18, v13  }
0x18a: {  	v15 =	vmax.f32 v15, v19;
	[tilespmem:s13+$0x10] =	vst v20  }
0x18b: {  	v18 =	vperm.xlane v15, v0;
	v15 =	vperm.xlane v15, v2;
	v16 =	vmax.f32 v16, v21;
	[tilespmem:s13+$0x20] =	vst v17  }
0x18c: {  	v17 =	vperm.xlane v16, v0;
	v16 =	vperm.xlane v16, v2;
	v19 =	vld [tilespmem:s18+$0x5800]  }
0x18d: {  	v4 =	vmul.f32 v18, v4;
	v18 =	vperm.xlane v22, v1;
	v20 =	vld [tilespmem:s26+$0x1810]  }
0x18e: {  	v3 =	vmul.f32 v15, v3;
	v15 =	vperm.xlane v23, v1  }
0x18f: {  	v6 =	vmul.f32 v16, v6;
	v5 =	vmul.f32 v17, v5;
	v16 =	vmax.f32 v22, v18  }
0x190: {  	[tilespmem:s11+$0x13000] =	vst v4;
	v4 =	vmax.f32 v23, v15;
	v15 =	vperm.xlane v16, v0;
	v16 =	vperm.xlane v16, v2  }
0x191: {  	[tilespmem:s4+$0x1020] =	vst v6;
	v6 =	vperm.xlane v4, v2;
	v17 =	vperm.xlane v19, v1  }
0x192: {  	[tilespmem:s4+$0x1000] =	vst v3;
	v3 =	vmul.f32 v15, v9;
	v9 =	vperm.xlane v20, v1  }
0x193: {  	[tilespmem:s4+$0x1010] =	vst v5;
	v4 =	vperm.xlane v4, v0;
	v5 =	vmul.f32 v6, v10;
	v6 =	vmax.f32 v19, v17  }
0x194: {  	v8 =	vmul.f32 v16, v8;
	[tilespmem:s28+$0x13000] =	vst v3;
	v3 =	vmax.f32 v20, v9;
	v9 =	vperm.xlane v6, v0  }
0x195: {  	v4 =	vmul.f32 v4, v7;
	[tilespmem:s8+$0x1020] =	vst v5;
	v5 =	vperm.xlane v3, v2  }
0x196: {  	[tilespmem:s8+$0x1000] =	vst v8;
	v6 =	vperm.xlane v6, v2;
	v7 =	vmul.f32 v9, v11  }
0x197: {  	[tilespmem:s8+$0x1010] =	vst v4;
	v3 =	vperm.xlane v3, v0;
	v4 =	vmul.f32 v5, v13  }
0x198: {  	v5 =	vmul.f32 v6, v14;
	[tilespmem:s30+$0x13000] =	vst v7  }
0x199: {  	s20 =	sshll.u32 s12, $0x9;
	s2 =	sadd.s32 $0x18, s2;
	v3 =	vmul.f32 v3, v12;
	[tilespmem:s13+$0x1020] =	vst v4  }
0x19a: {  	s2 =	sand.u32 $0x78, s2;
	s4 =	sand.u32 $0x1FFFF000, s20;
	[tilespmem:s13+$0x1000] =	vst v5  }
0x19b: {  	s22 =	simm.s32 $0x10000;
	s2 =	sor.u32 s7, s2;
	s4 =	sadd.s32 s5, s4;
	[tilespmem:s13+$0x1010] =	vst v3  }
0x19c: {  	[hbm4b:s4+s3] =	stream.linear.scatter [tilespmem:s22], [sflag:$0x7], $0x4000, $0x38;
	[tilespmem:$0x19000] =	vst v63  }
0x19d: {  	s2 =	sshll.u32 s2, $0x8;
	_ =	swait.ge [sflag:s23], $0x2000  }
0x19e: {  	s2 =	sand.u32 $0xFF800, s2;
	[sflag:s23] =	ssyncset.done $0x0  }
0x19f: {  	s2 =	sadd.s32 s1, s2;
	[sflag:s23] =	ssyncadd.s32 $0xFFFFE000  }
0x1a0: {  	[tilespmem:s15], [sflag:$0x3] =	stream.linear.gather [hbm4b:s2+s3], $0x2000, $0x38;
	[tilespmem:$0x19000] =	vst v63  }
0x1a1: {  	s2 =	simm.s32 @!p0 $0x8  }
0x1a2: {  	_ =	swait.ge @!p0 [sflag:s2], $0x4000  }
0x1a3: {  	[sflag:s2] =	ssyncset.done @!p0 $0x0  }
0x1a4: {  	s24 =	simm.s32 $0x6000;
	[sflag:s2] =	ssyncadd.s32 @!p0 $0xFFFFC000  }
0x1a5: {  	v6 =	vld [tilespmem:s24+$0x0];
	_ =	sdelay $0x1  }
0x1a6: {  	v7 =	vld [tilespmem:s24+$0x10];
	_ =	sdelay $0x1  }
0x1a7: {  	s25 =	simm.s32 $0x18020  }
0x1a8: {  	v4 =	vld [tilespmem:s25+$0xFFFFFFE0];
	v8 =	vperm.xlane v6, v1  }
0x1a9: {  	v3 =	vld [tilespmem:s25+$0xFFFFFFF0]  }
0x1aa: {  	v5 =	vld [tilespmem:s25+$0x0];
	v9 =	vperm.xlane v7, v1;
	v8 =	vmax.f32 v6, v8  }
0x1ab: {  	v6 =	vld [tilespmem:s25+$0x10];
	v10 =	vperm.xlane v8, v0  }
0x1ac: {  	v7 =	vmax.f32 v7, v9;
	v8 =	vperm.xlane v8, v2  }
0x1ad: {  	v9 =	vmul.f32 v10, v4;
	v10 =	vperm.xlane v7, v0  }
0x1ae: {  	s2 =	simm.s32 $0x16010;
	v8 =	vmul.f32 v8, v3;
	v7 =	vperm.xlane v7, v2  }
0x1af: {  	[tilespmem:s2+$0xFFFFDFF0] =	vst v9;
	v9 =	vmul.f32 v10, v5  }
0x1b0: {  	[tilespmem:s2+$0xFFFFE000] =	vst v8;
	v7 =	vmul.f32 v7, v6  }
0x1b1: {  	s26 =	simm.s32 $0x0;
	[tilespmem:s2+$0xFFFFE010] =	vst v9  }
0x1b2: {  	s28 =	sand.u32 $0x7E0, s26;
	[tilespmem:s2+$0xFFFFE020] =	vst v7  }
0x1b3: {  	v7 =	vld [tilespmem:s28+$0x6800]  }
0x1b4: {  	v8 =	vld [tilespmem:s24+$0x810]  }
0x1b5: {  	s8 =	simm.s32 $0x6020  }
0x1b6: {  	v10 =	vld [tilespmem:s8+$0x0];
	_ =	sdelay $0x1  }
0x1b7: {  	v9 =	vperm.xlane v7, v1  }
0x1b8: {  	v11 =	vld [tilespmem:s8+$0x10];
	v12 =	vperm.xlane v8, v1  }
0x1b9: {  	v7 =	vmax.f32 v7, v9  }
0x1ba: {  	s29 =	simm.s32 $0x18060;
	v13 =	vperm.xlane v10, v1;
	v12 =	vmax.f32 v8, v12;
	v14 =	vperm.xlane v7, v0  }
0x1bb: {  	v9 =	vld [tilespmem:s29+$0xFFFFFFE0];
	v16 =	vperm.xlane v7, v2;
	v17 =	vperm.xlane v12, v0  }
0x1bc: {  	v8 =	vld [tilespmem:s29+$0xFFFFFFF0];
	v12 =	vperm.xlane v12, v2;
	v14 =	vmul.f32 v14, v4  }
0x1bd: {  	s9 =	sand.u32 $0xFC0, s26;
	v15 =	vperm.xlane v11, v1;
	v13 =	vmax.f32 v10, v13;
	v7 =	vld [tilespmem:s29+$0x0];
	v16 =	vmul.f32 v16, v3  }
0x1be: {  	v10 =	vld [tilespmem:s29+$0x10];
	v18 =	vperm.xlane v13, v0;
	v12 =	vmul.f32 v12, v6;
	[tilespmem:s9+$0x15000] =	vst v14  }
0x1bf: {  	v11 =	vmax.f32 v11, v15;
	v13 =	vperm.xlane v13, v2;
	v14 =	vmul.f32 v17, v5;
	[tilespmem:s2+$0xFFFFF000] =	vst v16  }
0x1c0: {  	v15 =	vmul.f32 v18, v9;
	v16 =	vperm.xlane v11, v0;
	[tilespmem:s2+$0xFFFFF020] =	vst v12  }
0x1c1: {  	s4 =	simm.s32 $0x16050;
	v13 =	vmul.f32 v13, v8;
	v11 =	vperm.xlane v11, v2;
	[tilespmem:s2+$0xFFFFF010] =	vst v14  }
0x1c2: {  	[tilespmem:s4+$0xFFFFDFF0] =	vst v15;
	v12 =	vmul.f32 v16, v7  }
0x1c3: {  	s17 =	simm.s32 $0x6040;
	[tilespmem:s4+$0xFFFFE000] =	vst v13;
	v14 =	vld [tilespmem:s28+$0x7000];
	v11 =	vmul.f32 v11, v10  }
0x1c4: {  	s26 =	simm.s32 $0x20;
	v13 =	vld [tilespmem:s17+$0x0];
	[tilespmem:s4+$0xFFFFE010] =	vst v12  }
0x1c5: {  	s12 =	sand.u32 $0x7E0, s26;
	v12 =	vld [tilespmem:s24+$0x1010];
	[tilespmem:s4+$0xFFFFE020] =	vst v11  }
0x1c6: {  	v11 =	vld [tilespmem:s12+$0x6800]  }
0x1c7: {  	v16 =	vld [tilespmem:s8+$0x810]  }
0x1c8: {  	v15 =	vperm.xlane v14, v1;
	_ =	sdelay $0x1  }
0x1c9: {  	v17 =	vperm.xlane v13, v1;
	v14 =	vmax.f32 v14, v15;
	v15 =	vperm.xlane v12, v1  }
0x1ca: {  	v19 =	vld [tilespmem:s17+$0x10];
	v18 =	vperm.xlane v14, v0;
	v20 =	vperm.xlane v11, v1  }
0x1cb: {  	v14 =	vperm.xlane v14, v2;
	v21 =	vperm.xlane v16, v1;
	v12 =	vmax.f32 v12, v15  }
0x1cc: {  	v15 =	vmul.f32 v18, v4;
	v18 =	vperm.xlane v12, v0  }
0x1cd: {  	s18 =	simm.s32 $0x180A0;
	v14 =	vmul.f32 v14, v3;
	v12 =	vperm.xlane v12, v2;
	v20 =	vmax.f32 v11, v20  }
0x1ce: {  	v17 =	vmax.f32 v13, v17;
	v13 =	vld [tilespmem:s18+$0x10];
	v18 =	vmul.f32 v18, v5;
	[tilespmem:s9+$0x16000] =	vst v15;
	v15 =	vperm.xlane v20, v0  }
0x1cf: {  	v22 =	vperm.xlane v19, v1;
	v11 =	vld [tilespmem:s18+$0xFFFFFFE0];
	v12 =	vmul.f32 v12, v6;
	[tilespmem:s2+$0x0] =	vst v14  }
0x1d0: {  	s30 =	simm.s32 $0x40;
	v16 =	vmax.f32 v16, v21;
	v20 =	vperm.xlane v20, v2;
	v14 =	vld [tilespmem:s18+$0xFFFFFFF0];
	[tilespmem:s2+$0x10] =	vst v18;
	v15 =	vmul.f32 v15, v9  }
0x1d1: {  	s25 =	sand.u32 $0xFC0, s30;
	v18 =	vperm.xlane v16, v0;
	[tilespmem:s2+$0x20] =	vst v12;
	v16 =	vperm.xlane v16, v2;
	v12 =	vld [tilespmem:s18+$0x0]  }
0x1d2: {  	v21 =	vperm.xlane v17, v0;
	v20 =	vmul.f32 v20, v8;
	[tilespmem:s25+$0x15000] =	vst v15;
	v15 =	vld [tilespmem:s28+$0x7800]  }
0x1d3: {  	v23 =	vmul.f32 v18, v7;
	v24 =	vmul.f32 v16, v10;
	v16 =	vld [tilespmem:s24+$0x1810]  }
0x1d4: {  	v22 =	vmax.f32 v19, v22;
	v19 =	vperm.xlane v17, v2;
	[tilespmem:s4+$0xFFFFF000] =	vst v20  }
0x1d5: {  	s11 =	simm.s32 $0x16090;
	v17 =	vmul.f32 v21, v11;
	v18 =	vperm.xlane v22, v0;
	[tilespmem:s4+$0xFFFFF010] =	vst v23  }
0x1d6: {  	s20 =	simm.s32 $0x80;
	s13 =	simm.s32 $0x6040;
	s22 =	simm.s32 $0xC0;
	v20 =	vperm.xlane v22, v2;
	v19 =	vmul.f32 v19, v14;
	[tilespmem:s4+$0xFFFFF020] =	vst v24  }
.LBB2_9:
0x1d7: {  	p0 =	sne.s32 s22, $0xFC0;
	[tilespmem:s11+$0xFFFFDFF0] =	vst v17;
	v17 =	vmul.f32 v18, v12;
	v18 =	vld [tilespmem:s12+$0x7000];
	v21 =	vperm.xlane v15, v1  }
0x1d8: {  	[tilespmem:s11+$0xFFFFE000] =	vst v19;
	v19 =	vmul.f32 v20, v13;
	v20 =	vperm.xlane v16, v1  }
0x1d9: {  	s17 =	sadd.s32 $0x20, s17;
	s26 =	sadd.s32 $0x20, s26;
	[tilespmem:s11+$0xFFFFE010] =	vst v17;
	v17 =	vld [tilespmem:s8+$0x1010];
	v15 =	vmax.f32 v15, v21  }
0x1da: {  	s24 =	sand.u32 $0x7E0, s26;
	v21 =	vld [tilespmem:s17+$0x0];
	[tilespmem:s11+$0xFFFFE020] =	vst v19;
	v16 =	vmax.f32 v16, v20;
	v19 =	vperm.xlane v15, v0;
	v15 =	vperm.xlane v15, v2  }
0x1db: {  	v20 =	vld [tilespmem:s24+$0x6800];
	v22 =	vperm.xlane v16, v0;
	v16 =	vperm.xlane v16, v2  }
0x1dc: {  	v23 =	vperm.xlane v18, v1;
	v19 =	vmul.f32 v19, v4;
	v4 =	vmovc v9;
	v9 =	vmov v11  }
0x1dd: {  	v11 =	vmul.f32 v15, v3;
	v3 =	vmovc v8;
	v8 =	vmovc v14;
	v15 =	vmul.f32 v16, v6;
	v6 =	vmov v10  }
0x1de: {  	v16 =	vld [tilespmem:s13+$0x810];
	v10 =	vmax.f32 v18, v23;
	v14 =	vperm.xlane v17, v1;
	[tilespmem:s9+$0x17000] =	vst v19;
	v18 =	vmul.f32 v22, v5;
	s9 =	smov.u32 s25  }
0x1df: {  	v5 =	vmovc v7;
	v7 =	vmov v12;
	v19 =	vperm.xlane v21, v1;
	v22 =	vperm.xlane v10, v0;
	[tilespmem:s2+$0x1020] =	vst v15  }
0x1e0: {  	v15 =	vperm.xlane v10, v2;
	v23 =	vld [tilespmem:s17+$0x10];
	v12 =	vperm.xlane v20, v1;
	v14 =	vmax.f32 v17, v14;
	[tilespmem:s2+$0x1000] =	vst v11  }
0x1e1: {  	v17 =	vmul.f32 v22, v4;
	v22 =	vperm.xlane v14, v0;
	[tilespmem:s2+$0x1010] =	vst v18;
	v10 =	vmov v13;
	s2 =	smov.u32 s4;
	s4 =	smov.u32 s11  }
0x1e2: {  	s18 =	sadd.s32 $0x40, s18;
	v13 =	vmul.f32 v15, v3;
	v15 =	vperm.xlane v14, v2  }
0x1e3: {  	v18 =	vmax.f32 v20, v12;
	v11 =	vld [tilespmem:s18+$0xFFFFFFE0];
	v20 =	vperm.xlane v16, v1;
	[tilespmem:s9+$0x16000] =	vst v17;
	v17 =	vmul.f32 v22, v5  }
0x1e4: {  	v22 =	vperm.xlane v18, v0;
	v15 =	vmul.f32 v15, v6;
	v14 =	vld [tilespmem:s18+$0xFFFFFFF0];
	[tilespmem:s2+$0x0] =	vst v13  }
0x1e5: {  	v18 =	vperm.xlane v18, v2;
	v12 =	vld [tilespmem:s18+$0x0];
	v24 =	vperm.xlane v23, v1;
	v16 =	vmax.f32 v16, v20;
	[tilespmem:s2+$0x10] =	vst v17  }
0x1e6: {  	v17 =	vmul.f32 v22, v9;
	v13 =	vld [tilespmem:s18+$0x10];
	v20 =	vperm.xlane v16, v0;
	[tilespmem:s2+$0x20] =	vst v15  }
.Ltmp3:
0x1e7: {  	s25 =	sand.u32 $0xFC0, s20;
	v19 =	vmax.f32 v21, v19;
	v18 =	vmul.f32 v18, v8;
	v21 =	vperm.xlane v16, v2;
	v15 =	vld [tilespmem:s12+$0x7800];
	s12 =	smov.u32 s24;
	(pc) =	sbr.rel @p0 .LBB2_9-.Ltmp3, $4  }
0x1e8: {  	s20 =	smov.u32 s22;
	v22 =	vperm.xlane v19, v0;
	[tilespmem:s25+$0x15000] =	vst v17;
	v20 =	vmul.f32 v20, v7;
	v16 =	vld [tilespmem:s8+$0x1810];
	s8 =	smov.u32 s13;
	s13 =	smov.u32 s17  }
0x1e9: {  	v19 =	vperm.xlane v19, v2;
	v23 =	vmax.f32 v23, v24;
	v21 =	vmul.f32 v21, v10;
	[tilespmem:s11+$0xFFFFF000] =	vst v18  }
0x1ea: {  	v17 =	vmul.f32 v22, v11;
	v18 =	vperm.xlane v23, v0;
	[tilespmem:s11+$0xFFFFF010] =	vst v20  }
0x1eb: {  	s22 =	sadd.s32 $0x40, s22;
	v19 =	vmul.f32 v19, v14;
	v20 =	vperm.xlane v23, v2;
	s11 =	sadd.s32 $0x40, s11;
	[tilespmem:s4+$0xFFFFF020] =	vst v21  }
0x1ec: {  	[tilespmem:s11+$0xFFFFDFF0] =	vst v17;
	v58 =	vmul.f32 v18, v12  }
0x1ed: {  	[tilespmem:s11+$0xFFFFE000] =	vst v19;
	v59 =	vmul.f32 v20, v13  }
0x1ee: {  	s17 =	sadd.s32 $0x20, s26;
	[tilespmem:s11+$0xFFFFE010] =	vst v58  }
0x1ef: {  	s18 =	sand.u32 $0x7E0, s17;
	[tilespmem:s11+$0xFFFFE020] =	vst v59  }
0x1f0: {  	v17 =	vld [tilespmem:s18+$0x6800];
	_ =	sdelay $0x1  }
0x1f1: {  	v18 =	vld [tilespmem:s13+$0x810];
	_ =	sdelay $0x2  }
0x1f2: {  	v60 =	vperm.xlane v17, v1;
	_ =	sdelay $0x1  }
0x1f3: {  	v61 =	vperm.xlane v18, v1;
	v17 =	vmax.f32 v17, v60  }
0x1f4: {  	v62 =	vperm.xlane v17, v0  }
0x1f5: {  	v18 =	vmax.f32 v18, v61;
	v17 =	vperm.xlane v17, v2  }
0x1f6: {  	v24 =	vperm.xlane v18, v0;
	v63 =	vmul.f32 v62, v11  }
0x1f7: {  	v21 =	vld [tilespmem:s12+$0x7000];
	s29 =	sand.u32 $0xFC0, s20;
	v18 =	vperm.xlane v18, v2;
	v17 =	vmul.f32 v17, v14  }
0x1f8: {  	v27 =	vld [tilespmem:s8+$0x1010];
	v25 =	vmul.f32 v24, v12;
	[tilespmem:s29+$0x15000] =	vst v63  }
0x1f9: {  	v26 =	vmul.f32 v18, v13;
	[tilespmem:s11+$0xFFFFF000] =	vst v17  }
0x1fa: {  	[tilespmem:s11+$0xFFFFF010] =	vst v25  }
0x1fb: {  	[tilespmem:s11+$0xFFFFF020] =	vst v26  }
0x1fc: {  	v19 =	vld [tilespmem:s18+$0x7000]  }
0x1fd: {  	v28 =	vperm.xlane v21, v1;
	v30 =	vperm.xlane v27, v1  }
0x1fe: {  	v29 =	vld [tilespmem:s13+$0x1010]  }
0x1ff: {  	v44 =	vperm.xlane v16, v1;
	v18 =	vmax.f32 v27, v30;
	v17 =	vmax.f32 v21, v28  }
0x200: {  	v23 =	vperm.xlane v18, v0;
	v22 =	vperm.xlane v17, v0  }
0x201: {  	v17 =	vperm.xlane v17, v2;
	v32 =	vperm.xlane v19, v1  }
0x202: {  	v18 =	vperm.xlane v18, v2;
	v31 =	vmul.f32 v22, v9  }
0x203: {  	v17 =	vmul.f32 v17, v8;
	v33 =	vperm.xlane v29, v1;
	v19 =	vmax.f32 v19, v32  }
0x204: {  	v34 =	vmul.f32 v23, v7;
	[tilespmem:s25+$0x16000] =	vst v31;
	v35 =	vperm.xlane v19, v0  }
0x205: {  	v36 =	vmul.f32 v18, v10;
	[tilespmem:s4+$0x0] =	vst v17;
	v37 =	vmax.f32 v29, v33;
	v19 =	vperm.xlane v19, v2  }
0x206: {  	[tilespmem:s4+$0x10] =	vst v34;
	v39 =	vperm.xlane v37, v0;
	v38 =	vmul.f32 v35, v11  }
0x207: {  	[tilespmem:s4+$0x20] =	vst v36;
	v18 =	vperm.xlane v37, v2;
	v40 =	vmul.f32 v19, v14  }
0x208: {  	v42 =	vld [tilespmem:s12+$0x7800];
	v43 =	vmul.f32 v39, v12;
	[tilespmem:s29+$0x16000] =	vst v38  }
0x209: {  	v41 =	vperm.xlane v15, v1;
	v16 =	vmax.f32 v16, v44;
	v45 =	vld [tilespmem:s8+$0x1810];
	v18 =	vmul.f32 v18, v13;
	[tilespmem:s11+$0x0] =	vst v40  }
0x20a: {  	v46 =	vperm.xlane v16, v0;
	v16 =	vperm.xlane v16, v2;
	[tilespmem:s11+$0x10] =	vst v43  }
0x20b: {  	v15 =	vmax.f32 v15, v41;
	[tilespmem:s11+$0x20] =	vst v18  }
0x20c: {  	v6 =	vmul.f32 v16, v6;
	v19 =	vperm.xlane v15, v0;
	v20 =	vld [tilespmem:s18+$0x7800]  }
0x20d: {  	v15 =	vperm.xlane v15, v2;
	v47 =	vperm.xlane v42, v1;
	v48 =	vld [tilespmem:s13+$0x1810]  }
0x20e: {  	v49 =	vperm.xlane v45, v1;
	v4 =	vmul.f32 v19, v4  }
0x20f: {  	v5 =	vmul.f32 v46, v5;
	v3 =	vmul.f32 v15, v3;
	v50 =	vmax.f32 v42, v47  }
0x210: {  	v51 =	vmax.f32 v45, v49;
	[tilespmem:s9+$0x17000] =	vst v4;
	v52 =	vperm.xlane v50, v0;
	v16 =	vperm.xlane v50, v2  }
0x211: {  	v53 =	vperm.xlane v51, v2;
	[tilespmem:s2+$0x1020] =	vst v6;
	v54 =	vperm.xlane v20, v1  }
0x212: {  	[tilespmem:s2+$0x1000] =	vst v3;
	v3 =	vmul.f32 v52, v9;
	v55 =	vperm.xlane v48, v1  }
0x213: {  	v4 =	vperm.xlane v51, v0;
	[tilespmem:s2+$0x1010] =	vst v5;
	v56 =	vmul.f32 v53, v10;
	v57 =	vmax.f32 v20, v54  }
0x214: {  	v58 =	vmul.f32 v16, v8;
	[tilespmem:s25+$0x17000] =	vst v3;
	v3 =	vmax.f32 v48, v55;
	v59 =	vperm.xlane v57, v0  }
0x215: {  	v4 =	vmul.f32 v4, v7;
	[tilespmem:s4+$0x1020] =	vst v56;
	v60 =	vperm.xlane v3, v2  }
0x216: {  	s31 =	sadd.s32 $0x1, s31;
	[tilespmem:s4+$0x1000] =	vst v58;
	v6 =	vperm.xlane v57, v2;
	v61 =	vmul.f32 v59, v11  }
0x217: {  	p0 =	sne.s32 s31, $0x8;
	[tilespmem:s4+$0x1010] =	vst v4;
	v3 =	vperm.xlane v3, v0;
	v62 =	vmul.f32 v60, v13  }
.Ltmp4:
0x218: {  	v63 =	vmul.f32 v6, v14;
	[tilespmem:s29+$0x17000] =	vst v61;
	(pc) =	sbr.rel @p0 .LBB2_2-.Ltmp4, $4  }
0x219: {  	v3 =	vmul.f32 v3, v12;
	[tilespmem:s11+$0x1020] =	vst v62  }
0x21a: {  	s0 =	sshll.u32 s0, $0xB;
	[tilespmem:s11+$0x1000] =	vst v63  }
0x21b: {  	s30 =	simm.s32 $0x14000;
	s0 =	sadd.s32 s0, s10;
	[tilespmem:s11+$0x1010] =	vst v3  }
0x21c: {  	[hbm4b:s0+s3] =	stream.linear.scatter [tilespmem:s30], [sflag:$0x8], $0x4000, $0x38;
	[tilespmem:$0x19000] =	vst v63  }
0x21d: {  	_ =	swait.ge [sflag:s16], $0x2000  }
0x21e: {  	[sflag:s16] =	ssyncset.done $0x0  }
0x21f: {  	[sflag:s16] =	ssyncadd.s32 $0xFFFFE000  }
0x220: {  	_ =	swait.ge [sflag:s19], $0x2000  }
0x221: {  	[sflag:s19] =	ssyncset.done $0x0  }
0x222: {  	[sflag:s19] =	ssyncadd.s32 $0xFFFFE000  }
0x223: {  	_ =	swait.ge [sflag:s21], $0x2000  }
0x224: {  	[sflag:s21] =	ssyncset.done $0x0  }
0x225: {  	s0 =	simm.s32 $0x5;
	[sflag:s21] =	ssyncadd.s32 $0xFFFFE000  }
0x226: {  	_ =	swait.ge [sflag:s0], $0x4000  }
0x227: {  	[sflag:s0] =	ssyncset.done $0x0  }
0x228: {  	s29 =	simm.s32 $0x6;
	[sflag:s0] =	ssyncadd.s32 $0xFFFFC000  }
0x229: {  	_ =	swait.ge [sflag:s29], $0x4000  }
0x22a: {  	[sflag:s29] =	ssyncset.done $0x0  }
0x22b: {  	s30 =	simm.s32 $0x7;
	[sflag:s29] =	ssyncadd.s32 $0xFFFFC000  }
0x22c: {  	_ =	swait.ge [sflag:s30], $0x4000  }
0x22d: {  	[sflag:s30] =	ssyncset.done $0x0  }
0x22e: {  	s2 =	simm.s32 $0x8;
	[sflag:s30] =	ssyncadd.s32 $0xFFFFC000  }
0x22f: {  	_ =	swait.ge [sflag:s2], $0x4000  }
0x230: {  	s4 =	rddreg [dreg:$0x7]  }
0x231: {  	s31 =	rddreg [dreg:$0x6];
	s4 =	sadd.s32 $0x1, s4  }
0x232: {  	p0 =	sne.s32 s4, s31  }
.Ltmp5:
0x233: {  	_ = 	snop;
	(pc) =	sbr.rel @p0 .LBB2_1-.Ltmp5, $3  }
0x234: {  	_ =	sdelay $0x1  }
0x235: {  	[sflag:s2] =	ssyncset.done $0x0  }
0x236: {  	[sflag:s2] =	ssyncadd.s32 $0xFFFFC000  }
0x237: {  	_ =	sfence.sel $0x180000  }
0x238: {  	[bflag:$0x0] =	sbarrier.arrive $0xFFFF  }
0x239: {  	_ =	strace $0x9000004A  }
0x23a: {  	s0 =	stileid.u32;
	[bflag:$0x2] =	sbarrier.arrive $0xFFFF  }
0x23b: {  	p0 =	sne.s32 s0, $0x0;
	s0 =	rddreg [dreg:$0x2]  }
0x23c: {  	s0 =	sadd.s32 @!p0 $0x100000, s0  }
0x23d: {  	[sflag:s0] =	ssyncadd.tile.s32 @!p0 $0x1;
	_ =	shalt  }
.Lfunc_end2:
_tile_overlayer_lowered:
.L_overlay_start_2:
0x23e: {  	(tag) =	ssettag $0x2  }
0x23f: {  	s0 =	rddreg [dreg:$0x0];
	s2 =	stileid.u32  }
0x240: {  	s1 =	rddreg [dreg:$0x1];
	p0 =	sne.s32 s2, $0x0  }
0x241: {  	s3 =	rddreg [dreg:$0x2];
	[bflag:$0x3] =	sbarrier.arrive $0xFFFF;
	s2 =	simm.s32 @!p0 $0x1C09  }
0x242: {  	[timem:s3], [sflag:s2] =	dma.local @!p0 [hbm:s0], s1  }
0x243: {  	s0 =	simm.s32 @!p0 $0x9  }
0x244: {  	_ =	swait.ge @!p0 [sflag:s0], s1  }
0x245: {  	s1 =	ssub.s32 @!p0 $0x0, s1;
	[sflag:s0] =	ssyncset.done @!p0 $0x0  }
0x246: {  	[sflag:s0] =	ssyncadd.s32 @!p0 s1  }
0x247: {  	[bflag:$0x3] =	sbarrier.arrive $0xFFFF  }
0x248: {  	_ =	shalt  }

// kernel: sparse-core-data-format-call.cloned.1.call-start
scs
called_computation_lowered:
.L_overlay_start_0:
0x0: {  	s2 =	sld [smem:$0x3FD9]  }
0x1: {  	s3 =	sld [smem:$0x3FFE];
	_ =	sdelay $0x1  }
0x2: {  	s1 =	srdreg.scid  }
0x3: {  	s0 =	sand.u32 $0x1, s1  }
0x4: {  	s19 =	sshll.u32 s0, $0xA;
	s2 =	sadd.s32 s3, s2  }
0x5: {  	s2 =	sadd.s32 s2, s19  }
0x6: {  	[smem:$0x3FC6] =	sst s2  }
0x7: {  	_ = 	snop  }
0x8: {  	s2 =	sld [smem:$0x3FC9]  }
0x9: {  	s20 =	sld [smem:$0x3FD0];
	(tm) =	ssettm $0x1  }
0xa: {  	s4 =	sld [smem:$0x3FFB];
	_ =	sdelay $0x3  }
0xb: {  	_ =	strace s4  }
0xc: {  	s4 =	sld [smem:$0x3FFC];
	_ =	sdelay $0x3  }
0xd: {  	_ =	strace s4  }
0xe: {  	s4 =	sld [smem:$0x3FFD];
	_ =	sdelay $0x3  }
0xf: {  	_ =	strace s4  }
0x10: {  	_ =	strace $0x8FFFFFFF  }
0x11: {  	s21 =	sld [smem:$0x3FDB];
	_ =	sdelay $0x1  }
0x12: {  	s5 =	simm.s32 $_scs_section_size  }
0x13: {  	s6 =	simm.s32 $_size__tile_overlayer_lowered;
	s7 =	simm.s32 $_tile_overlayer_lowered  }
0x14: {  	s24 =	simm.s32 $0x1BFF;
	s23 =	sshll.u32 s7, $0x1;
	s4 =	sadd.s32 s5, s21  }
0x15: {  	s8 =	simm.s32 $0x0;
	s22 =	sshll.u32 s6, $0x1;
	s6 =	sadd.s32 s23, s4  }
0x16: {  	[timem:s8], [sflag:s24] =	dma.local [hbm:s6], s22  }
0x17: {  	_ =	swait.ge [sflag:s24], s22  }
0x18: {  	s5 =	ssub.s32 $0x0, s22;
	[sflag:s24] =	ssyncset.done $0x0  }
0x19: {  	[sflag:s24] =	ssyncadd.s32 s5;
	_ =	sdelay $0x1  }
0x1a: {  	s25 =	simm.s32 $0x1B8B  }
0x1b: {  	_ =	swait.ge [sflag:s25], $0x1  }
0x1c: {  	[sflag:s25] =	ssyncset.done $0x0  }
0x1d: {  	s26 =	simm.s32 $0x1B8E;
	[sflag:s25] =	ssyncadd.s32 $0xFFFFFFFF  }
0x1e: {  	s27 =	simm.s32 $execute0_lowered;
	[smem:$0x3FD2] =	sst s26  }
0x1f: {  	s5 =	sshll.u32 s27, $0x1;
	_ =	strace $0x80000046;
	[dreg:$0x1] =	wrdreg $0xFFFFFFFF  }
0x20: {  	s28 =	simm.s32 $_size_execute0_lowered;
	s4 =	sadd.s32 s4, s5;
	[dreg:$0x0] =	wrdreg $0x0  }
0x21: {  	s5 =	sshll.u32 s28, $0x1;
	[dreg:$0x2] =	wrdreg s4  }
0x22: {  	[dreg:$0x3] =	wrdreg s5  }
0x23: {  	[dreg:$0x4] =	wrdreg $0xC0  }
0x24: {  	_ =	task [dreg:s8], $0x5FFFF  }
0x25: {  	[dreg:$0x1] =	wrdreg $0xFFFFFFFF  }
0x26: {  	[dreg:$0x0] =	wrdreg $0x60  }
0x27: {  	[dreg:$0x2] =	wrdreg s2  }
0x28: {  	[dreg:$0x3] =	wrdreg s20  }
0x29: {  	[dreg:$0x4] =	wrdreg $0x9  }
0x2a: {  	_ =	task.clear_ibuf [dreg:s8], $0x5FFFF;
	_ =	strace $0x90000046  }
0x2b: {  	s29 =	simm.s32 $0x9;
	_ =	strace $0x80000048  }
0x2c: {  	_ =	swait.ge [sflag:s29], $0x1  }
0x2d: {  	[sflag:s29] =	ssyncadd.s32 $0xFFFFFFFF  }
0x2e: {  	_ =	strace $0x90000048  }
0x2f: {  	_ =	sfence  }
0x30: {  	s30 =	sld [smem:$0x0];
	_ =	sdelay $0x2  }
0x31: {  	s31 =	sshll.u32 s1, $0xD;
	s1 =	sshrl.u32 s1, $0x2  }
0x32: {  	s3 =	sand.u32 $0x4000, s31;
	s1 =	sadd.s32 s1, s30  }
0x33: {  	s0 =	sor.u32 s3, s0;
	s1 =	sshll.u32 s1, $0x11  }
0x34: {  	s0 =	sor.u32 s1, s0  }
0x35: {  	s0 =	sadd.s32 $0x8F2B, s0  }
0x36: {  	[sflag:s0] =	ssyncadd.remote.s32 $0x1  }
0x37: {  	_ =	sfence.sel $0xFFFF  }
0x38: {  	[dreg:$0x0] =	wrdreg $0xFFFFFFFF;
	(pc) =	sbr.abs _section_cstart, $3  }
0x39: {  	[dreg:$0x1] =	wrdreg $0xFFFFFFFF  }
0x3a: {  	_ =	task.clear_ibuf [dreg:s8], $0x2FFFF;
	_ =	strace $0x9FFFFFFF  }
0x3b: {  	(tm) =	ssettm $0x7FFFFFFF  }
tec
execute0_lowered:
.L_overlay_start_1:
0x0: {  	(tag) =	ssettag $0x1  }
0x1: {  	s2 =	rddreg [dreg:$0x0]  }
0x2: {  	s3 =	rddreg [dreg:$0x1]  }
0x3: {  	s0 =	rddreg [dreg:$0x2];
	s4 =	srdreg.scid  }
.Ltmp0:
0x4: {  	_ =	strace $0x80000047;
	s1 =	stileid.u32;
	(pc) =	sbr.rel .LBB1_1-.Ltmp0, $4  }
0x5: {  	s6 =	simm.s32 $0x2;
	p0 =	por $0x0, $0x0;
	s5 =	sshll.u32 s4, $0x4  }
0x6: {  	s9 =	simm.s32 $0x0;
	s4 =	simm.s32 $0x1;
	s5 =	sand.u32 $0x10, s5  }
0x7: {  	s7 =	simm.s32 $0x0;
	[sflag:s4] =	ssyncpa.u1 $0x0;
	s5 =	sor.u32 s1, s5  }
0x8: {  	[sflag:s6] =	ssyncpa.u1 $0x0;
	s6 =	simm.s32 $0x0;
	s8 =	smov.u32 s5  }
.LBB1_7:
0x9: {  	s11 =	sadd.s32 $0x20, s8  }
0xa: {  	p1 =	slt.u32 s7, $0x2;
	s7 =	sadd.s32 $0x1, s7;
	p2 =	sgt.s32 s11, $0x1FF  }
0xb: {  	s11 =	smov.u32 @p2 s5;
	p2 =	sne.s32 s7, $0x12  }
.Ltmp1:
0xc: {  	_ = 	snop;
	(pc) =	sbr.rel @!p2 .LBB1_8-.Ltmp1, $4  }
0xd: {  	s10 =	simm.s32 @!p1 $0x2  }
0xe: {  	_ =	swait.ge @!p1 [sflag:s10], $0x4000  }
0xf: {  	s9 =	smov.u32 s8;
	[sflag:s10] =	ssyncset.done @!p1 $0x0  }
0x10: {  	p0 =	por !p0, !p0;
	s8 =	smov.u32 s11;
	[sflag:s10] =	ssyncadd.s32 @!p1 $0xFFFFC000  }
.LBB1_1:
0x11: {  	p1 =	sgt.u32 s7, $0xF  }
0x12: {  	s10 =	sxor.u32 @!p1 $0xFFFFFFFF, s7  }
0x13: {  	s11 =	sshll.u32 @!p1 s8, $0xB;
	s10 =	sshll.u32 @!p1 s10, $0xE  }
0x14: {  	s12 =	simm.s32 @!p1 $0x0;
	s11 =	sadd.s32 @!p1 s2, s11;
	s10 =	sand.u32 @!p1 $0x4000, s10  }
0x15: {  	[tilespmem:s10], [sflag:$0x1] =	stream.linear.gather @!p1 [hbm4b:s11+s12], $0x4000, $0x38;
	[tilespmem:$0x10000] =	vst v63  }
0x16: {  	p1 =	seq.s32 s7, $0x0  }
0x17: {  	p2 =	seq.s32 @!p1 s7, $0x11  }
0x18: {  	p1 =	por p1, p2  }
.Ltmp2:
0x19: {  	_ = 	snop;
	(pc) =	sbr.rel @p1 .LBB1_7-.Ltmp2, $1  }
0x1a: {  	_ =	sdelay $0x3  }
0x1b: {  	s10 =	simm.s32 $0x1;
	_ =	swait.ge [sflag:s4], $0x4000;
	s12 =	sshll.u32 s7, $0xE  }
0x1c: {  	s13 =	simm.s32 $0x0;
	s10 =	simm.s32 @!p0 $0x0;
	[sflag:s4] =	ssyncset.done $0x0  }
0x1d: {  	s12 =	sand.u32 $0x4000, s12;
	s11 =	sshll.u32 s10, $0xE;
	[sflag:s4] =	ssyncadd.s32 $0xFFFFC000  }
0x1e: {  	s12 =	sor.u32 $0x8000, s12;
	s10 =	sor.u32 $0x8040, s11;
	s11 =	sor.u32 $0x40, s11  }
.LBB1_3:
0x1f: {  	v0 =	vmov s11;
	_ =	sdelay $0x3  }
0x20: {  	s15 =	simm.s32 $0x0  }
0x21: {  	v6 =	vld.idx.msk [tilespmem:v0+s15+$0x30 ss:$0x1], $0xffff  }
0x22: {  	v7 =	vld.idx.msk [tilespmem:v0+s15+$0xFFFFFFC0 ss:$0x1], $0xffff  }
0x23: {  	v5 =	vld.idx.msk [tilespmem:v0+s15+$0xFFFFFFD0 ss:$0x1], $0xffff  }
0x24: {  	v4 =	vld.idx.msk [tilespmem:v0+s15+$0xFFFFFFE0 ss:$0x1], $0xffff  }
0x25: {  	v3 =	vld.idx.msk [tilespmem:v0+s15+$0xFFFFFFF0 ss:$0x1], $0xffff  }
0x26: {  	v1 =	vld.idx.msk [tilespmem:v0+s15+$0x0 ss:$0x1], $0xffff  }
0x27: {  	v2 =	vld.idx.msk [tilespmem:v0+s15+$0x10 ss:$0x1], $0xffff;
	[tilespmem:s10+$0x30] =	vst v6  }
0x28: {  	s14 =	simm.s32 $0x80;
	s16 =	simm.s32 $0x400;
	[tilespmem:s10+$0xFFFFFFC0] =	vst v7;
	v6 =	vld.idx.msk [tilespmem:v0+s15+$0x20 ss:$0x1], $0xffff;
	s15 =	smov.u32 s10  }
.LBB1_4:
0x29: {  	p1 =	sne.s32 s16, $0xE00;
	v7 =	vld.idx.msk [tilespmem:v0+s14+$0x30 ss:$0x1], $0xffff;
	[tilespmem:s15+$0xFFFFFFD0] =	vst v5  }
0x2a: {  	v8 =	vld.idx.msk [tilespmem:v0+s14+$0xFFFFFFC0 ss:$0x1], $0xffff;
	[tilespmem:s15+$0xFFFFFFE0] =	vst v4  }
0x2b: {  	v5 =	vld.idx.msk [tilespmem:v0+s14+$0xFFFFFFD0 ss:$0x1], $0xffff;
	[tilespmem:s15+$0xFFFFFFF0] =	vst v3  }
.Ltmp3:
0x2c: {  	v4 =	vld.idx.msk [tilespmem:v0+s14+$0xFFFFFFE0 ss:$0x1], $0xffff;
	[tilespmem:s15+$0x0] =	vst v1;
	(pc) =	sbr.rel @p1 .LBB1_4-.Ltmp3, $4  }
0x2d: {  	v3 =	vld.idx.msk [tilespmem:v0+s14+$0xFFFFFFF0 ss:$0x1], $0xffff;
	[tilespmem:s15+$0x10] =	vst v2  }
0x2e: {  	v1 =	vld.idx.msk [tilespmem:v0+s14+$0x0 ss:$0x1], $0xffff;
	[tilespmem:s15+$0x20] =	vst v6;
	s15 =	sadd.s32 $0x800, s15  }
0x2f: {  	v2 =	vld.idx.msk [tilespmem:v0+s14+$0x10 ss:$0x1], $0xffff;
	[tilespmem:s15+$0x30] =	vst v7  }
0x30: {  	[tilespmem:s15+$0xFFFFFFC0] =	vst v8;
	v6 =	vld.idx.msk [tilespmem:v0+s14+$0x20 ss:$0x1], $0xffff;
	s14 =	sshra.s32 s16, $0x2;
	s16 =	sadd.s32 $0x200, s16  }
0x31: {  	_ =	sdelay $0x2  }
0x32: {  	[tilespmem:s15+$0xFFFFFFD0] =	vst v5  }
0x33: {  	v56 =	vld.idx.msk [tilespmem:v0+s14+$0x30 ss:$0x1], $0xffff;
	[tilespmem:s15+$0xFFFFFFE0] =	vst v4  }
0x34: {  	v57 =	vld.idx.msk [tilespmem:v0+s14+$0xFFFFFFC0 ss:$0x1], $0xffff;
	[tilespmem:s15+$0xFFFFFFF0] =	vst v3  }
0x35: {  	v58 =	vld.idx.msk [tilespmem:v0+s14+$0xFFFFFFD0 ss:$0x1], $0xffff;
	[tilespmem:s15+$0x0] =	vst v1  }
0x36: {  	v59 =	vld.idx.msk [tilespmem:v0+s14+$0xFFFFFFE0 ss:$0x1], $0xffff;
	[tilespmem:s15+$0x10] =	vst v2  }
0x37: {  	v60 =	vld.idx.msk [tilespmem:v0+s14+$0xFFFFFFF0 ss:$0x1], $0xffff;
	s31 =	sadd.s32 $0x800, s15;
	[tilespmem:s15+$0x20] =	vst v6  }
0x38: {  	v61 =	vld.idx.msk [tilespmem:v0+s14+$0x0 ss:$0x1], $0xffff;
	[tilespmem:s31+$0x30] =	vst v56  }
0x39: {  	v62 =	vld.idx.msk [tilespmem:v0+s14+$0x10 ss:$0x1], $0xffff;
	s13 =	sadd.s32 $0x1, s13;
	[tilespmem:s31+$0xFFFFFFC0] =	vst v57  }
0x3a: {  	v63 =	vld.idx.msk [tilespmem:v0+s14+$0x20 ss:$0x1], $0xffff;
	p1 =	sne.s32 s13, $0x10;
	[tilespmem:s31+$0xFFFFFFD0] =	vst v58  }
.Ltmp4:
0x3b: {  	[tilespmem:s31+$0xFFFFFFE0] =	vst v59;
	(pc) =	sbr.rel @p1 .LBB1_3-.Ltmp4, $4  }
0x3c: {  	[tilespmem:s31+$0xFFFFFFF0] =	vst v60  }
0x3d: {  	[tilespmem:s31+$0x0] =	vst v61  }
0x3e: {  	[tilespmem:s31+$0x10] =	vst v62  }
0x3f: {  	s10 =	sadd.s32 $0x80, s10;
	s11 =	sadd.s32 $0x400, s11;
	[tilespmem:s31+$0x20] =	vst v63  }
.Ltmp5:
0x40: {  	(pc) =	sbr.rel .LBB1_7-.Ltmp5, $4  }
0x41: {  	_ = 	snop  }
0x42: {  	s9 =	sshll.u32 s9, $0xB  }
0x43: {  	s9 =	sadd.s32 s3, s9  }
0x44: {  	[hbm4b:s9+s6] =	stream.linear.scatter [tilespmem:s12], [sflag:$0x2], $0x4000, $0x38;
	[tilespmem:$0x10000] =	vst v63  }
.LBB1_8:
0x45: {  	_ =	sfence.sel $0x180000  }
0x46: {  	s2 =	simm.s32 $0x1;
	[bflag:$0x0] =	sbarrier.arrive $0xFFFF  }
0x47: {  	s31 =	simm.s32 $0x2;
	[sflag:s2] =	ssyncpa.u1 $0x1  }
0x48: {  	[sflag:s31] =	ssyncpa.u1 $0x1  }
0x49: {  	p0 =	sne.s32 s1, $0x0;
	_ =	strace $0x90000047  }
0x4a: {  	s0 =	sadd.s32 @!p0 $0x100000, s0;
	[bflag:$0x2] =	sbarrier.arrive $0xFFFF  }
0x4b: {  	[sflag:s0] =	ssyncadd.tile.s32 @!p0 $0x1;
	_ =	shalt  }
.Lfunc_end1:
_tile_overlayer_lowered:
.L_overlay_start_2:
0x4c: {  	(tag) =	ssettag $0x2  }
0x4d: {  	s0 =	rddreg [dreg:$0x0];
	s2 =	stileid.u32  }
0x4e: {  	s1 =	rddreg [dreg:$0x1];
	p0 =	sne.s32 s2, $0x0  }
0x4f: {  	s3 =	rddreg [dreg:$0x2];
	[bflag:$0x3] =	sbarrier.arrive $0xFFFF;
	s2 =	simm.s32 @!p0 $0x1C01  }
0x50: {  	[timem:s3], [sflag:s2] =	dma.local @!p0 [hbm:s0], s1  }
0x51: {  	s0 =	simm.s32 @!p0 $0x1  }
0x52: {  	_ =	swait.ge @!p0 [sflag:s0], s1  }
0x53: {  	s1 =	ssub.s32 @!p0 $0x0, s1;
	[sflag:s0] =	ssyncset.done @!p0 $0x0  }
0x54: {  	[sflag:s0] =	ssyncadd.s32 @!p0 s1  }
0x55: {  	[bflag:$0x3] =	sbarrier.arrive $0xFFFF  }
0x56: {  	_ =	shalt  }

</sc_bundles>
